<compile_context>
chip_gen: v7x
topology: tpu7x:2x2x1
jax: 0.10.2.dev20260603
libtpu: 0.0.44.dev20260713+nightly
codegen_flags: <defaults>
</compile_context>

<pallas_src>
import functools

import jax
import jax.numpy as jnp
from jax import lax
from jax.experimental import pallas as pl
from jax.experimental.pallas import tpu as pltpu
from jax.experimental.pallas import tpu_sc as plsc

D = 2048
BJ = 256
NJ = D // BJ
NBUF = 6
L = 16


def _route_sc(x_hbm, wgr_hbm, bgr_hbm, wgi_hbm, bgi_hbm,
              idx_out, x_v, wg_v, bg_v, iout_v):
    is_t0 = ((lax.axis_index("c") == 0) & (lax.axis_index("s") == 0))

    @pl.when(is_t0)
    def _():
        pltpu.sync_copy(x_hbm, x_v)
        lanes = lax.iota(jnp.int32, L)
        dnums = lax.GatherDimensionNumbers(
            offset_dims=(), collapsed_slice_dims=(0,), start_index_map=(0,))

        def shuffle(v, perm):
            return lax.gather(v, perm[:, None], dnums, (1,),
                              mode=lax.GatherScatterMode.PROMISE_IN_BOUNDS)

        def allsum(v):
            for sh in (1, 2, 4, 8):
                v = v + shuffle(v, jnp.bitwise_xor(lanes, sh))
            return v

        def branch(wg_hbm, bg_hbm):
            pltpu.sync_copy(wg_hbm, wg_v)
            pltpu.sync_copy(bg_hbm, bg_v)

            def body(i, accs):
                xv = x_v[pl.ds(i * L, L)]
                return tuple(
                    accs[e] + xv * wg_v[e, pl.ds(i * L, L)]
                    for e in range(4))

            z = jnp.zeros((L,), jnp.float32)
            accs = lax.fori_loop(0, D // L, body, (z, z, z, z))
            bgv = bg_v[...]
            s = [jnp.maximum(
                    allsum(accs[e]) +
                    shuffle(bgv, jnp.full((L,), e, jnp.int32)), 0.0)
                 for e in range(4)]
            s1 = jnp.maximum(s[0], s[1])
            s2 = jnp.maximum(s[2], s[3])
            m = jnp.maximum(s1, s2)
            ev1 = jnp.exp(s1 - m)
            ev2 = jnp.exp(s2 - m)
            denom = ev1 + ev2
            pv1 = ev1 / denom
            pv2 = ev2 / denom
            return jnp.where(pv1 >= pv2, 0, 1)

        mir = branch(wgr_hbm, bgr_hbm)
        mii = branch(wgi_hbm, bgi_hbm)
        iout_v[...] = jnp.where(lanes == 1, mii, mir)
        pltpu.sync_copy(iout_v, idx_out)


def _combine_kernel(x_ref, wgr_ref, bgr_ref, wgi_ref, bgi_ref,
                    wr_hbm, wi_hbm, br_ref, bi_ref,
                    out_ref, wr_buf, wi_buf, rsem, isem):
    x = x_ref[...]

    def route(wg_ref, bg_ref):
        s = [jnp.maximum(jnp.sum(x * wg_ref[e:e + 1, :]) + bg_ref[e], 0.0)
             for e in range(4)]
        i1 = jnp.where(s[0] >= s[1], 0, 1)
        s1 = jnp.maximum(s[0], s[1])
        i2 = jnp.where(s[2] >= s[3], 2, 3)
        s2 = jnp.maximum(s[2], s[3])
        m = jnp.maximum(s1, s2)
        e1 = jnp.exp(jnp.broadcast_to(s1 - m, (1, 1)))
        e2 = jnp.exp(jnp.broadcast_to(s2 - m, (1, 1)))
        denom = e1 + e2
        return i1, i2, e1 / denom, e2 / denom

    ir1, ir2, pr1, pr2 = route(wgr_ref, bgr_ref)
    ii1, ii2, pi1, pi2 = route(wgi_ref, bgi_ref)

    lanes = lax.broadcasted_iota(jnp.int32, (4, 1), 0)
    w_r = jnp.where(lanes == ir1, pr1, 0.0) + jnp.where(lanes == ir2, pr2, 0.0)
    w_i = jnp.where(lanes == ii1, pi1, 0.0) + jnp.where(lanes == ii2, pi2, 0.0)
    out_ref[...] = (jnp.sum(w_r * br_ref[...], axis=0, keepdims=True) +
                    jnp.sum(w_i * bi_ref[...], axis=0, keepdims=True))

    steps = [(j, k) for j in range(NJ) for k in range(2)]
    e_r, e_i = [ir1, ir2], [ii1, ii2]
    p_r, p_i = [pr1, pr2], [pi1, pi2]

    def copies(t, b):
        j, k = steps[t]
        src_r = wr_hbm.at[e_r[k], pl.ds(j * BJ, BJ), :]
        src_i = wi_hbm.at[e_i[k], pl.ds(j * BJ, BJ), :]
        return (pltpu.make_async_copy(src_r, wr_buf.at[b], rsem.at[b]),
                pltpu.make_async_copy(src_i, wi_buf.at[b], isem.at[b]))

    for t in range(min(NBUF, len(steps))):
        cr, ci = copies(t, t % NBUF)
        cr.start()
        ci.start()

    dn = (((1,), (1,)), ((), ()))
    for t, (j, k) in enumerate(steps):
        b = t % NBUF
        cr, ci = copies(t, b)
        cr.wait()
        ci.wait()
        yr = lax.dot_general(x, wr_buf[b], dn,
                             preferred_element_type=jnp.float32)
        yi = lax.dot_general(x, wi_buf[b], dn,
                             preferred_element_type=jnp.float32)
        out_ref[:, pl.ds(j * BJ, BJ)] += p_r[k] * yr + p_i[k] * yi
        nxt = t + NBUF
        if nxt < len(steps):
            nr, ni = copies(nxt, nxt % NBUF)
            nr.start()
            ni.start()


@jax.jit
def kernel(rgb_local, ir_local, W_gate_rgb, b_gate_rgb, W_gate_ir, b_gate_ir,
           W_exp_rgb, b_exp_rgb, W_exp_ir, b_exp_ir):
    B = rgb_local.shape[0]
    x = jnp.concatenate(
        [rgb_local.reshape(B, -1), ir_local.reshape(B, -1)], axis=1)

    bg_r = jnp.zeros((L,), jnp.float32).at[:4].set(b_gate_rgb)
    bg_i = jnp.zeros((L,), jnp.float32).at[:4].set(b_gate_ir)

    combined = pl.pallas_call(
        _combine_kernel,
        in_specs=[
            pl.BlockSpec(memory_space=pltpu.VMEM),
            pl.BlockSpec(memory_space=pltpu.VMEM),
            pl.BlockSpec(memory_space=pltpu.SMEM),
            pl.BlockSpec(memory_space=pltpu.VMEM),
            pl.BlockSpec(memory_space=pltpu.SMEM),
            pl.BlockSpec(memory_space=pl.ANY),
            pl.BlockSpec(memory_space=pl.ANY),
            pl.BlockSpec(memory_space=pltpu.VMEM),
            pl.BlockSpec(memory_space=pltpu.VMEM),
        ],
        out_specs=pl.BlockSpec(memory_space=pltpu.VMEM),
        out_shape=jax.ShapeDtypeStruct((1, D), jnp.float32),
        scratch_shapes=[
            pltpu.VMEM((NBUF, BJ, D), jnp.float32),
            pltpu.VMEM((NBUF, BJ, D), jnp.float32),
            pltpu.SemaphoreType.DMA((NBUF,)),
            pltpu.SemaphoreType.DMA((NBUF,)),
        ],
    )(x, W_gate_rgb, b_gate_rgb, W_gate_ir, b_gate_ir,
      W_exp_rgb, W_exp_ir, b_exp_rgb, b_exp_ir)

    route = functools.partial(
        pl.kernel,
        out_type=jax.ShapeDtypeStruct((L,), jnp.int32),
        mesh=plsc.VectorSubcoreMesh(core_axis_name="c", subcore_axis_name="s"),
        scratch_types=[
            pltpu.VMEM((D,), jnp.float32),
            pltpu.VMEM((4, D), jnp.float32),
            pltpu.VMEM((L,), jnp.float32),
            pltpu.VMEM((L,), jnp.int32),
        ],
    )(_route_sc)
    max_idx = route(x.reshape(D), W_gate_rgb, bg_r, W_gate_ir, bg_i)

    return (combined, max_idx[0:1], max_idx[1:2])

# --- scband reference (transcript-rebuilt; emitter-appended) ---
"""Pipeline reference for scband-gate-network-68659347194377 (READ-ONLY COPY).

The authoritative reference and input builder live on the scoring server;
editing this copy changes nothing except your own understanding.
"""

import jax, jax.numpy as jnp
import numpy as np

B, H, W, C = 1, 8, 8, 16
D = H * W * C * 2  # 2048
E = 4

def setup_inputs(seed: int = 0) -> dict:
    key = jax.random.key(seed)
    ks = jax.random.split(key, 8)
    return {
        "rgb_local": jax.random.normal(ks[0], (B, H, W, C), dtype=jnp.float32),
        "ir_local": jax.random.normal(ks[1], (B, H, W, C), dtype=jnp.float32),
        "W_gate_rgb": jax.random.normal(ks[2], (E, D), dtype=jnp.float32) * 0.02,
        "b_gate_rgb": jnp.zeros((E,), dtype=jnp.float32),
        "W_gate_ir": jax.random.normal(ks[3], (E, D), dtype=jnp.float32) * 0.02,
        "b_gate_ir": jnp.zeros((E,), dtype=jnp.float32),
        "W_exp_rgb": jax.random.normal(ks[4], (E, D, D), dtype=jnp.float32) * 0.02,
        "b_exp_rgb": jnp.zeros((E, D), dtype=jnp.float32),
        "W_exp_ir": jax.random.normal(ks[5], (E, D, D), dtype=jnp.float32) * 0.02,
        "b_exp_ir": jnp.zeros((E, D), dtype=jnp.float32),
    }

def reference(rgb_local, ir_local, W_gate_rgb, b_gate_rgb, W_gate_ir, b_gate_ir,
              W_exp_rgb, b_exp_rgb, W_exp_ir, b_exp_ir):
    rgb = rgb_local.reshape(rgb_local.shape[0], -1)
    ir = ir_local.reshape(ir_local.shape[0], -1)
    rgb_ir = jnp.concatenate([rgb, ir], axis=1)  # [B, D]

    scores_rgb = jax.nn.relu(rgb_ir @ W_gate_rgb.T + b_gate_rgb)
    scores_ir = jax.nn.relu(rgb_ir @ W_gate_ir.T + b_gate_ir)

    s_rgb_1, i_rgb_1 = jax.lax.top_k(scores_rgb[:, :2], 1)
    s_rgb_2, i_rgb_2 = jax.lax.top_k(scores_rgb[:, 2:], 1)
    i_rgb_2 = i_rgb_2 + 2
    s_ir_1, i_ir_1 = jax.lax.top_k(scores_ir[:, :2], 1)
    s_ir_2, i_ir_2 = jax.lax.top_k(scores_ir[:, 2:], 1)
    i_ir_2 = i_ir_2 + 2

    top_s_rgb = jnp.concatenate([s_rgb_1, s_rgb_2], axis=-1)
    top_i_rgb = jnp.concatenate([i_rgb_1, i_rgb_2], axis=-1)
    top_s_ir = jnp.concatenate([s_ir_1, s_ir_2], axis=-1)
    top_i_ir = jnp.concatenate([i_ir_1, i_ir_2], axis=-1)

    probs_rgb = jax.nn.softmax(top_s_rgb, axis=-1)
    probs_ir = jax.nn.softmax(top_s_ir, axis=-1)
    max_idx_rgb = jnp.argmax(probs_rgb, axis=-1)
    max_idx_ir = jnp.argmax(probs_ir, axis=-1)

    output_rgb = jnp.zeros_like(rgb_ir)
    output_ir = jnp.zeros_like(rgb_ir)
    top_k = 2
    for i in range(top_k):
        idx = top_i_rgb[0, i]  # batch=1, matches torch ModuleList[tensor] semantics
        Wi = jnp.take(W_exp_rgb, idx, axis=0)
        bi = jnp.take(b_exp_rgb, idx, axis=0)
        output_rgb = output_rgb + probs_rgb[:, i][:, None] * (rgb_ir @ Wi.T + bi)
    for i in range(top_k):
        idx = top_i_ir[0, i]
        Wi = jnp.take(W_exp_ir, idx, axis=0)
        bi = jnp.take(b_exp_ir, idx, axis=0)
        output_ir = output_ir + probs_ir[:, i][:, None] * (rgb_ir @ Wi.T + bi)

    combined_output = output_rgb + output_ir
    return (combined_output, max_idx_rgb, max_idx_ir)

if __name__ == "__main__":
    import jax
    _d = setup_inputs()
    print(jax.jit(kernel)(*tuple(_d.values())))

</pallas_src>

<mosaic_0001>
#map = affine_map<(d0, d1) -> (0)>
#map1 = affine_map<(d0, d1) -> (0, 0)>
module attributes {stable_mosaic.version = 14 : i64} {
  func.func @_route_sc(%arg0: i32, %arg1: i32, %arg2: memref<2048xf32, #tpu.memory_space<hbm>>, %arg3: memref<4x2048xf32, #tpu.memory_space<hbm>>, %arg4: memref<16xf32, #tpu.memory_space<hbm>>, %arg5: memref<4x2048xf32, #tpu.memory_space<hbm>>, %arg6: memref<16xf32, #tpu.memory_space<hbm>>, %arg7: memref<16xi32, #tpu.memory_space<hbm>>, %arg8: memref<2048xf32, #tpu.memory_space<vmem>>, %arg9: memref<4x2048xf32, #tpu.memory_space<vmem>>, %arg10: memref<16xf32, #tpu.memory_space<vmem>>, %arg11: memref<16xi32, #tpu.memory_space<vmem>>) attributes {dimension_semantics = [#tpu.dimension_semantics<core_parallel>, #tpu.dimension_semantics<subcore_parallel>], iteration_bounds = array<i64: 2, 16>, scalar_prefetch = 0 : i64, scratch_operands = 4 : i64, tpu.core_type = #tpu.core_type<sc_vector_subcore>, window_params = [{transform_indices = #map}, {transform_indices = #map1}, {transform_indices = #map}, {transform_indices = #map1}, {transform_indices = #map}, {transform_indices = #map}]} {
    %eq3A = arith.constant 0 : i32
    %eq3A_0 = arith.cmpi eq, %arg0, %eq3A : i32
    %eq3A_1 = arith.constant 0 : i32
    %eq3A_2 = arith.cmpi eq, %arg1, %eq3A_1 : i32
    %and3A = arith.andi %eq3A_0, %eq3A_2 : i1
    %convert_element_type3A = arith.extui %and3A : i1 to i32
    %cond3A = arith.constant 0 : i32
    %cond3A_3 = arith.cmpi ne, %convert_element_type3A, %cond3A : i32
    scf.if %cond3A_3 {
      "tpu.region"() ({
        %run_scoped3A = tpu.sem_alloc : memref<!tpu.dma_semaphore, #tpu.memory_space<semaphore_mem>>
        tpu.enqueue_dma source(%arg2 : memref<2048xf32, #tpu.memory_space<hbm>>) target(%arg8 : memref<2048xf32, #tpu.memory_space<vmem>>) target_semaphore(%run_scoped3A : memref<!tpu.dma_semaphore, #tpu.memory_space<semaphore_mem>>)
        tpu.wait_dma2 semaphore(%run_scoped3A : memref<!tpu.dma_semaphore, #tpu.memory_space<semaphore_mem>>) src(%arg2 : memref<2048xf32, #tpu.memory_space<hbm>>) dst(%arg8 : memref<2048xf32, #tpu.memory_space<vmem>>)
        tpu.yield
      }) : () -> ()
      %iota3A = tpu.iota {dimensions = array<i32: 0>} : vector<16xi32>
      "tpu.region"() ({
        %run_scoped3A = tpu.sem_alloc : memref<!tpu.dma_semaphore, #tpu.memory_space<semaphore_mem>>
        tpu.enqueue_dma source(%arg3 : memref<4x2048xf32, #tpu.memory_space<hbm>>) target(%arg9 : memref<4x2048xf32, #tpu.memory_space<vmem>>) target_semaphore(%run_scoped3A : memref<!tpu.dma_semaphore, #tpu.memory_space<semaphore_mem>>)
        tpu.wait_dma2 semaphore(%run_scoped3A : memref<!tpu.dma_semaphore, #tpu.memory_space<semaphore_mem>>) src(%arg3 : memref<4x2048xf32, #tpu.memory_space<hbm>>) dst(%arg9 : memref<4x2048xf32, #tpu.memory_space<vmem>>)
        tpu.yield
      }) : () -> ()
      "tpu.region"() ({
        %run_scoped3A = tpu.sem_alloc : memref<!tpu.dma_semaphore, #tpu.memory_space<semaphore_mem>>
        tpu.enqueue_dma source(%arg4 : memref<16xf32, #tpu.memory_space<hbm>>) target(%arg10 : memref<16xf32, #tpu.memory_space<vmem>>) target_semaphore(%run_scoped3A : memref<!tpu.dma_semaphore, #tpu.memory_space<semaphore_mem>>)
        tpu.wait_dma2 semaphore(%run_scoped3A : memref<!tpu.dma_semaphore, #tpu.memory_space<semaphore_mem>>) src(%arg4 : memref<16xf32, #tpu.memory_space<hbm>>) dst(%arg10 : memref<16xf32, #tpu.memory_space<vmem>>)
        tpu.yield
      }) : () -> ()
      %broadcast_in_dim3A = arith.constant 0.000000e+00 : f32
      %broadcast_in_dim3A_4 = vector.broadcast %broadcast_in_dim3A : f32 to vector<16xf32>
      %scan3A = arith.constant 0 : i32
      %scan3A_5 = arith.constant 128 : i32
      %scan3A_6 = arith.addi %scan3A, %scan3A_5 : i32
      %scan3A_7 = arith.constant 1 : i32
      %scan3A_8:4 = scf.for %scan3A_348 = %scan3A to %scan3A_6 step %scan3A_7 iter_args(%scan3A_349 = %broadcast_in_dim3A_4, %scan3A_350 = %broadcast_in_dim3A_4, %scan3A_351 = %broadcast_in_dim3A_4, %scan3A_352 = %broadcast_in_dim3A_4) -> (vector<16xf32>, vector<16xf32>, vector<16xf32>, vector<16xf32>)  : i32 {
        %mul3A = arith.constant 16 : i32
        %mul3A_353 = arith.muli %scan3A_348, %mul3A : i32
        %get3A_354 = arith.index_cast %mul3A_353 : i32 to index
        %get3A_355 = tpu.vector_load %arg8[%get3A_354] {strides = array<i32>} : memref<2048xf32, #tpu.memory_space<vmem>>, vector<16xf32>,
        %get3A_356 = vector.shape_cast %get3A_355 : vector<16xf32> to vector<16xf32>
        %mul3A_357 = arith.constant 16 : i32
        %mul3A_358 = arith.muli %scan3A_348, %mul3A_357 : i32
        %get3A_359 = arith.constant 0 : i32
        %get3A_360 = arith.index_cast %get3A_359 : i32 to index
        %get3A_361 = arith.index_cast %mul3A_358 : i32 to index
        %get3A_362 = tpu.vector_load %arg9[%get3A_360, %get3A_361] {strides = array<i32>} : memref<4x2048xf32, #tpu.memory_space<vmem>>, vector<1x16xf32>,
        %get3A_363 = vector.shape_cast %get3A_362 : vector<1x16xf32> to vector<16xf32>
        %mul3A_364 = arith.mulf %get3A_356, %get3A_363 : vector<16xf32>
        %add3A_365 = arith.addf %scan3A_349, %mul3A_364 : vector<16xf32>
        %mul3A_366 = arith.constant 16 : i32
        %mul3A_367 = arith.muli %scan3A_348, %mul3A_366 : i32
        %get3A_368 = arith.constant 1 : i32
        %get3A_369 = arith.index_cast %get3A_368 : i32 to index
        %get3A_370 = arith.index_cast %mul3A_367 : i32 to index
        %get3A_371 = tpu.vector_load %arg9[%get3A_369, %get3A_370] {strides = array<i32>} : memref<4x2048xf32, #tpu.memory_space<vmem>>, vector<1x16xf32>,
        %get3A_372 = vector.shape_cast %get3A_371 : vector<1x16xf32> to vector<16xf32>
        %mul3A_373 = arith.mulf %get3A_356, %get3A_372 : vector<16xf32>
        %add3A_374 = arith.addf %scan3A_350, %mul3A_373 : vector<16xf32>
        %mul3A_375 = arith.constant 16 : i32
        %mul3A_376 = arith.muli %scan3A_348, %mul3A_375 : i32
        %get3A_377 = arith.constant 2 : i32
        %get3A_378 = arith.index_cast %get3A_377 : i32 to index
        %get3A_379 = arith.index_cast %mul3A_376 : i32 to index
        %get3A_380 = tpu.vector_load %arg9[%get3A_378, %get3A_379] {strides = array<i32>} : memref<4x2048xf32, #tpu.memory_space<vmem>>, vector<1x16xf32>,
        %get3A_381 = vector.shape_cast %get3A_380 : vector<1x16xf32> to vector<16xf32>
        %mul3A_382 = arith.mulf %get3A_356, %get3A_381 : vector<16xf32>
        %add3A_383 = arith.addf %scan3A_351, %mul3A_382 : vector<16xf32>
        %mul3A_384 = arith.constant 16 : i32
        %mul3A_385 = arith.muli %scan3A_348, %mul3A_384 : i32
        %get3A_386 = arith.constant 3 : i32
        %get3A_387 = arith.index_cast %get3A_386 : i32 to index
        %get3A_388 = arith.index_cast %mul3A_385 : i32 to index
        %get3A_389 = tpu.vector_load %arg9[%get3A_387, %get3A_388] {strides = array<i32>} : memref<4x2048xf32, #tpu.memory_space<vmem>>, vector<1x16xf32>,
        %get3A_390 = vector.shape_cast %get3A_389 : vector<1x16xf32> to vector<16xf32>
        %mul3A_391 = arith.mulf %get3A_356, %get3A_390 : vector<16xf32>
        %add3A_392 = arith.addf %scan3A_352, %mul3A_391 : vector<16xf32>
        scf.yield %add3A_365, %add3A_374, %add3A_383, %add3A_392 : vector<16xf32>, vector<16xf32>, vector<16xf32>, vector<16xf32>
      }
      %scan3A_9 = arith.constant 128 : i32
      %get3A = arith.constant 0 : index
      %get3A_10 = tpu.vector_load %arg10[%get3A] {strides = array<i32>} : memref<16xf32, #tpu.memory_space<vmem>>, vector<16xf32>,
      %get3A_11 = vector.shape_cast %get3A_10 : vector<16xf32> to vector<16xf32>
      %xor3A = arith.constant 1 : i32
      %xor3A_12 = vector.broadcast %xor3A : i32 to vector<16xi32>
      %xor3A_13 = arith.xori %iota3A, %xor3A_12 : vector<16xi32>
      %broadcast_in_dim3A_14 = vector.shape_cast %xor3A_13 : vector<16xi32> to vector<16x1xi32>
      %gather3A = vector.shape_cast %broadcast_in_dim3A_14 : vector<16x1xi32> to vector<16xi32>
      %gather3A_15 = tpu.dynamic_gather %scan3A_8#0[%gather3A] in [0] : vector<16xf32>, vector<16xi32> -> vector<16xf32>
      %add3A = arith.addf %scan3A_8#0, %gather3A_15 : vector<16xf32>
      %xor3A_16 = arith.constant 2 : i32
      %xor3A_17 = vector.broadcast %xor3A_16 : i32 to vector<16xi32>
      %xor3A_18 = arith.xori %iota3A, %xor3A_17 : vector<16xi32>
      %broadcast_in_dim3A_19 = vector.shape_cast %xor3A_18 : vector<16xi32> to vector<16x1xi32>
      %gather3A_20 = vector.shape_cast %broadcast_in_dim3A_19 : vector<16x1xi32> to vector<16xi32>
      %gather3A_21 = tpu.dynamic_gather %add3A[%gather3A_20] in [0] : vector<16xf32>, vector<16xi32> -> vector<16xf32>
      %add3A_22 = arith.addf %add3A, %gather3A_21 : vector<16xf32>
      %xor3A_23 = arith.constant 4 : i32
      %xor3A_24 = vector.broadcast %xor3A_23 : i32 to vector<16xi32>
      %xor3A_25 = arith.xori %iota3A, %xor3A_24 : vector<16xi32>
      %broadcast_in_dim3A_26 = vector.shape_cast %xor3A_25 : vector<16xi32> to vector<16x1xi32>
      %gather3A_27 = vector.shape_cast %broadcast_in_dim3A_26 : vector<16x1xi32> to vector<16xi32>
      %gather3A_28 = tpu.dynamic_gather %add3A_22[%gather3A_27] in [0] : vector<16xf32>, vector<16xi32> -> vector<16xf32>
      %add3A_29 = arith.addf %add3A_22, %gather3A_28 : vector<16xf32>
      %xor3A_30 = arith.constant 8 : i32
      %xor3A_31 = vector.broadcast %xor3A_30 : i32 to vector<16xi32>
      %xor3A_32 = arith.xori %iota3A, %xor3A_31 : vector<16xi32>
      %broadcast_in_dim3A_33 = vector.shape_cast %xor3A_32 : vector<16xi32> to vector<16x1xi32>
      %gather3A_34 = vector.shape_cast %broadcast_in_dim3A_33 : vector<16x1xi32> to vector<16xi32>
      %gather3A_35 = tpu.dynamic_gather %add3A_29[%gather3A_34] in [0] : vector<16xf32>, vector<16xi32> -> vector<16xf32>
      %add3A_36 = arith.addf %add3A_29, %gather3A_35 : vector<16xf32>
      %broadcast_in_dim3A_37 = arith.constant 0 : i32
      %broadcast_in_dim3A_38 = vector.broadcast %broadcast_in_dim3A_37 : i32 to vector<16xi32>
      %broadcast_in_dim3A_39 = vector.shape_cast %broadcast_in_dim3A_38 : vector<16xi32> to vector<16x1xi32>
      %gather3A_40 = vector.shape_cast %broadcast_in_dim3A_39 : vector<16x1xi32> to vector<16xi32>
      %gather3A_41 = tpu.dynamic_gather %get3A_11[%gather3A_40] in [0] : vector<16xf32>, vector<16xi32> -> vector<16xf32>
      %add3A_42 = arith.addf %add3A_36, %gather3A_41 : vector<16xf32>
      %max3A = arith.constant 0.000000e+00 : f32
      %max3A_43 = vector.broadcast %max3A : f32 to vector<16xf32>
      %max3A_44 = arith.maximumf %add3A_42, %max3A_43 : vector<16xf32>
      %xor3A_45 = arith.constant 1 : i32
      %xor3A_46 = vector.broadcast %xor3A_45 : i32 to vector<16xi32>
      %xor3A_47 = arith.xori %iota3A, %xor3A_46 : vector<16xi32>
      %broadcast_in_dim3A_48 = vector.shape_cast %xor3A_47 : vector<16xi32> to vector<16x1xi32>
      %gather3A_49 = vector.shape_cast %broadcast_in_dim3A_48 : vector<16x1xi32> to vector<16xi32>
      %gather3A_50 = tpu.dynamic_gather %scan3A_8#1[%gather3A_49] in [0] : vector<16xf32>, vector<16xi32> -> vector<16xf32>
      %add3A_51 = arith.addf %scan3A_8#1, %gather3A_50 : vector<16xf32>
      %xor3A_52 = arith.constant 2 : i32
      %xor3A_53 = vector.broadcast %xor3A_52 : i32 to vector<16xi32>
      %xor3A_54 = arith.xori %iota3A, %xor3A_53 : vector<16xi32>
      %broadcast_in_dim3A_55 = vector.shape_cast %xor3A_54 : vector<16xi32> to vector<16x1xi32>
      %gather3A_56 = vector.shape_cast %broadcast_in_dim3A_55 : vector<16x1xi32> to vector<16xi32>
      %gather3A_57 = tpu.dynamic_gather %add3A_51[%gather3A_56] in [0] : vector<16xf32>, vector<16xi32> -> vector<16xf32>
      %add3A_58 = arith.addf %add3A_51, %gather3A_57 : vector<16xf32>
      %xor3A_59 = arith.constant 4 : i32
      %xor3A_60 = vector.broadcast %xor3A_59 : i32 to vector<16xi32>
      %xor3A_61 = arith.xori %iota3A, %xor3A_60 : vector<16xi32>
      %broadcast_in_dim3A_62 = vector.shape_cast %xor3A_61 : vector<16xi32> to vector<16x1xi32>
      %gather3A_63 = vector.shape_cast %broadcast_in_dim3A_62 : vector<16x1xi32> to vector<16xi32>
      %gather3A_64 = tpu.dynamic_gather %add3A_58[%gather3A_63] in [0] : vector<16xf32>, vector<16xi32> -> vector<16xf32>
      %add3A_65 = arith.addf %add3A_58, %gather3A_64 : vector<16xf32>
      %xor3A_66 = arith.constant 8 : i32
      %xor3A_67 = vector.broadcast %xor3A_66 : i32 to vector<16xi32>
      %xor3A_68 = arith.xori %iota3A, %xor3A_67 : vector<16xi32>
      %broadcast_in_dim3A_69 = vector.shape_cast %xor3A_68 : vector<16xi32> to vector<16x1xi32>
      %gather3A_70 = vector.shape_cast %broadcast_in_dim3A_69 : vector<16x1xi32> to vector<16xi32>
      %gather3A_71 = tpu.dynamic_gather %add3A_65[%gather3A_70] in [0] : vector<16xf32>, vector<16xi32> -> vector<16xf32>
      %add3A_72 = arith.addf %add3A_65, %gather3A_71 : vector<16xf32>
      %broadcast_in_dim3A_73 = arith.constant 1 : i32
      %broadcast_in_dim3A_74 = vector.broadcast %broadcast_in_dim3A_73 : i32 to vector<16xi32>
      %broadcast_in_dim3A_75 = vector.shape_cast %broadcast_in_dim3A_74 : vector<16xi32> to vector<16x1xi32>
      %gather3A_76 = vector.shape_cast %broadcast_in_dim3A_75 : vector<16x1xi32> to vector<16xi32>
      %gather3A_77 = tpu.dynamic_gather %get3A_11[%gather3A_76] in [0] : vector<16xf32>, vector<16xi32> -> vector<16xf32>
      %add3A_78 = arith.addf %add3A_72, %gather3A_77 : vector<16xf32>
      %max3A_79 = arith.constant 0.000000e+00 : f32
      %max3A_80 = vector.broadcast %max3A_79 : f32 to vector<16xf32>
      %max3A_81 = arith.maximumf %add3A_78, %max3A_80 : vector<16xf32>
      %xor3A_82 = arith.constant 1 : i32
      %xor3A_83 = vector.broadcast %xor3A_82 : i32 to vector<16xi32>
      %xor3A_84 = arith.xori %iota3A, %xor3A_83 : vector<16xi32>
      %broadcast_in_dim3A_85 = vector.shape_cast %xor3A_84 : vector<16xi32> to vector<16x1xi32>
      %gather3A_86 = vector.shape_cast %broadcast_in_dim3A_85 : vector<16x1xi32> to vector<16xi32>
      %gather3A_87 = tpu.dynamic_gather %scan3A_8#2[%gather3A_86] in [0] : vector<16xf32>, vector<16xi32> -> vector<16xf32>
      %add3A_88 = arith.addf %scan3A_8#2, %gather3A_87 : vector<16xf32>
      %xor3A_89 = arith.constant 2 : i32
      %xor3A_90 = vector.broadcast %xor3A_89 : i32 to vector<16xi32>
      %xor3A_91 = arith.xori %iota3A, %xor3A_90 : vector<16xi32>
      %broadcast_in_dim3A_92 = vector.shape_cast %xor3A_91 : vector<16xi32> to vector<16x1xi32>
      %gather3A_93 = vector.shape_cast %broadcast_in_dim3A_92 : vector<16x1xi32> to vector<16xi32>
      %gather3A_94 = tpu.dynamic_gather %add3A_88[%gather3A_93] in [0] : vector<16xf32>, vector<16xi32> -> vector<16xf32>
      %add3A_95 = arith.addf %add3A_88, %gather3A_94 : vector<16xf32>
      %xor3A_96 = arith.constant 4 : i32
      %xor3A_97 = vector.broadcast %xor3A_96 : i32 to vector<16xi32>
      %xor3A_98 = arith.xori %iota3A, %xor3A_97 : vector<16xi32>
      %broadcast_in_dim3A_99 = vector.shape_cast %xor3A_98 : vector<16xi32> to vector<16x1xi32>
      %gather3A_100 = vector.shape_cast %broadcast_in_dim3A_99 : vector<16x1xi32> to vector<16xi32>
      %gather3A_101 = tpu.dynamic_gather %add3A_95[%gather3A_100] in [0] : vector<16xf32>, vector<16xi32> -> vector<16xf32>
      %add3A_102 = arith.addf %add3A_95, %gather3A_101 : vector<16xf32>
      %xor3A_103 = arith.constant 8 : i32
      %xor3A_104 = vector.broadcast %xor3A_103 : i32 to vector<16xi32>
      %xor3A_105 = arith.xori %iota3A, %xor3A_104 : vector<16xi32>
      %broadcast_in_dim3A_106 = vector.shape_cast %xor3A_105 : vector<16xi32> to vector<16x1xi32>
      %gather3A_107 = vector.shape_cast %broadcast_in_dim3A_106 : vector<16x1xi32> to vector<16xi32>
      %gather3A_108 = tpu.dynamic_gather %add3A_102[%gather3A_107] in [0] : vector<16xf32>, vector<16xi32> -> vector<16xf32>
      %add3A_109 = arith.addf %add3A_102, %gather3A_108 : vector<16xf32>
      %broadcast_in_dim3A_110 = arith.constant 2 : i32
      %broadcast_in_dim3A_111 = vector.broadcast %broadcast_in_dim3A_110 : i32 to vector<16xi32>
      %broadcast_in_dim3A_112 = vector.shape_cast %broadcast_in_dim3A_111 : vector<16xi32> to vector<16x1xi32>
      %gather3A_113 = vector.shape_cast %broadcast_in_dim3A_112 : vector<16x1xi32> to vector<16xi32>
      %gather3A_114 = tpu.dynamic_gather %get3A_11[%gather3A_113] in [0] : vector<16xf32>, vector<16xi32> -> vector<16xf32>
      %add3A_115 = arith.addf %add3A_109, %gather3A_114 : vector<16xf32>
      %max3A_116 = arith.constant 0.000000e+00 : f32
      %max3A_117 = vector.broadcast %max3A_116 : f32 to vector<16xf32>
      %max3A_118 = arith.maximumf %add3A_115, %max3A_117 : vector<16xf32>
      %xor3A_119 = arith.constant 1 : i32
      %xor3A_120 = vector.broadcast %xor3A_119 : i32 to vector<16xi32>
      %xor3A_121 = arith.xori %iota3A, %xor3A_120 : vector<16xi32>
      %broadcast_in_dim3A_122 = vector.shape_cast %xor3A_121 : vector<16xi32> to vector<16x1xi32>
      %gather3A_123 = vector.shape_cast %broadcast_in_dim3A_122 : vector<16x1xi32> to vector<16xi32>
      %gather3A_124 = tpu.dynamic_gather %scan3A_8#3[%gather3A_123] in [0] : vector<16xf32>, vector<16xi32> -> vector<16xf32>
      %add3A_125 = arith.addf %scan3A_8#3, %gather3A_124 : vector<16xf32>
      %xor3A_126 = arith.constant 2 : i32
      %xor3A_127 = vector.broadcast %xor3A_126 : i32 to vector<16xi32>
      %xor3A_128 = arith.xori %iota3A, %xor3A_127 : vector<16xi32>
      %broadcast_in_dim3A_129 = vector.shape_cast %xor3A_128 : vector<16xi32> to vector<16x1xi32>
      %gather3A_130 = vector.shape_cast %broadcast_in_dim3A_129 : vector<16x1xi32> to vector<16xi32>
      %gather3A_131 = tpu.dynamic_gather %add3A_125[%gather3A_130] in [0] : vector<16xf32>, vector<16xi32> -> vector<16xf32>
      %add3A_132 = arith.addf %add3A_125, %gather3A_131 : vector<16xf32>
      %xor3A_133 = arith.constant 4 : i32
      %xor3A_134 = vector.broadcast %xor3A_133 : i32 to vector<16xi32>
      %xor3A_135 = arith.xori %iota3A, %xor3A_134 : vector<16xi32>
      %broadcast_in_dim3A_136 = vector.shape_cast %xor3A_135 : vector<16xi32> to vector<16x1xi32>
      %gather3A_137 = vector.shape_cast %broadcast_in_dim3A_136 : vector<16x1xi32> to vector<16xi32>
      %gather3A_138 = tpu.dynamic_gather %add3A_132[%gather3A_137] in [0] : vector<16xf32>, vector<16xi32> -> vector<16xf32>
      %add3A_139 = arith.addf %add3A_132, %gather3A_138 : vector<16xf32>
      %xor3A_140 = arith.constant 8 : i32
      %xor3A_141 = vector.broadcast %xor3A_140 : i32 to vector<16xi32>
      %xor3A_142 = arith.xori %iota3A, %xor3A_141 : vector<16xi32>
      %broadcast_in_dim3A_143 = vector.shape_cast %xor3A_142 : vector<16xi32> to vector<16x1xi32>
      %gather3A_144 = vector.shape_cast %broadcast_in_dim3A_143 : vector<16x1xi32> to vector<16xi32>
      %gather3A_145 = tpu.dynamic_gather %add3A_139[%gather3A_144] in [0] : vector<16xf32>, vector<16xi32> -> vector<16xf32>
      %add3A_146 = arith.addf %add3A_139, %gather3A_145 : vector<16xf32>
      %broadcast_in_dim3A_147 = arith.constant 3 : i32
      %broadcast_in_dim3A_148 = vector.broadcast %broadcast_in_dim3A_147 : i32 to vector<16xi32>
      %broadcast_in_dim3A_149 = vector.shape_cast %broadcast_in_dim3A_148 : vector<16xi32> to vector<16x1xi32>
      %gather3A_150 = vector.shape_cast %broadcast_in_dim3A_149 : vector<16x1xi32> to vector<16xi32>
      %gather3A_151 = tpu.dynamic_gather %get3A_11[%gather3A_150] in [0] : vector<16xf32>, vector<16xi32> -> vector<16xf32>
      %add3A_152 = arith.addf %add3A_146, %gather3A_151 : vector<16xf32>
      %max3A_153 = arith.constant 0.000000e+00 : f32
      %max3A_154 = vector.broadcast %max3A_153 : f32 to vector<16xf32>
      %max3A_155 = arith.maximumf %add3A_152, %max3A_154 : vector<16xf32>
      %max3A_156 = arith.maximumf %max3A_44, %max3A_81 : vector<16xf32>
      %max3A_157 = arith.maximumf %max3A_118, %max3A_155 : vector<16xf32>
      %max3A_158 = arith.maximumf %max3A_156, %max3A_157 : vector<16xf32>
      %sub3A = arith.subf %max3A_156, %max3A_158 : vector<16xf32>
      %exp3A = math.exp %sub3A : vector<16xf32>
      %sub3A_159 = arith.subf %max3A_157, %max3A_158 : vector<16xf32>
      %exp3A_160 = math.exp %sub3A_159 : vector<16xf32>
      %add3A_161 = arith.addf %exp3A, %exp3A_160 : vector<16xf32>
      %div3A = arith.divf %exp3A, %add3A_161 : vector<16xf32>
      %div3A_162 = arith.divf %exp3A_160, %add3A_161 : vector<16xf32>
      %ge3A = arith.cmpf oge, %div3A, %div3A_162 : vector<16xf32>
      %jit3A = arith.constant 0 : i32
      %jit3A_163 = arith.constant 1 : i32
      %broadcast_in_dim3A_164 = vector.broadcast %jit3A : i32 to vector<16xi32>
      %broadcast_in_dim3A_165 = vector.broadcast %jit3A_163 : i32 to vector<16xi32>
      %select_n3A = arith.select %ge3A, %broadcast_in_dim3A_164, %broadcast_in_dim3A_165 : vector<16xi1>, vector<16xi32>
      "tpu.region"() ({
        %run_scoped3A = tpu.sem_alloc : memref<!tpu.dma_semaphore, #tpu.memory_space<semaphore_mem>>
        tpu.enqueue_dma source(%arg5 : memref<4x2048xf32, #tpu.memory_space<hbm>>) target(%arg9 : memref<4x2048xf32, #tpu.memory_space<vmem>>) target_semaphore(%run_scoped3A : memref<!tpu.dma_semaphore, #tpu.memory_space<semaphore_mem>>)
        tpu.wait_dma2 semaphore(%run_scoped3A : memref<!tpu.dma_semaphore, #tpu.memory_space<semaphore_mem>>) src(%arg5 : memref<4x2048xf32, #tpu.memory_space<hbm>>) dst(%arg9 : memref<4x2048xf32, #tpu.memory_space<vmem>>)
        tpu.yield
      }) : () -> ()
      "tpu.region"() ({
        %run_scoped3A = tpu.sem_alloc : memref<!tpu.dma_semaphore, #tpu.memory_space<semaphore_mem>>
        tpu.enqueue_dma source(%arg6 : memref<16xf32, #tpu.memory_space<hbm>>) target(%arg10 : memref<16xf32, #tpu.memory_space<vmem>>) target_semaphore(%run_scoped3A : memref<!tpu.dma_semaphore, #tpu.memory_space<semaphore_mem>>)
        tpu.wait_dma2 semaphore(%run_scoped3A : memref<!tpu.dma_semaphore, #tpu.memory_space<semaphore_mem>>) src(%arg6 : memref<16xf32, #tpu.memory_space<hbm>>) dst(%arg10 : memref<16xf32, #tpu.memory_space<vmem>>)
        tpu.yield
      }) : () -> ()
      %broadcast_in_dim3A_166 = arith.constant 0.000000e+00 : f32
      %broadcast_in_dim3A_167 = vector.broadcast %broadcast_in_dim3A_166 : f32 to vector<16xf32>
      %scan3A_168 = arith.constant 0 : i32
      %scan3A_169 = arith.constant 128 : i32
      %scan3A_170 = arith.addi %scan3A_168, %scan3A_169 : i32
      %scan3A_171 = arith.constant 1 : i32
      %scan3A_172:4 = scf.for %scan3A_348 = %scan3A_168 to %scan3A_170 step %scan3A_171 iter_args(%scan3A_349 = %broadcast_in_dim3A_167, %scan3A_350 = %broadcast_in_dim3A_167, %scan3A_351 = %broadcast_in_dim3A_167, %scan3A_352 = %broadcast_in_dim3A_167) -> (vector<16xf32>, vector<16xf32>, vector<16xf32>, vector<16xf32>)  : i32 {
        %mul3A = arith.constant 16 : i32
        %mul3A_353 = arith.muli %scan3A_348, %mul3A : i32
        %get3A_354 = arith.index_cast %mul3A_353 : i32 to index
        %get3A_355 = tpu.vector_load %arg8[%get3A_354] {strides = array<i32>} : memref<2048xf32, #tpu.memory_space<vmem>>, vector<16xf32>,
        %get3A_356 = vector.shape_cast %get3A_355 : vector<16xf32> to vector<16xf32>
        %mul3A_357 = arith.constant 16 : i32
        %mul3A_358 = arith.muli %scan3A_348, %mul3A_357 : i32
        %get3A_359 = arith.constant 0 : i32
        %get3A_360 = arith.index_cast %get3A_359 : i32 to index
        %get3A_361 = arith.index_cast %mul3A_358 : i32 to index
        %get3A_362 = tpu.vector_load %arg9[%get3A_360, %get3A_361] {strides = array<i32>} : memref<4x2048xf32, #tpu.memory_space<vmem>>, vector<1x16xf32>,
        %get3A_363 = vector.shape_cast %get3A_362 : vector<1x16xf32> to vector<16xf32>
        %mul3A_364 = arith.mulf %get3A_356, %get3A_363 : vector<16xf32>
        %add3A_365 = arith.addf %scan3A_349, %mul3A_364 : vector<16xf32>
        %mul3A_366 = arith.constant 16 : i32
        %mul3A_367 = arith.muli %scan3A_348, %mul3A_366 : i32
        %get3A_368 = arith.constant 1 : i32
        %get3A_369 = arith.index_cast %get3A_368 : i32 to index
        %get3A_370 = arith.index_cast %mul3A_367 : i32 to index
        %get3A_371 = tpu.vector_load %arg9[%get3A_369, %get3A_370] {strides = array<i32>} : memref<4x2048xf32, #tpu.memory_space<vmem>>, vector<1x16xf32>,
        %get3A_372 = vector.shape_cast %get3A_371 : vector<1x16xf32> to vector<16xf32>
        %mul3A_373 = arith.mulf %get3A_356, %get3A_372 : vector<16xf32>
        %add3A_374 = arith.addf %scan3A_350, %mul3A_373 : vector<16xf32>
        %mul3A_375 = arith.constant 16 : i32
        %mul3A_376 = arith.muli %scan3A_348, %mul3A_375 : i32
        %get3A_377 = arith.constant 2 : i32
        %get3A_378 = arith.index_cast %get3A_377 : i32 to index
        %get3A_379 = arith.index_cast %mul3A_376 : i32 to index
        %get3A_380 = tpu.vector_load %arg9[%get3A_378, %get3A_379] {strides = array<i32>} : memref<4x2048xf32, #tpu.memory_space<vmem>>, vector<1x16xf32>,
        %get3A_381 = vector.shape_cast %get3A_380 : vector<1x16xf32> to vector<16xf32>
        %mul3A_382 = arith.mulf %get3A_356, %get3A_381 : vector<16xf32>
        %add3A_383 = arith.addf %scan3A_351, %mul3A_382 : vector<16xf32>
        %mul3A_384 = arith.constant 16 : i32
        %mul3A_385 = arith.muli %scan3A_348, %mul3A_384 : i32
        %get3A_386 = arith.constant 3 : i32
        %get3A_387 = arith.index_cast %get3A_386 : i32 to index
        %get3A_388 = arith.index_cast %mul3A_385 : i32 to index
        %get3A_389 = tpu.vector_load %arg9[%get3A_387, %get3A_388] {strides = array<i32>} : memref<4x2048xf32, #tpu.memory_space<vmem>>, vector<1x16xf32>,
        %get3A_390 = vector.shape_cast %get3A_389 : vector<1x16xf32> to vector<16xf32>
        %mul3A_391 = arith.mulf %get3A_356, %get3A_390 : vector<16xf32>
        %add3A_392 = arith.addf %scan3A_352, %mul3A_391 : vector<16xf32>
        scf.yield %add3A_365, %add3A_374, %add3A_383, %add3A_392 : vector<16xf32>, vector<16xf32>, vector<16xf32>, vector<16xf32>
      }
      %scan3A_173 = arith.constant 128 : i32
      %get3A_174 = arith.constant 0 : index
      %get3A_175 = tpu.vector_load %arg10[%get3A_174] {strides = array<i32>} : memref<16xf32, #tpu.memory_space<vmem>>, vector<16xf32>,
      %get3A_176 = vector.shape_cast %get3A_175 : vector<16xf32> to vector<16xf32>
      %xor3A_177 = arith.constant 1 : i32
      %xor3A_178 = vector.broadcast %xor3A_177 : i32 to vector<16xi32>
      %xor3A_179 = arith.xori %iota3A, %xor3A_178 : vector<16xi32>
      %broadcast_in_dim3A_180 = vector.shape_cast %xor3A_179 : vector<16xi32> to vector<16x1xi32>
      %gather3A_181 = vector.shape_cast %broadcast_in_dim3A_180 : vector<16x1xi32> to vector<16xi32>
      %gather3A_182 = tpu.dynamic_gather %scan3A_172#0[%gather3A_181] in [0] : vector<16xf32>, vector<16xi32> -> vector<16xf32>
      %add3A_183 = arith.addf %scan3A_172#0, %gather3A_182 : vector<16xf32>
      %xor3A_184 = arith.constant 2 : i32
      %xor3A_185 = vector.broadcast %xor3A_184 : i32 to vector<16xi32>
      %xor3A_186 = arith.xori %iota3A, %xor3A_185 : vector<16xi32>
      %broadcast_in_dim3A_187 = vector.shape_cast %xor3A_186 : vector<16xi32> to vector<16x1xi32>
      %gather3A_188 = vector.shape_cast %broadcast_in_dim3A_187 : vector<16x1xi32> to vector<16xi32>
      %gather3A_189 = tpu.dynamic_gather %add3A_183[%gather3A_188] in [0] : vector<16xf32>, vector<16xi32> -> vector<16xf32>
      %add3A_190 = arith.addf %add3A_183, %gather3A_189 : vector<16xf32>
      %xor3A_191 = arith.constant 4 : i32
      %xor3A_192 = vector.broadcast %xor3A_191 : i32 to vector<16xi32>
      %xor3A_193 = arith.xori %iota3A, %xor3A_192 : vector<16xi32>
      %broadcast_in_dim3A_194 = vector.shape_cast %xor3A_193 : vector<16xi32> to vector<16x1xi32>
      %gather3A_195 = vector.shape_cast %broadcast_in_dim3A_194 : vector<16x1xi32> to vector<16xi32>
      %gather3A_196 = tpu.dynamic_gather %add3A_190[%gather3A_195] in [0] : vector<16xf32>, vector<16xi32> -> vector<16xf32>
      %add3A_197 = arith.addf %add3A_190, %gather3A_196 : vector<16xf32>
      %xor3A_198 = arith.constant 8 : i32
      %xor3A_199 = vector.broadcast %xor3A_198 : i32 to vector<16xi32>
      %xor3A_200 = arith.xori %iota3A, %xor3A_199 : vector<16xi32>
      %broadcast_in_dim3A_201 = vector.shape_cast %xor3A_200 : vector<16xi32> to vector<16x1xi32>
      %gather3A_202 = vector.shape_cast %broadcast_in_dim3A_201 : vector<16x1xi32> to vector<16xi32>
      %gather3A_203 = tpu.dynamic_gather %add3A_197[%gather3A_202] in [0] : vector<16xf32>, vector<16xi32> -> vector<16xf32>
      %add3A_204 = arith.addf %add3A_197, %gather3A_203 : vector<16xf32>
      %broadcast_in_dim3A_205 = arith.constant 0 : i32
      %broadcast_in_dim3A_206 = vector.broadcast %broadcast_in_dim3A_205 : i32 to vector<16xi32>
      %broadcast_in_dim3A_207 = vector.shape_cast %broadcast_in_dim3A_206 : vector<16xi32> to vector<16x1xi32>
      %gather3A_208 = vector.shape_cast %broadcast_in_dim3A_207 : vector<16x1xi32> to vector<16xi32>
      %gather3A_209 = tpu.dynamic_gather %get3A_176[%gather3A_208] in [0] : vector<16xf32>, vector<16xi32> -> vector<16xf32>
      %add3A_210 = arith.addf %add3A_204, %gather3A_209 : vector<16xf32>
      %max3A_211 = arith.constant 0.000000e+00 : f32
      %max3A_212 = vector.broadcast %max3A_211 : f32 to vector<16xf32>
      %max3A_213 = arith.maximumf %add3A_210, %max3A_212 : vector<16xf32>
      %xor3A_214 = arith.constant 1 : i32
      %xor3A_215 = vector.broadcast %xor3A_214 : i32 to vector<16xi32>
      %xor3A_216 = arith.xori %iota3A, %xor3A_215 : vector<16xi32>
      %broadcast_in_dim3A_217 = vector.shape_cast %xor3A_216 : vector<16xi32> to vector<16x1xi32>
      %gather3A_218 = vector.shape_cast %broadcast_in_dim3A_217 : vector<16x1xi32> to vector<16xi32>
      %gather3A_219 = tpu.dynamic_gather %scan3A_172#1[%gather3A_218] in [0] : vector<16xf32>, vector<16xi32> -> vector<16xf32>
      %add3A_220 = arith.addf %scan3A_172#1, %gather3A_219 : vector<16xf32>
      %xor3A_221 = arith.constant 2 : i32
      %xor3A_222 = vector.broadcast %xor3A_221 : i32 to vector<16xi32>
      %xor3A_223 = arith.xori %iota3A, %xor3A_222 : vector<16xi32>
      %broadcast_in_dim3A_224 = vector.shape_cast %xor3A_223 : vector<16xi32> to vector<16x1xi32>
      %gather3A_225 = vector.shape_cast %broadcast_in_dim3A_224 : vector<16x1xi32> to vector<16xi32>
      %gather3A_226 = tpu.dynamic_gather %add3A_220[%gather3A_225] in [0] : vector<16xf32>, vector<16xi32> -> vector<16xf32>
      %add3A_227 = arith.addf %add3A_220, %gather3A_226 : vector<16xf32>
      %xor3A_228 = arith.constant 4 : i32
      %xor3A_229 = vector.broadcast %xor3A_228 : i32 to vector<16xi32>
      %xor3A_230 = arith.xori %iota3A, %xor3A_229 : vector<16xi32>
      %broadcast_in_dim3A_231 = vector.shape_cast %xor3A_230 : vector<16xi32> to vector<16x1xi32>
      %gather3A_232 = vector.shape_cast %broadcast_in_dim3A_231 : vector<16x1xi32> to vector<16xi32>
      %gather3A_233 = tpu.dynamic_gather %add3A_227[%gather3A_232] in [0] : vector<16xf32>, vector<16xi32> -> vector<16xf32>
      %add3A_234 = arith.addf %add3A_227, %gather3A_233 : vector<16xf32>
      %xor3A_235 = arith.constant 8 : i32
      %xor3A_236 = vector.broadcast %xor3A_235 : i32 to vector<16xi32>
      %xor3A_237 = arith.xori %iota3A, %xor3A_236 : vector<16xi32>
      %broadcast_in_dim3A_238 = vector.shape_cast %xor3A_237 : vector<16xi32> to vector<16x1xi32>
      %gather3A_239 = vector.shape_cast %broadcast_in_dim3A_238 : vector<16x1xi32> to vector<16xi32>
      %gather3A_240 = tpu.dynamic_gather %add3A_234[%gather3A_239] in [0] : vector<16xf32>, vector<16xi32> -> vector<16xf32>
      %add3A_241 = arith.addf %add3A_234, %gather3A_240 : vector<16xf32>
      %broadcast_in_dim3A_242 = arith.constant 1 : i32
      %broadcast_in_dim3A_243 = vector.broadcast %broadcast_in_dim3A_242 : i32 to vector<16xi32>
      %broadcast_in_dim3A_244 = vector.shape_cast %broadcast_in_dim3A_243 : vector<16xi32> to vector<16x1xi32>
      %gather3A_245 = vector.shape_cast %broadcast_in_dim3A_244 : vector<16x1xi32> to vector<16xi32>
      %gather3A_246 = tpu.dynamic_gather %get3A_176[%gather3A_245] in [0] : vector<16xf32>, vector<16xi32> -> vector<16xf32>
      %add3A_247 = arith.addf %add3A_241, %gather3A_246 : vector<16xf32>
      %max3A_248 = arith.constant 0.000000e+00 : f32
      %max3A_249 = vector.broadcast %max3A_248 : f32 to vector<16xf32>
      %max3A_250 = arith.maximumf %add3A_247, %max3A_249 : vector<16xf32>
      %xor3A_251 = arith.constant 1 : i32
      %xor3A_252 = vector.broadcast %xor3A_251 : i32 to vector<16xi32>
      %xor3A_253 = arith.xori %iota3A, %xor3A_252 : vector<16xi32>
      %broadcast_in_dim3A_254 = vector.shape_cast %xor3A_253 : vector<16xi32> to vector<16x1xi32>
      %gather3A_255 = vector.shape_cast %broadcast_in_dim3A_254 : vector<16x1xi32> to vector<16xi32>
      %gather3A_256 = tpu.dynamic_gather %scan3A_172#2[%gather3A_255] in [0] : vector<16xf32>, vector<16xi32> -> vector<16xf32>
      %add3A_257 = arith.addf %scan3A_172#2, %gather3A_256 : vector<16xf32>
      %xor3A_258 = arith.constant 2 : i32
      %xor3A_259 = vector.broadcast %xor3A_258 : i32 to vector<16xi32>
      %xor3A_260 = arith.xori %iota3A, %xor3A_259 : vector<16xi32>
      %broadcast_in_dim3A_261 = vector.shape_cast %xor3A_260 : vector<16xi32> to vector<16x1xi32>
      %gather3A_262 = vector.shape_cast %broadcast_in_dim3A_261 : vector<16x1xi32> to vector<16xi32>
      %gather3A_263 = tpu.dynamic_gather %add3A_257[%gather3A_262] in [0] : vector<16xf32>, vector<16xi32> -> vector<16xf32>
      %add3A_264 = arith.addf %add3A_257, %gather3A_263 : vector<16xf32>
      %xor3A_265 = arith.constant 4 : i32
      %xor3A_266 = vector.broadcast %xor3A_265 : i32 to vector<16xi32>
      %xor3A_267 = arith.xori %iota3A, %xor3A_266 : vector<16xi32>
      %broadcast_in_dim3A_268 = vector.shape_cast %xor3A_267 : vector<16xi32> to vector<16x1xi32>
      %gather3A_269 = vector.shape_cast %broadcast_in_dim3A_268 : vector<16x1xi32> to vector<16xi32>
      %gather3A_270 = tpu.dynamic_gather %add3A_264[%gather3A_269] in [0] : vector<16xf32>, vector<16xi32> -> vector<16xf32>
      %add3A_271 = arith.addf %add3A_264, %gather3A_270 : vector<16xf32>
      %xor3A_272 = arith.constant 8 : i32
      %xor3A_273 = vector.broadcast %xor3A_272 : i32 to vector<16xi32>
      %xor3A_274 = arith.xori %iota3A, %xor3A_273 : vector<16xi32>
      %broadcast_in_dim3A_275 = vector.shape_cast %xor3A_274 : vector<16xi32> to vector<16x1xi32>
      %gather3A_276 = vector.shape_cast %broadcast_in_dim3A_275 : vector<16x1xi32> to vector<16xi32>
      %gather3A_277 = tpu.dynamic_gather %add3A_271[%gather3A_276] in [0] : vector<16xf32>, vector<16xi32> -> vector<16xf32>
      %add3A_278 = arith.addf %add3A_271, %gather3A_277 : vector<16xf32>
      %broadcast_in_dim3A_279 = arith.constant 2 : i32
      %broadcast_in_dim3A_280 = vector.broadcast %broadcast_in_dim3A_279 : i32 to vector<16xi32>
      %broadcast_in_dim3A_281 = vector.shape_cast %broadcast_in_dim3A_280 : vector<16xi32> to vector<16x1xi32>
      %gather3A_282 = vector.shape_cast %broadcast_in_dim3A_281 : vector<16x1xi32> to vector<16xi32>
      %gather3A_283 = tpu.dynamic_gather %get3A_176[%gather3A_282] in [0] : vector<16xf32>, vector<16xi32> -> vector<16xf32>
      %add3A_284 = arith.addf %add3A_278, %gather3A_283 : vector<16xf32>
      %max3A_285 = arith.constant 0.000000e+00 : f32
      %max3A_286 = vector.broadcast %max3A_285 : f32 to vector<16xf32>
      %max3A_287 = arith.maximumf %add3A_284, %max3A_286 : vector<16xf32>
      %xor3A_288 = arith.constant 1 : i32
      %xor3A_289 = vector.broadcast %xor3A_288 : i32 to vector<16xi32>
      %xor3A_290 = arith.xori %iota3A, %xor3A_289 : vector<16xi32>
      %broadcast_in_dim3A_291 = vector.shape_cast %xor3A_290 : vector<16xi32> to vector<16x1xi32>
      %gather3A_292 = vector.shape_cast %broadcast_in_dim3A_291 : vector<16x1xi32> to vector<16xi32>
      %gather3A_293 = tpu.dynamic_gather %scan3A_172#3[%gather3A_292] in [0] : vector<16xf32>, vector<16xi32> -> vector<16xf32>
      %add3A_294 = arith.addf %scan3A_172#3, %gather3A_293 : vector<16xf32>
      %xor3A_295 = arith.constant 2 : i32
      %xor3A_296 = vector.broadcast %xor3A_295 : i32 to vector<16xi32>
      %xor3A_297 = arith.xori %iota3A, %xor3A_296 : vector<16xi32>
      %broadcast_in_dim3A_298 = vector.shape_cast %xor3A_297 : vector<16xi32> to vector<16x1xi32>
      %gather3A_299 = vector.shape_cast %broadcast_in_dim3A_298 : vector<16x1xi32> to vector<16xi32>
      %gather3A_300 = tpu.dynamic_gather %add3A_294[%gather3A_299] in [0] : vector<16xf32>, vector<16xi32> -> vector<16xf32>
      %add3A_301 = arith.addf %add3A_294, %gather3A_300 : vector<16xf32>
      %xor3A_302 = arith.constant 4 : i32
      %xor3A_303 = vector.broadcast %xor3A_302 : i32 to vector<16xi32>
      %xor3A_304 = arith.xori %iota3A, %xor3A_303 : vector<16xi32>
      %broadcast_in_dim3A_305 = vector.shape_cast %xor3A_304 : vector<16xi32> to vector<16x1xi32>
      %gather3A_306 = vector.shape_cast %broadcast_in_dim3A_305 : vector<16x1xi32> to vector<16xi32>
      %gather3A_307 = tpu.dynamic_gather %add3A_301[%gather3A_306] in [0] : vector<16xf32>, vector<16xi32> -> vector<16xf32>
      %add3A_308 = arith.addf %add3A_301, %gather3A_307 : vector<16xf32>
      %xor3A_309 = arith.constant 8 : i32
      %xor3A_310 = vector.broadcast %xor3A_309 : i32 to vector<16xi32>
      %xor3A_311 = arith.xori %iota3A, %xor3A_310 : vector<16xi32>
      %broadcast_in_dim3A_312 = vector.shape_cast %xor3A_311 : vector<16xi32> to vector<16x1xi32>
      %gather3A_313 = vector.shape_cast %broadcast_in_dim3A_312 : vector<16x1xi32> to vector<16xi32>
      %gather3A_314 = tpu.dynamic_gather %add3A_308[%gather3A_313] in [0] : vector<16xf32>, vector<16xi32> -> vector<16xf32>
      %add3A_315 = arith.addf %add3A_308, %gather3A_314 : vector<16xf32>
      %broadcast_in_dim3A_316 = arith.constant 3 : i32
      %broadcast_in_dim3A_317 = vector.broadcast %broadcast_in_dim3A_316 : i32 to vector<16xi32>
      %broadcast_in_dim3A_318 = vector.shape_cast %broadcast_in_dim3A_317 : vector<16xi32> to vector<16x1xi32>
      %gather3A_319 = vector.shape_cast %broadcast_in_dim3A_318 : vector<16x1xi32> to vector<16xi32>
      %gather3A_320 = tpu.dynamic_gather %get3A_176[%gather3A_319] in [0] : vector<16xf32>, vector<16xi32> -> vector<16xf32>
      %add3A_321 = arith.addf %add3A_315, %gather3A_320 : vector<16xf32>
      %max3A_322 = arith.constant 0.000000e+00 : f32
      %max3A_323 = vector.broadcast %max3A_322 : f32 to vector<16xf32>
      %max3A_324 = arith.maximumf %add3A_321, %max3A_323 : vector<16xf32>
      %max3A_325 = arith.maximumf %max3A_213, %max3A_250 : vector<16xf32>
      %max3A_326 = arith.maximumf %max3A_287, %max3A_324 : vector<16xf32>
      %max3A_327 = arith.maximumf %max3A_325, %max3A_326 : vector<16xf32>
      %sub3A_328 = arith.subf %max3A_325, %max3A_327 : vector<16xf32>
      %exp3A_329 = math.exp %sub3A_328 : vector<16xf32>
      %sub3A_330 = arith.subf %max3A_326, %max3A_327 : vector<16xf32>
      %exp3A_331 = math.exp %sub3A_330 : vector<16xf32>
      %add3A_332 = arith.addf %exp3A_329, %exp3A_331 : vector<16xf32>
      %div3A_333 = arith.divf %exp3A_329, %add3A_332 : vector<16xf32>
      %div3A_334 = arith.divf %exp3A_331, %add3A_332 : vector<16xf32>
      %ge3A_335 = arith.cmpf oge, %div3A_333, %div3A_334 : vector<16xf32>
      %jit3A_336 = arith.constant 0 : i32
      %jit3A_337 = arith.constant 1 : i32
      %broadcast_in_dim3A_338 = vector.broadcast %jit3A_336 : i32 to vector<16xi32>
      %broadcast_in_dim3A_339 = vector.broadcast %jit3A_337 : i32 to vector<16xi32>
      %select_n3A_340 = arith.select %ge3A_335, %broadcast_in_dim3A_338, %broadcast_in_dim3A_339 : vector<16xi1>, vector<16xi32>
      %eq3A_341 = arith.constant 1 : i32
      %eq3A_342 = vector.broadcast %eq3A_341 : i32 to vector<16xi32>
      %eq3A_343 = arith.cmpi eq, %iota3A, %eq3A_342 : vector<16xi32>
      %select_n3A_344 = arith.select %eq3A_343, %select_n3A_340, %select_n3A : vector<16xi1>, vector<16xi32>
      %swap3A = arith.constant 0 : index
      %swap3A_345 = tpu.vector_load %arg11[%swap3A] {strides = array<i32>} : memref<16xi32, #tpu.memory_space<vmem>>, vector<16xi32>,
      %swap3A_346 = vector.shape_cast %swap3A_345 : vector<16xi32> to vector<16xi32>
      %swap3A_347 = vector.shape_cast %select_n3A_344 : vector<16xi32> to vector<16xi32>
      tpu.vector_store %arg11[%swap3A], %swap3A_347 {strides = array<i32>} : memref<16xi32, #tpu.memory_space<vmem>>, vector<16xi32>,
      "tpu.region"() ({
        %run_scoped3A = tpu.sem_alloc : memref<!tpu.dma_semaphore, #tpu.memory_space<semaphore_mem>>
        tpu.enqueue_dma source(%arg11 : memref<16xi32, #tpu.memory_space<vmem>>) target(%arg7 : memref<16xi32, #tpu.memory_space<hbm>>) target_semaphore(%run_scoped3A : memref<!tpu.dma_semaphore, #tpu.memory_space<semaphore_mem>>)
        tpu.wait_dma2 semaphore(%run_scoped3A : memref<!tpu.dma_semaphore, #tpu.memory_space<semaphore_mem>>) src(%arg11 : memref<16xi32, #tpu.memory_space<vmem>>) dst(%arg7 : memref<16xi32, #tpu.memory_space<hbm>>)
        tpu.yield
      }) : () -> ()
    } else {
    }
    return
  }
}

module attributes {stable_mosaic.version = 14 : i64} {
  func.func @_combine_kernel(%arg0: memref<1x2048xf32, #tpu.memory_space<vmem>>, %arg1: memref<4x2048xf32, #tpu.memory_space<vmem>>, %arg2: memref<4xf32, #tpu.memory_space<smem>>, %arg3: memref<4x2048xf32, #tpu.memory_space<vmem>>, %arg4: memref<4xf32, #tpu.memory_space<smem>>, %arg5: memref<4x2048x2048xf32, #tpu.memory_space<any>>, %arg6: memref<4x2048x2048xf32, #tpu.memory_space<any>>, %arg7: memref<4x2048xf32, #tpu.memory_space<vmem>>, %arg8: memref<4x2048xf32, #tpu.memory_space<vmem>>, %arg9: memref<1x2048xf32, #tpu.memory_space<vmem>>, %arg10: memref<6x256x2048xf32, #tpu.memory_space<vmem>>, %arg11: memref<6x256x2048xf32, #tpu.memory_space<vmem>>, %arg12: memref<6x!tpu.dma_semaphore, #tpu.memory_space<semaphore_mem>>, %arg13: memref<6x!tpu.dma_semaphore, #tpu.memory_space<semaphore_mem>>) attributes {dimension_semantics = [], scalar_prefetch = 0 : i64, scratch_operands = 4 : i64, tpu.core_type = #tpu.core_type<tc>} {
    %get3A = arith.constant 0 : index
    %get3A_0 = arith.constant 0 : index
    %get3A_1 = vector.load %arg0[%get3A, %get3A_0] : memref<1x2048xf32, #tpu.memory_space<vmem>>, vector<1x2048xf32>
    %get3A_2 = arith.constant 0 : index
    %get3A_3 = arith.constant 0 : index
    %get3A_4 = vector.load %arg1[%get3A_2, %get3A_3] : memref<4x2048xf32, #tpu.memory_space<vmem>>, vector<1x2048xf32>
    %mul3A = arith.mulf %get3A_1, %get3A_4 : vector<1x2048xf32>
    %reduce_sum3A = vector.shape_cast %mul3A : vector<1x2048xf32> to vector<1x1x2048xf32>
    %reduce_sum3A_5 = arith.constant dense<0.000000e+00> : vector<1xf32>
    %reduce_sum3A_6 = vector.multi_reduction <add>, %reduce_sum3A, %reduce_sum3A_5 [1, 2] : vector<1x1x2048xf32> to vector<1xf32>
    %reduce_sum3A_7 = vector.shape_cast %reduce_sum3A_6 : vector<1xf32> to vector<1x1x1xf32>
    %reduce_sum3A_8 = vector.extract %reduce_sum3A_7[0, 0, 0] : f32 from vector<1x1x1xf32>
    %get3A_9 = arith.constant 0 : index
    %get3A_10 = memref.load %arg2[%get3A_9] : memref<4xf32, #tpu.memory_space<smem>>
    %add3A = arith.addf %reduce_sum3A_8, %get3A_10 : f32
    %max3A = arith.constant 0.000000e+00 : f32
    %max3A_11 = arith.maximumf %add3A, %max3A : f32
    %get3A_12 = arith.constant 1 : index
    %get3A_13 = arith.constant 0 : index
    %get3A_14 = vector.load %arg1[%get3A_12, %get3A_13] : memref<4x2048xf32, #tpu.memory_space<vmem>>, vector<1x2048xf32>
    %mul3A_15 = arith.mulf %get3A_1, %get3A_14 : vector<1x2048xf32>
    %reduce_sum3A_16 = vector.shape_cast %mul3A_15 : vector<1x2048xf32> to vector<1x1x2048xf32>
    %reduce_sum3A_17 = arith.constant dense<0.000000e+00> : vector<1xf32>
    %reduce_sum3A_18 = vector.multi_reduction <add>, %reduce_sum3A_16, %reduce_sum3A_17 [1, 2] : vector<1x1x2048xf32> to vector<1xf32>
    %reduce_sum3A_19 = vector.shape_cast %reduce_sum3A_18 : vector<1xf32> to vector<1x1x1xf32>
    %reduce_sum3A_20 = vector.extract %reduce_sum3A_19[0, 0, 0] : f32 from vector<1x1x1xf32>
    %get3A_21 = arith.constant 1 : index
    %get3A_22 = memref.load %arg2[%get3A_21] : memref<4xf32, #tpu.memory_space<smem>>
    %add3A_23 = arith.addf %reduce_sum3A_20, %get3A_22 : f32
    %max3A_24 = arith.constant 0.000000e+00 : f32
    %max3A_25 = arith.maximumf %add3A_23, %max3A_24 : f32
    %get3A_26 = arith.constant 2 : index
    %get3A_27 = arith.constant 0 : index
    %get3A_28 = vector.load %arg1[%get3A_26, %get3A_27] : memref<4x2048xf32, #tpu.memory_space<vmem>>, vector<1x2048xf32>
    %mul3A_29 = arith.mulf %get3A_1, %get3A_28 : vector<1x2048xf32>
    %reduce_sum3A_30 = vector.shape_cast %mul3A_29 : vector<1x2048xf32> to vector<1x1x2048xf32>
    %reduce_sum3A_31 = arith.constant dense<0.000000e+00> : vector<1xf32>
    %reduce_sum3A_32 = vector.multi_reduction <add>, %reduce_sum3A_30, %reduce_sum3A_31 [1, 2] : vector<1x1x2048xf32> to vector<1xf32>
    %reduce_sum3A_33 = vector.shape_cast %reduce_sum3A_32 : vector<1xf32> to vector<1x1x1xf32>
    %reduce_sum3A_34 = vector.extract %reduce_sum3A_33[0, 0, 0] : f32 from vector<1x1x1xf32>
    %get3A_35 = arith.constant 2 : index
    %get3A_36 = memref.load %arg2[%get3A_35] : memref<4xf32, #tpu.memory_space<smem>>
    %add3A_37 = arith.addf %reduce_sum3A_34, %get3A_36 : f32
    %max3A_38 = arith.constant 0.000000e+00 : f32
    %max3A_39 = arith.maximumf %add3A_37, %max3A_38 : f32
    %get3A_40 = arith.constant 3 : index
    %get3A_41 = arith.constant 0 : index
    %get3A_42 = vector.load %arg1[%get3A_40, %get3A_41] : memref<4x2048xf32, #tpu.memory_space<vmem>>, vector<1x2048xf32>
    %mul3A_43 = arith.mulf %get3A_1, %get3A_42 : vector<1x2048xf32>
    %reduce_sum3A_44 = vector.shape_cast %mul3A_43 : vector<1x2048xf32> to vector<1x1x2048xf32>
    %reduce_sum3A_45 = arith.constant dense<0.000000e+00> : vector<1xf32>
    %reduce_sum3A_46 = vector.multi_reduction <add>, %reduce_sum3A_44, %reduce_sum3A_45 [1, 2] : vector<1x1x2048xf32> to vector<1xf32>
    %reduce_sum3A_47 = vector.shape_cast %reduce_sum3A_46 : vector<1xf32> to vector<1x1x1xf32>
    %reduce_sum3A_48 = vector.extract %reduce_sum3A_47[0, 0, 0] : f32 from vector<1x1x1xf32>
    %get3A_49 = arith.constant 3 : index
    %get3A_50 = memref.load %arg2[%get3A_49] : memref<4xf32, #tpu.memory_space<smem>>
    %add3A_51 = arith.addf %reduce_sum3A_48, %get3A_50 : f32
    %max3A_52 = arith.constant 0.000000e+00 : f32
    %max3A_53 = arith.maximumf %add3A_51, %max3A_52 : f32
    %ge3A = arith.cmpf oge, %max3A_11, %max3A_25 : f32
    %jit3A = arith.constant 0 : i32
    %jit3A_54 = arith.constant 1 : i32
    %select_n3A = arith.select %ge3A, %jit3A, %jit3A_54 : i32
    %max3A_55 = arith.maximumf %max3A_11, %max3A_25 : f32
    %ge3A_56 = arith.cmpf oge, %max3A_39, %max3A_53 : f32
    %jit3A_57 = arith.constant 2 : i32
    %jit3A_58 = arith.constant 3 : i32
    %select_n3A_59 = arith.select %ge3A_56, %jit3A_57, %jit3A_58 : i32
    %max3A_60 = arith.maximumf %max3A_39, %max3A_53 : f32
    %max3A_61 = arith.maximumf %max3A_55, %max3A_60 : f32
    %sub3A = arith.subf %max3A_55, %max3A_61 : f32
    %broadcast_in_dim3A = vector.broadcast %sub3A : f32 to vector<1x1xf32>
    %exp3A = math.exp %broadcast_in_dim3A : vector<1x1xf32>
    %sub3A_62 = arith.subf %max3A_60, %max3A_61 : f32
    %broadcast_in_dim3A_63 = vector.broadcast %sub3A_62 : f32 to vector<1x1xf32>
    %exp3A_64 = math.exp %broadcast_in_dim3A_63 : vector<1x1xf32>
    %add3A_65 = arith.addf %exp3A, %exp3A_64 : vector<1x1xf32>
    %div3A = arith.divf %exp3A, %add3A_65 : vector<1x1xf32>
    %div3A_66 = arith.divf %exp3A_64, %add3A_65 : vector<1x1xf32>
    %get3A_67 = arith.constant 0 : index
    %get3A_68 = arith.constant 0 : index
    %get3A_69 = vector.load %arg3[%get3A_67, %get3A_68] : memref<4x2048xf32, #tpu.memory_space<vmem>>, vector<1x2048xf32>
    %mul3A_70 = arith.mulf %get3A_1, %get3A_69 : vector<1x2048xf32>
    %reduce_sum3A_71 = vector.shape_cast %mul3A_70 : vector<1x2048xf32> to vector<1x1x2048xf32>
    %reduce_sum3A_72 = arith.constant dense<0.000000e+00> : vector<1xf32>
    %reduce_sum3A_73 = vector.multi_reduction <add>, %reduce_sum3A_71, %reduce_sum3A_72 [1, 2] : vector<1x1x2048xf32> to vector<1xf32>
    %reduce_sum3A_74 = vector.shape_cast %reduce_sum3A_73 : vector<1xf32> to vector<1x1x1xf32>
    %reduce_sum3A_75 = vector.extract %reduce_sum3A_74[0, 0, 0] : f32 from vector<1x1x1xf32>
    %get3A_76 = arith.constant 0 : index
    %get3A_77 = memref.load %arg4[%get3A_76] : memref<4xf32, #tpu.memory_space<smem>>
    %add3A_78 = arith.addf %reduce_sum3A_75, %get3A_77 : f32
    %max3A_79 = arith.constant 0.000000e+00 : f32
    %max3A_80 = arith.maximumf %add3A_78, %max3A_79 : f32
    %get3A_81 = arith.constant 1 : index
    %get3A_82 = arith.constant 0 : index
    %get3A_83 = vector.load %arg3[%get3A_81, %get3A_82] : memref<4x2048xf32, #tpu.memory_space<vmem>>, vector<1x2048xf32>
    %mul3A_84 = arith.mulf %get3A_1, %get3A_83 : vector<1x2048xf32>
    %reduce_sum3A_85 = vector.shape_cast %mul3A_84 : vector<1x2048xf32> to vector<1x1x2048xf32>
    %reduce_sum3A_86 = arith.constant dense<0.000000e+00> : vector<1xf32>
    %reduce_sum3A_87 = vector.multi_reduction <add>, %reduce_sum3A_85, %reduce_sum3A_86 [1, 2] : vector<1x1x2048xf32> to vector<1xf32>
    %reduce_sum3A_88 = vector.shape_cast %reduce_sum3A_87 : vector<1xf32> to vector<1x1x1xf32>
    %reduce_sum3A_89 = vector.extract %reduce_sum3A_88[0, 0, 0] : f32 from vector<1x1x1xf32>
    %get3A_90 = arith.constant 1 : index
    %get3A_91 = memref.load %arg4[%get3A_90] : memref<4xf32, #tpu.memory_space<smem>>
    %add3A_92 = arith.addf %reduce_sum3A_89, %get3A_91 : f32
    %max3A_93 = arith.constant 0.000000e+00 : f32
    %max3A_94 = arith.maximumf %add3A_92, %max3A_93 : f32
    %get3A_95 = arith.constant 2 : index
    %get3A_96 = arith.constant 0 : index
    %get3A_97 = vector.load %arg3[%get3A_95, %get3A_96] : memref<4x2048xf32, #tpu.memory_space<vmem>>, vector<1x2048xf32>
    %mul3A_98 = arith.mulf %get3A_1, %get3A_97 : vector<1x2048xf32>
    %reduce_sum3A_99 = vector.shape_cast %mul3A_98 : vector<1x2048xf32> to vector<1x1x2048xf32>
    %reduce_sum3A_100 = arith.constant dense<0.000000e+00> : vector<1xf32>
    %reduce_sum3A_101 = vector.multi_reduction <add>, %reduce_sum3A_99, %reduce_sum3A_100 [1, 2] : vector<1x1x2048xf32> to vector<1xf32>
    %reduce_sum3A_102 = vector.shape_cast %reduce_sum3A_101 : vector<1xf32> to vector<1x1x1xf32>
    %reduce_sum3A_103 = vector.extract %reduce_sum3A_102[0, 0, 0] : f32 from vector<1x1x1xf32>
    %get3A_104 = arith.constant 2 : index
    %get3A_105 = memref.load %arg4[%get3A_104] : memref<4xf32, #tpu.memory_space<smem>>
    %add3A_106 = arith.addf %reduce_sum3A_103, %get3A_105 : f32
    %max3A_107 = arith.constant 0.000000e+00 : f32
    %max3A_108 = arith.maximumf %add3A_106, %max3A_107 : f32
    %get3A_109 = arith.constant 3 : index
    %get3A_110 = arith.constant 0 : index
    %get3A_111 = vector.load %arg3[%get3A_109, %get3A_110] : memref<4x2048xf32, #tpu.memory_space<vmem>>, vector<1x2048xf32>
    %mul3A_112 = arith.mulf %get3A_1, %get3A_111 : vector<1x2048xf32>
    %reduce_sum3A_113 = vector.shape_cast %mul3A_112 : vector<1x2048xf32> to vector<1x1x2048xf32>
    %reduce_sum3A_114 = arith.constant dense<0.000000e+00> : vector<1xf32>
    %reduce_sum3A_115 = vector.multi_reduction <add>, %reduce_sum3A_113, %reduce_sum3A_114 [1, 2] : vector<1x1x2048xf32> to vector<1xf32>
    %reduce_sum3A_116 = vector.shape_cast %reduce_sum3A_115 : vector<1xf32> to vector<1x1x1xf32>
    %reduce_sum3A_117 = vector.extract %reduce_sum3A_116[0, 0, 0] : f32 from vector<1x1x1xf32>
    %get3A_118 = arith.constant 3 : index
    %get3A_119 = memref.load %arg4[%get3A_118] : memref<4xf32, #tpu.memory_space<smem>>
    %add3A_120 = arith.addf %reduce_sum3A_117, %get3A_119 : f32
    %max3A_121 = arith.constant 0.000000e+00 : f32
    %max3A_122 = arith.maximumf %add3A_120, %max3A_121 : f32
    %ge3A_123 = arith.cmpf oge, %max3A_80, %max3A_94 : f32
    %jit3A_124 = arith.constant 0 : i32
    %jit3A_125 = arith.constant 1 : i32
    %select_n3A_126 = arith.select %ge3A_123, %jit3A_124, %jit3A_125 : i32
    %max3A_127 = arith.maximumf %max3A_80, %max3A_94 : f32
    %ge3A_128 = arith.cmpf oge, %max3A_108, %max3A_122 : f32
    %jit3A_129 = arith.constant 2 : i32
    %jit3A_130 = arith.constant 3 : i32
    %select_n3A_131 = arith.select %ge3A_128, %jit3A_129, %jit3A_130 : i32
    %max3A_132 = arith.maximumf %max3A_108, %max3A_122 : f32
    %max3A_133 = arith.maximumf %max3A_127, %max3A_132 : f32
    %sub3A_134 = arith.subf %max3A_127, %max3A_133 : f32
    %broadcast_in_dim3A_135 = vector.broadcast %sub3A_134 : f32 to vector<1x1xf32>
    %exp3A_136 = math.exp %broadcast_in_dim3A_135 : vector<1x1xf32>
    %sub3A_137 = arith.subf %max3A_132, %max3A_133 : f32
    %broadcast_in_dim3A_138 = vector.broadcast %sub3A_137 : f32 to vector<1x1xf32>
    %exp3A_139 = math.exp %broadcast_in_dim3A_138 : vector<1x1xf32>
    %add3A_140 = arith.addf %exp3A_136, %exp3A_139 : vector<1x1xf32>
    %div3A_141 = arith.divf %exp3A_136, %add3A_140 : vector<1x1xf32>
    %div3A_142 = arith.divf %exp3A_139, %add3A_140 : vector<1x1xf32>
    %iota3A = tpu.iota {dimensions = array<i32: 0>} : vector<4x1xi32>
    %eq3A = vector.broadcast %select_n3A : i32 to vector<4x1xi32>
    %eq3A_143 = arith.cmpi eq, %iota3A, %eq3A : vector<4x1xi32>
    %jit3A_144 = arith.constant 0.000000e+00 : f32
    %broadcast_in_dim3A_145 = vector.shape_cast %div3A : vector<1x1xf32> to vector<1x1xf32>
    %broadcast_in_dim3A_146 = vector.broadcast %broadcast_in_dim3A_145 : vector<1x1xf32> to vector<4x1xf32>
    %broadcast_in_dim3A_147 = vector.broadcast %jit3A_144 : f32 to vector<4x1xf32>
    %select_n3A_148 = arith.select %eq3A_143, %broadcast_in_dim3A_146, %broadcast_in_dim3A_147 : vector<4x1xi1>, vector<4x1xf32>
    %eq3A_149 = vector.broadcast %select_n3A_59 : i32 to vector<4x1xi32>
    %eq3A_150 = arith.cmpi eq, %iota3A, %eq3A_149 : vector<4x1xi32>
    %jit3A_151 = arith.constant 0.000000e+00 : f32
    %broadcast_in_dim3A_152 = vector.shape_cast %div3A_66 : vector<1x1xf32> to vector<1x1xf32>
    %broadcast_in_dim3A_153 = vector.broadcast %broadcast_in_dim3A_152 : vector<1x1xf32> to vector<4x1xf32>
    %broadcast_in_dim3A_154 = vector.broadcast %jit3A_151 : f32 to vector<4x1xf32>
    %select_n3A_155 = arith.select %eq3A_150, %broadcast_in_dim3A_153, %broadcast_in_dim3A_154 : vector<4x1xi1>, vector<4x1xf32>
    %add3A_156 = arith.addf %select_n3A_148, %select_n3A_155 : vector<4x1xf32>
    %eq3A_157 = vector.broadcast %select_n3A_126 : i32 to vector<4x1xi32>
    %eq3A_158 = arith.cmpi eq, %iota3A, %eq3A_157 : vector<4x1xi32>
    %jit3A_159 = arith.constant 0.000000e+00 : f32
    %broadcast_in_dim3A_160 = vector.shape_cast %div3A_141 : vector<1x1xf32> to vector<1x1xf32>
    %broadcast_in_dim3A_161 = vector.broadcast %broadcast_in_dim3A_160 : vector<1x1xf32> to vector<4x1xf32>
    %broadcast_in_dim3A_162 = vector.broadcast %jit3A_159 : f32 to vector<4x1xf32>
    %select_n3A_163 = arith.select %eq3A_158, %broadcast_in_dim3A_161, %broadcast_in_dim3A_162 : vector<4x1xi1>, vector<4x1xf32>
    %eq3A_164 = vector.broadcast %select_n3A_131 : i32 to vector<4x1xi32>
    %eq3A_165 = arith.cmpi eq, %iota3A, %eq3A_164 : vector<4x1xi32>
    %jit3A_166 = arith.constant 0.000000e+00 : f32
    %broadcast_in_dim3A_167 = vector.shape_cast %div3A_142 : vector<1x1xf32> to vector<1x1xf32>
    %broadcast_in_dim3A_168 = vector.broadcast %broadcast_in_dim3A_167 : vector<1x1xf32> to vector<4x1xf32>
    %broadcast_in_dim3A_169 = vector.broadcast %jit3A_166 : f32 to vector<4x1xf32>
    %select_n3A_170 = arith.select %eq3A_165, %broadcast_in_dim3A_168, %broadcast_in_dim3A_169 : vector<4x1xi1>, vector<4x1xf32>
    %add3A_171 = arith.addf %select_n3A_163, %select_n3A_170 : vector<4x1xf32>
    %get3A_172 = arith.constant 0 : index
    %get3A_173 = arith.constant 0 : index
    %get3A_174 = vector.load %arg7[%get3A_172, %get3A_173] : memref<4x2048xf32, #tpu.memory_space<vmem>>, vector<4x2048xf32>
    %mul3A_175 = vector.broadcast %add3A_156 : vector<4x1xf32> to vector<4x2048xf32>
    %mul3A_176 = arith.mulf %mul3A_175, %get3A_174 : vector<4x2048xf32>
    %reduce_sum3A_177 = arith.constant dense<0.000000e+00> : vector<2048xf32>
    %reduce_sum3A_178 = vector.multi_reduction <add>, %mul3A_176, %reduce_sum3A_177 [0] : vector<4x2048xf32> to vector<2048xf32>
    %broadcast_in_dim3A_179 = vector.shape_cast %reduce_sum3A_178 : vector<2048xf32> to vector<1x2048xf32>
    %get3A_180 = arith.constant 0 : index
    %get3A_181 = arith.constant 0 : index
    %get3A_182 = vector.load %arg8[%get3A_180, %get3A_181] : memref<4x2048xf32, #tpu.memory_space<vmem>>, vector<4x2048xf32>
    %mul3A_183 = vector.broadcast %add3A_171 : vector<4x1xf32> to vector<4x2048xf32>
    %mul3A_184 = arith.mulf %mul3A_183, %get3A_182 : vector<4x2048xf32>
    %reduce_sum3A_185 = arith.constant dense<0.000000e+00> : vector<2048xf32>
    %reduce_sum3A_186 = vector.multi_reduction <add>, %mul3A_184, %reduce_sum3A_185 [0] : vector<4x2048xf32> to vector<2048xf32>
    %broadcast_in_dim3A_187 = vector.shape_cast %reduce_sum3A_186 : vector<2048xf32> to vector<1x2048xf32>
    %add3A_188 = arith.addf %broadcast_in_dim3A_179, %broadcast_in_dim3A_187 : vector<1x2048xf32>
    %swap3A = arith.constant 0 : index
    %swap3A_189 = arith.constant 0 : index
    %swap3A_190 = vector.load %arg9[%swap3A, %swap3A_189] : memref<1x2048xf32, #tpu.memory_space<vmem>>, vector<1x2048xf32>
    tpu.vector_store %arg9[%swap3A, %swap3A_189], %add3A_188 {strides = array<i32>} : memref<1x2048xf32, #tpu.memory_space<vmem>>, vector<1x2048xf32>,
    %dma_start3A = arith.constant 0 : i32
    %dma_start3A_191 = arith.constant 0 : i32
    %dma_start3A_192 = tpu.memref_slice %arg12[%dma_start3A_191] : memref<6x!tpu.dma_semaphore, #tpu.memory_space<semaphore_mem>> -> memref<1x!tpu.dma_semaphore, #tpu.memory_space<semaphore_mem>>
    %dma_start3A_193 = tpu.memref_squeeze %dma_start3A_192 : memref<1x!tpu.dma_semaphore, #tpu.memory_space<semaphore_mem>> -> memref<!tpu.dma_semaphore, #tpu.memory_space<semaphore_mem>>
    %dma_start3A_194 = arith.constant 0 : i32
    %dma_start3A_195 = arith.constant 0 : i32
    %dma_start3A_196 = tpu.memref_slice %arg10[%dma_start3A, %dma_start3A_194, %dma_start3A_195] : memref<6x256x2048xf32, #tpu.memory_space<vmem>> -> memref<1x256x2048xf32, #tpu.memory_space<vmem>>
    %dma_start3A_197 = tpu.memref_squeeze %dma_start3A_196 : memref<1x256x2048xf32, #tpu.memory_space<vmem>> -> memref<256x2048xf32, #tpu.memory_space<vmem>>
    %dma_start3A_198 = arith.constant 0 : i32
    %dma_start3A_199 = arith.constant 0 : i32
    %dma_start3A_200 = tpu.memref_slice %arg5[%select_n3A, %dma_start3A_198, %dma_start3A_199] : memref<4x2048x2048xf32, #tpu.memory_space<any>> -> memref<1x256x2048xf32, #tpu.memory_space<any>>
    %dma_start3A_201 = tpu.memref_squeeze %dma_start3A_200 : memref<1x256x2048xf32, #tpu.memory_space<any>> -> memref<256x2048xf32, #tpu.memory_space<any>>
    tpu.enqueue_dma source(%dma_start3A_201 : memref<256x2048xf32, #tpu.memory_space<any>>) target(%dma_start3A_197 : memref<256x2048xf32, #tpu.memory_space<vmem>>) target_semaphore(%dma_start3A_193 : memref<!tpu.dma_semaphore, #tpu.memory_space<semaphore_mem>>)
    %dma_start3A_202 = arith.constant 0 : i32
    %dma_start3A_203 = arith.constant 0 : i32
    %dma_start3A_204 = tpu.memref_slice %arg13[%dma_start3A_203] : memref<6x!tpu.dma_semaphore, #tpu.memory_space<semaphore_mem>> -> memref<1x!tpu.dma_semaphore, #tpu.memory_space<semaphore_mem>>
    %dma_start3A_205 = tpu.memref_squeeze %dma_start3A_204 : memref<1x!tpu.dma_semaphore, #tpu.memory_space<semaphore_mem>> -> memref<!tpu.dma_semaphore, #tpu.memory_space<semaphore_mem>>
    %dma_start3A_206 = arith.constant 0 : i32
    %dma_start3A_207 = arith.constant 0 : i32
    %dma_start3A_208 = tpu.memref_slice %arg11[%dma_start3A_202, %dma_start3A_206, %dma_start3A_207] : memref<6x256x2048xf32, #tpu.memory_space<vmem>> -> memref<1x256x2048xf32, #tpu.memory_space<vmem>>
    %dma_start3A_209 = tpu.memref_squeeze %dma_start3A_208 : memref<1x256x2048xf32, #tpu.memory_space<vmem>> -> memref<256x2048xf32, #tpu.memory_space<vmem>>
    %dma_start3A_210 = arith.constant 0 : i32
    %dma_start3A_211 = arith.constant 0 : i32
    %dma_start3A_212 = tpu.memref_slice %arg6[%select_n3A_126, %dma_start3A_210, %dma_start3A_211] : memref<4x2048x2048xf32, #tpu.memory_space<any>> -> memref<1x256x2048xf32, #tpu.memory_space<any>>
    %dma_start3A_213 = tpu.memref_squeeze %dma_start3A_212 : memref<1x256x2048xf32, #tpu.memory_space<any>> -> memref<256x2048xf32, #tpu.memory_space<any>>
    tpu.enqueue_dma source(%dma_start3A_213 : memref<256x2048xf32, #tpu.memory_space<any>>) target(%dma_start3A_209 : memref<256x2048xf32, #tpu.memory_space<vmem>>) target_semaphore(%dma_start3A_205 : memref<!tpu.dma_semaphore, #tpu.memory_space<semaphore_mem>>)
    %dma_start3A_214 = arith.constant 1 : i32
    %dma_start3A_215 = arith.constant 1 : i32
    %dma_start3A_216 = tpu.memref_slice %arg12[%dma_start3A_215] : memref<6x!tpu.dma_semaphore, #tpu.memory_space<semaphore_mem>> -> memref<1x!tpu.dma_semaphore, #tpu.memory_space<semaphore_mem>>
    %dma_start3A_217 = tpu.memref_squeeze %dma_start3A_216 : memref<1x!tpu.dma_semaphore, #tpu.memory_space<semaphore_mem>> -> memref<!tpu.dma_semaphore, #tpu.memory_space<semaphore_mem>>
    %dma_start3A_218 = arith.constant 0 : i32
    %dma_start3A_219 = arith.constant 0 : i32
    %dma_start3A_220 = tpu.memref_slice %arg10[%dma_start3A_214, %dma_start3A_218, %dma_start3A_219] : memref<6x256x2048xf32, #tpu.memory_space<vmem>> -> memref<1x256x2048xf32, #tpu.memory_space<vmem>>
    %dma_start3A_221 = tpu.memref_squeeze %dma_start3A_220 : memref<1x256x2048xf32, #tpu.memory_space<vmem>> -> memref<256x2048xf32, #tpu.memory_space<vmem>>
    %dma_start3A_222 = arith.constant 0 : i32
    %dma_start3A_223 = arith.constant 0 : i32
    %dma_start3A_224 = tpu.memref_slice %arg5[%select_n3A_59, %dma_start3A_222, %dma_start3A_223] : memref<4x2048x2048xf32, #tpu.memory_space<any>> -> memref<1x256x2048xf32, #tpu.memory_space<any>>
    %dma_start3A_225 = tpu.memref_squeeze %dma_start3A_224 : memref<1x256x2048xf32, #tpu.memory_space<any>> -> memref<256x2048xf32, #tpu.memory_space<any>>
    tpu.enqueue_dma source(%dma_start3A_225 : memref<256x2048xf32, #tpu.memory_space<any>>) target(%dma_start3A_221 : memref<256x2048xf32, #tpu.memory_space<vmem>>) target_semaphore(%dma_start3A_217 : memref<!tpu.dma_semaphore, #tpu.memory_space<semaphore_mem>>)
    %dma_start3A_226 = arith.constant 1 : i32
    %dma_start3A_227 = arith.constant 1 : i32
    %dma_start3A_228 = tpu.memref_slice %arg13[%dma_start3A_227] : memref<6x!tpu.dma_semaphore, #tpu.memory_space<semaphore_mem>> -> memref<1x!tpu.dma_semaphore, #tpu.memory_space<semaphore_mem>>
    %dma_start3A_229 = tpu.memref_squeeze %dma_start3A_228 : memref<1x!tpu.dma_semaphore, #tpu.memory_space<semaphore_mem>> -> memref<!tpu.dma_semaphore, #tpu.memory_space<semaphore_mem>>
    %dma_start3A_230 = arith.constant 0 : i32
    %dma_start3A_231 = arith.constant 0 : i32
    %dma_start3A_232 = tpu.memref_slice %arg11[%dma_start3A_226, %dma_start3A_230, %dma_start3A_231] : memref<6x256x2048xf32, #tpu.memory_space<vmem>> -> memref<1x256x2048xf32, #tpu.memory_space<vmem>>
    %dma_start3A_233 = tpu.memref_squeeze %dma_start3A_232 : memref<1x256x2048xf32, #tpu.memory_space<vmem>> -> memref<256x2048xf32, #tpu.memory_space<vmem>>
    %dma_start3A_234 = arith.constant 0 : i32
    %dma_start3A_235 = arith.constant 0 : i32
    %dma_start3A_236 = tpu.memref_slice %arg6[%select_n3A_131, %dma_start3A_234, %dma_start3A_235] : memref<4x2048x2048xf32, #tpu.memory_space<any>> -> memref<1x256x2048xf32, #tpu.memory_space<any>>
    %dma_start3A_237 = tpu.memref_squeeze %dma_start3A_236 : memref<1x256x2048xf32, #tpu.memory_space<any>> -> memref<256x2048xf32, #tpu.memory_space<any>>
    tpu.enqueue_dma source(%dma_start3A_237 : memref<256x2048xf32, #tpu.memory_space<any>>) target(%dma_start3A_233 : memref<256x2048xf32, #tpu.memory_space<vmem>>) target_semaphore(%dma_start3A_229 : memref<!tpu.dma_semaphore, #tpu.memory_space<semaphore_mem>>)
    %dma_start3A_238 = arith.constant 2 : i32
    %dma_start3A_239 = arith.constant 2 : i32
    %dma_start3A_240 = tpu.memref_slice %arg12[%dma_start3A_239] : memref<6x!tpu.dma_semaphore, #tpu.memory_space<semaphore_mem>> -> memref<1x!tpu.dma_semaphore, #tpu.memory_space<semaphore_mem>>
    %dma_start3A_241 = tpu.memref_squeeze %dma_start3A_240 : memref<1x!tpu.dma_semaphore, #tpu.memory_space<semaphore_mem>> -> memref<!tpu.dma_semaphore, #tpu.memory_space<semaphore_mem>>
    %dma_start3A_242 = arith.constant 0 : i32
    %dma_start3A_243 = arith.constant 0 : i32
    %dma_start3A_244 = tpu.memref_slice %arg10[%dma_start3A_238, %dma_start3A_242, %dma_start3A_243] : memref<6x256x2048xf32, #tpu.memory_space<vmem>> -> memref<1x256x2048xf32, #tpu.memory_space<vmem>>
    %dma_start3A_245 = tpu.memref_squeeze %dma_start3A_244 : memref<1x256x2048xf32, #tpu.memory_space<vmem>> -> memref<256x2048xf32, #tpu.memory_space<vmem>>
    %dma_start3A_246 = arith.constant 256 : i32
    %dma_start3A_247 = arith.constant 0 : i32
    %dma_start3A_248 = tpu.memref_slice %arg5[%select_n3A, %dma_start3A_246, %dma_start3A_247] : memref<4x2048x2048xf32, #tpu.memory_space<any>> -> memref<1x256x2048xf32, #tpu.memory_space<any>>
    %dma_start3A_249 = tpu.memref_squeeze %dma_start3A_248 : memref<1x256x2048xf32, #tpu.memory_space<any>> -> memref<256x2048xf32, #tpu.memory_space<any>>
    tpu.enqueue_dma source(%dma_start3A_249 : memref<256x2048xf32, #tpu.memory_space<any>>) target(%dma_start3A_245 : memref<256x2048xf32, #tpu.memory_space<vmem>>) target_semaphore(%dma_start3A_241 : memref<!tpu.dma_semaphore, #tpu.memory_space<semaphore_mem>>)
    %dma_start3A_250 = arith.constant 2 : i32
    %dma_start3A_251 = arith.constant 2 : i32
    %dma_start3A_252 = tpu.memref_slice %arg13[%dma_start3A_251] : memref<6x!tpu.dma_semaphore, #tpu.memory_space<semaphore_mem>> -> memref<1x!tpu.dma_semaphore, #tpu.memory_space<semaphore_mem>>
    %dma_start3A_253 = tpu.memref_squeeze %dma_start3A_252 : memref<1x!tpu.dma_semaphore, #tpu.memory_space<semaphore_mem>> -> memref<!tpu.dma_semaphore, #tpu.memory_space<semaphore_mem>>
    %dma_start3A_254 = arith.constant 0 : i32
    %dma_start3A_255 = arith.constant 0 : i32
    %dma_start3A_256 = tpu.memref_slice %arg11[%dma_start3A_250, %dma_start3A_254, %dma_start3A_255] : memref<6x256x2048xf32, #tpu.memory_space<vmem>> -> memref<1x256x2048xf32, #tpu.memory_space<vmem>>
    %dma_start3A_257 = tpu.memref_squeeze %dma_start3A_256 : memref<1x256x2048xf32, #tpu.memory_space<vmem>> -> memref<256x2048xf32, #tpu.memory_space<vmem>>
    %dma_start3A_258 = arith.constant 256 : i32
    %dma_start3A_259 = arith.constant 0 : i32
    %dma_start3A_260 = tpu.memref_slice %arg6[%select_n3A_126, %dma_start3A_258, %dma_start3A_259] : memref<4x2048x2048xf32, #tpu.memory_space<any>> -> memref<1x256x2048xf32, #tpu.memory_space<any>>
    %dma_start3A_261 = tpu.memref_squeeze %dma_start3A_260 : memref<1x256x2048xf32, #tpu.memory_space<any>> -> memref<256x2048xf32, #tpu.memory_space<any>>
    tpu.enqueue_dma source(%dma_start3A_261 : memref<256x2048xf32, #tpu.memory_space<any>>) target(%dma_start3A_257 : memref<256x2048xf32, #tpu.memory_space<vmem>>) target_semaphore(%dma_start3A_253 : memref<!tpu.dma_semaphore, #tpu.memory_space<semaphore_mem>>)
    %dma_start3A_262 = arith.constant 3 : i32
    %dma_start3A_263 = arith.constant 3 : i32
    %dma_start3A_264 = tpu.memref_slice %arg12[%dma_start3A_263] : memref<6x!tpu.dma_semaphore, #tpu.memory_space<semaphore_mem>> -> memref<1x!tpu.dma_semaphore, #tpu.memory_space<semaphore_mem>>
    %dma_start3A_265 = tpu.memref_squeeze %dma_start3A_264 : memref<1x!tpu.dma_semaphore, #tpu.memory_space<semaphore_mem>> -> memref<!tpu.dma_semaphore, #tpu.memory_space<semaphore_mem>>
    %dma_start3A_266 = arith.constant 0 : i32
    %dma_start3A_267 = arith.constant 0 : i32
    %dma_start3A_268 = tpu.memref_slice %arg10[%dma_start3A_262, %dma_start3A_266, %dma_start3A_267] : memref<6x256x2048xf32, #tpu.memory_space<vmem>> -> memref<1x256x2048xf32, #tpu.memory_space<vmem>>
    %dma_start3A_269 = tpu.memref_squeeze %dma_start3A_268 : memref<1x256x2048xf32, #tpu.memory_space<vmem>> -> memref<256x2048xf32, #tpu.memory_space<vmem>>
    %dma_start3A_270 = arith.constant 256 : i32
    %dma_start3A_271 = arith.constant 0 : i32
    %dma_start3A_272 = tpu.memref_slice %arg5[%select_n3A_59, %dma_start3A_270, %dma_start3A_271] : memref<4x2048x2048xf32, #tpu.memory_space<any>> -> memref<1x256x2048xf32, #tpu.memory_space<any>>
    %dma_start3A_273 = tpu.memref_squeeze %dma_start3A_272 : memref<1x256x2048xf32, #tpu.memory_space<any>> -> memref<256x2048xf32, #tpu.memory_space<any>>
    tpu.enqueue_dma source(%dma_start3A_273 : memref<256x2048xf32, #tpu.memory_space<any>>) target(%dma_start3A_269 : memref<256x2048xf32, #tpu.memory_space<vmem>>) target_semaphore(%dma_start3A_265 : memref<!tpu.dma_semaphore, #tpu.memory_space<semaphore_mem>>)
    %dma_start3A_274 = arith.constant 3 : i32
    %dma_start3A_275 = arith.constant 3 : i32
    %dma_start3A_276 = tpu.memref_slice %arg13[%dma_start3A_275] : memref<6x!tpu.dma_semaphore, #tpu.memory_space<semaphore_mem>> -> memref<1x!tpu.dma_semaphore, #tpu.memory_space<semaphore_mem>>
    %dma_start3A_277 = tpu.memref_squeeze %dma_start3A_276 : memref<1x!tpu.dma_semaphore, #tpu.memory_space<semaphore_mem>> -> memref<!tpu.dma_semaphore, #tpu.memory_space<semaphore_mem>>
    %dma_start3A_278 = arith.constant 0 : i32
    %dma_start3A_279 = arith.constant 0 : i32
    %dma_start3A_280 = tpu.memref_slice %arg11[%dma_start3A_274, %dma_start3A_278, %dma_start3A_279] : memref<6x256x2048xf32, #tpu.memory_space<vmem>> -> memref<1x256x2048xf32, #tpu.memory_space<vmem>>
    %dma_start3A_281 = tpu.memref_squeeze %dma_start3A_280 : memref<1x256x2048xf32, #tpu.memory_space<vmem>> -> memref<256x2048xf32, #tpu.memory_space<vmem>>
    %dma_start3A_282 = arith.constant 256 : i32
    %dma_start3A_283 = arith.constant 0 : i32
    %dma_start3A_284 = tpu.memref_slice %arg6[%select_n3A_131, %dma_start3A_282, %dma_start3A_283] : memref<4x2048x2048xf32, #tpu.memory_space<any>> -> memref<1x256x2048xf32, #tpu.memory_space<any>>
    %dma_start3A_285 = tpu.memref_squeeze %dma_start3A_284 : memref<1x256x2048xf32, #tpu.memory_space<any>> -> memref<256x2048xf32, #tpu.memory_space<any>>
    tpu.enqueue_dma source(%dma_start3A_285 : memref<256x2048xf32, #tpu.memory_space<any>>) target(%dma_start3A_281 : memref<256x2048xf32, #tpu.memory_space<vmem>>) target_semaphore(%dma_start3A_277 : memref<!tpu.dma_semaphore, #tpu.memory_space<semaphore_mem>>)
    %dma_start3A_286 = arith.constant 4 : i32
    %dma_start3A_287 = arith.constant 4 : i32
    %dma_start3A_288 = tpu.memref_slice %arg12[%dma_start3A_287] : memref<6x!tpu.dma_semaphore, #tpu.memory_space<semaphore_mem>> -> memref<1x!tpu.dma_semaphore, #tpu.memory_space<semaphore_mem>>
    %dma_start3A_289 = tpu.memref_squeeze %dma_start3A_288 : memref<1x!tpu.dma_semaphore, #tpu.memory_space<semaphore_mem>> -> memref<!tpu.dma_semaphore, #tpu.memory_space<semaphore_mem>>
    %dma_start3A_290 = arith.constant 0 : i32
    %dma_start3A_291 = arith.constant 0 : i32
    %dma_start3A_292 = tpu.memref_slice %arg10[%dma_start3A_286, %dma_start3A_290, %dma_start3A_291] : memref<6x256x2048xf32, #tpu.memory_space<vmem>> -> memref<1x256x2048xf32, #tpu.memory_space<vmem>>
    %dma_start3A_293 = tpu.memref_squeeze %dma_start3A_292 : memref<1x256x2048xf32, #tpu.memory_space<vmem>> -> memref<256x2048xf32, #tpu.memory_space<vmem>>
    %dma_start3A_294 = arith.constant 512 : i32
    %dma_start3A_295 = arith.constant 0 : i32
    %dma_start3A_296 = tpu.memref_slice %arg5[%select_n3A, %dma_start3A_294, %dma_start3A_295] : memref<4x2048x2048xf32, #tpu.memory_space<any>> -> memref<1x256x2048xf32, #tpu.memory_space<any>>
    %dma_start3A_297 = tpu.memref_squeeze %dma_start3A_296 : memref<1x256x2048xf32, #tpu.memory_space<any>> -> memref<256x2048xf32, #tpu.memory_space<any>>
    tpu.enqueue_dma source(%dma_start3A_297 : memref<256x2048xf32, #tpu.memory_space<any>>) target(%dma_start3A_293 : memref<256x2048xf32, #tpu.memory_space<vmem>>) target_semaphore(%dma_start3A_289 : memref<!tpu.dma_semaphore, #tpu.memory_space<semaphore_mem>>)
    %dma_start3A_298 = arith.constant 4 : i32
    %dma_start3A_299 = arith.constant 4 : i32
    %dma_start3A_300 = tpu.memref_slice %arg13[%dma_start3A_299] : memref<6x!tpu.dma_semaphore, #tpu.memory_space<semaphore_mem>> -> memref<1x!tpu.dma_semaphore, #tpu.memory_space<semaphore_mem>>
    %dma_start3A_301 = tpu.memref_squeeze %dma_start3A_300 : memref<1x!tpu.dma_semaphore, #tpu.memory_space<semaphore_mem>> -> memref<!tpu.dma_semaphore, #tpu.memory_space<semaphore_mem>>
    %dma_start3A_302 = arith.constant 0 : i32
    %dma_start3A_303 = arith.constant 0 : i32
    %dma_start3A_304 = tpu.memref_slice %arg11[%dma_start3A_298, %dma_start3A_302, %dma_start3A_303] : memref<6x256x2048xf32, #tpu.memory_space<vmem>> -> memref<1x256x2048xf32, #tpu.memory_space<vmem>>
    %dma_start3A_305 = tpu.memref_squeeze %dma_start3A_304 : memref<1x256x2048xf32, #tpu.memory_space<vmem>> -> memref<256x2048xf32, #tpu.memory_space<vmem>>
    %dma_start3A_306 = arith.constant 512 : i32
    %dma_start3A_307 = arith.constant 0 : i32
    %dma_start3A_308 = tpu.memref_slice %arg6[%select_n3A_126, %dma_start3A_306, %dma_start3A_307] : memref<4x2048x2048xf32, #tpu.memory_space<any>> -> memref<1x256x2048xf32, #tpu.memory_space<any>>
    %dma_start3A_309 = tpu.memref_squeeze %dma_start3A_308 : memref<1x256x2048xf32, #tpu.memory_space<any>> -> memref<256x2048xf32, #tpu.memory_space<any>>
    tpu.enqueue_dma source(%dma_start3A_309 : memref<256x2048xf32, #tpu.memory_space<any>>) target(%dma_start3A_305 : memref<256x2048xf32, #tpu.memory_space<vmem>>) target_semaphore(%dma_start3A_301 : memref<!tpu.dma_semaphore, #tpu.memory_space<semaphore_mem>>)
    %dma_start3A_310 = arith.constant 5 : i32
    %dma_start3A_311 = arith.constant 5 : i32
    %dma_start3A_312 = tpu.memref_slice %arg12[%dma_start3A_311] : memref<6x!tpu.dma_semaphore, #tpu.memory_space<semaphore_mem>> -> memref<1x!tpu.dma_semaphore, #tpu.memory_space<semaphore_mem>>
    %dma_start3A_313 = tpu.memref_squeeze %dma_start3A_312 : memref<1x!tpu.dma_semaphore, #tpu.memory_space<semaphore_mem>> -> memref<!tpu.dma_semaphore, #tpu.memory_space<semaphore_mem>>
    %dma_start3A_314 = arith.constant 0 : i32
    %dma_start3A_315 = arith.constant 0 : i32
    %dma_start3A_316 = tpu.memref_slice %arg10[%dma_start3A_310, %dma_start3A_314, %dma_start3A_315] : memref<6x256x2048xf32, #tpu.memory_space<vmem>> -> memref<1x256x2048xf32, #tpu.memory_space<vmem>>
    %dma_start3A_317 = tpu.memref_squeeze %dma_start3A_316 : memref<1x256x2048xf32, #tpu.memory_space<vmem>> -> memref<256x2048xf32, #tpu.memory_space<vmem>>
    %dma_start3A_318 = arith.constant 512 : i32
    %dma_start3A_319 = arith.constant 0 : i32
    %dma_start3A_320 = tpu.memref_slice %arg5[%select_n3A_59, %dma_start3A_318, %dma_start3A_319] : memref<4x2048x2048xf32, #tpu.memory_space<any>> -> memref<1x256x2048xf32, #tpu.memory_space<any>>
    %dma_start3A_321 = tpu.memref_squeeze %dma_start3A_320 : memref<1x256x2048xf32, #tpu.memory_space<any>> -> memref<256x2048xf32, #tpu.memory_space<any>>
    tpu.enqueue_dma source(%dma_start3A_321 : memref<256x2048xf32, #tpu.memory_space<any>>) target(%dma_start3A_317 : memref<256x2048xf32, #tpu.memory_space<vmem>>) target_semaphore(%dma_start3A_313 : memref<!tpu.dma_semaphore, #tpu.memory_space<semaphore_mem>>)
    %dma_start3A_322 = arith.constant 5 : i32
    %dma_start3A_323 = arith.constant 5 : i32
    %dma_start3A_324 = tpu.memref_slice %arg13[%dma_start3A_323] : memref<6x!tpu.dma_semaphore, #tpu.memory_space<semaphore_mem>> -> memref<1x!tpu.dma_semaphore, #tpu.memory_space<semaphore_mem>>
    %dma_start3A_325 = tpu.memref_squeeze %dma_start3A_324 : memref<1x!tpu.dma_semaphore, #tpu.memory_space<semaphore_mem>> -> memref<!tpu.dma_semaphore, #tpu.memory_space<semaphore_mem>>
    %dma_start3A_326 = arith.constant 0 : i32
    %dma_start3A_327 = arith.constant 0 : i32
    %dma_start3A_328 = tpu.memref_slice %arg11[%dma_start3A_322, %dma_start3A_326, %dma_start3A_327] : memref<6x256x2048xf32, #tpu.memory_space<vmem>> -> memref<1x256x2048xf32, #tpu.memory_space<vmem>>
    %dma_start3A_329 = tpu.memref_squeeze %dma_start3A_328 : memref<1x256x2048xf32, #tpu.memory_space<vmem>> -> memref<256x2048xf32, #tpu.memory_space<vmem>>
    %dma_start3A_330 = arith.constant 512 : i32
    %dma_start3A_331 = arith.constant 0 : i32
    %dma_start3A_332 = tpu.memref_slice %arg6[%select_n3A_131, %dma_start3A_330, %dma_start3A_331] : memref<4x2048x2048xf32, #tpu.memory_space<any>> -> memref<1x256x2048xf32, #tpu.memory_space<any>>
    %dma_start3A_333 = tpu.memref_squeeze %dma_start3A_332 : memref<1x256x2048xf32, #tpu.memory_space<any>> -> memref<256x2048xf32, #tpu.memory_space<any>>
    tpu.enqueue_dma source(%dma_start3A_333 : memref<256x2048xf32, #tpu.memory_space<any>>) target(%dma_start3A_329 : memref<256x2048xf32, #tpu.memory_space<vmem>>) target_semaphore(%dma_start3A_325 : memref<!tpu.dma_semaphore, #tpu.memory_space<semaphore_mem>>)
    %dma_wait3A = arith.constant 0 : i32
    %dma_wait3A_334 = arith.constant 0 : i32
    %dma_wait3A_335 = tpu.memref_slice %arg12[%dma_wait3A_334] : memref<6x!tpu.dma_semaphore, #tpu.memory_space<semaphore_mem>> -> memref<1x!tpu.dma_semaphore, #tpu.memory_space<semaphore_mem>>
    %dma_wait3A_336 = tpu.memref_squeeze %dma_wait3A_335 : memref<1x!tpu.dma_semaphore, #tpu.memory_space<semaphore_mem>> -> memref<!tpu.dma_semaphore, #tpu.memory_space<semaphore_mem>>
    %dma_wait3A_337 = arith.constant 0 : i32
    %dma_wait3A_338 = arith.constant 0 : i32
    %dma_wait3A_339 = tpu.memref_slice %arg10[%dma_wait3A, %dma_wait3A_337, %dma_wait3A_338] : memref<6x256x2048xf32, #tpu.memory_space<vmem>> -> memref<1x256x2048xf32, #tpu.memory_space<vmem>>
    %dma_wait3A_340 = tpu.memref_squeeze %dma_wait3A_339 : memref<1x256x2048xf32, #tpu.memory_space<vmem>> -> memref<256x2048xf32, #tpu.memory_space<vmem>>
    %dma_wait3A_341 = arith.constant 0 : i32
    %dma_wait3A_342 = arith.constant 0 : i32
    %dma_wait3A_343 = tpu.memref_slice %arg5[%select_n3A, %dma_wait3A_341, %dma_wait3A_342] : memref<4x2048x2048xf32, #tpu.memory_space<any>> -> memref<1x256x2048xf32, #tpu.memory_space<any>>
    %dma_wait3A_344 = tpu.memref_squeeze %dma_wait3A_343 : memref<1x256x2048xf32, #tpu.memory_space<any>> -> memref<256x2048xf32, #tpu.memory_space<any>>
    tpu.wait_dma2 semaphore(%dma_wait3A_336 : memref<!tpu.dma_semaphore, #tpu.memory_space<semaphore_mem>>) src(%dma_wait3A_344 : memref<256x2048xf32, #tpu.memory_space<any>>) dst(%dma_wait3A_340 : memref<256x2048xf32, #tpu.memory_space<vmem>>)
    %dma_wait3A_345 = arith.constant 0 : i32
    %dma_wait3A_346 = arith.constant 0 : i32
    %dma_wait3A_347 = tpu.memref_slice %arg13[%dma_wait3A_346] : memref<6x!tpu.dma_semaphore, #tpu.memory_space<semaphore_mem>> -> memref<1x!tpu.dma_semaphore, #tpu.memory_space<semaphore_mem>>
    %dma_wait3A_348 = tpu.memref_squeeze %dma_wait3A_347 : memref<1x!tpu.dma_semaphore, #tpu.memory_space<semaphore_mem>> -> memref<!tpu.dma_semaphore, #tpu.memory_space<semaphore_mem>>
    %dma_wait3A_349 = arith.constant 0 : i32
    %dma_wait3A_350 = arith.constant 0 : i32
    %dma_wait3A_351 = tpu.memref_slice %arg11[%dma_wait3A_345, %dma_wait3A_349, %dma_wait3A_350] : memref<6x256x2048xf32, #tpu.memory_space<vmem>> -> memref<1x256x2048xf32, #tpu.memory_space<vmem>>
    %dma_wait3A_352 = tpu.memref_squeeze %dma_wait3A_351 : memref<1x256x2048xf32, #tpu.memory_space<vmem>> -> memref<256x2048xf32, #tpu.memory_space<vmem>>
    %dma_wait3A_353 = arith.constant 0 : i32
    %dma_wait3A_354 = arith.constant 0 : i32
    %dma_wait3A_355 = tpu.memref_slice %arg6[%select_n3A_126, %dma_wait3A_353, %dma_wait3A_354] : memref<4x2048x2048xf32, #tpu.memory_space<any>> -> memref<1x256x2048xf32, #tpu.memory_space<any>>
    %dma_wait3A_356 = tpu.memref_squeeze %dma_wait3A_355 : memref<1x256x2048xf32, #tpu.memory_space<any>> -> memref<256x2048xf32, #tpu.memory_space<any>>
    tpu.wait_dma2 semaphore(%dma_wait3A_348 : memref<!tpu.dma_semaphore, #tpu.memory_space<semaphore_mem>>) src(%dma_wait3A_356 : memref<256x2048xf32, #tpu.memory_space<any>>) dst(%dma_wait3A_352 : memref<256x2048xf32, #tpu.memory_space<vmem>>)
    %get3A_357 = arith.constant 0 : index
    %get3A_358 = arith.constant 0 : index
    %get3A_359 = arith.constant 0 : index
    %get3A_360 = vector.load %arg10[%get3A_357, %get3A_358, %get3A_359] : memref<6x256x2048xf32, #tpu.memory_space<vmem>>, vector<1x256x2048xf32>
    %get3A_361 = vector.shape_cast %get3A_360 : vector<1x256x2048xf32> to vector<256x2048xf32>
    %dot_general3A = arith.constant dense<0.000000e+00> : vector<1x256xf32>
    %dot_general3A_362 = tpu.matmul %get3A_1, %get3A_361, %dot_general3A {dimension_numbers = #tpu.dot_dimension_numbers<[1], [1], [0], [0], [0, 0, 1, 0], [], []>, transpose_lhs_hint = false} : vector<1x2048xf32>, vector<256x2048xf32>, vector<1x256xf32> -> vector<1x256xf32>
    %get3A_363 = arith.constant 0 : index
    %get3A_364 = arith.constant 0 : index
    %get3A_365 = arith.constant 0 : index
    %get3A_366 = vector.load %arg11[%get3A_363, %get3A_364, %get3A_365] : memref<6x256x2048xf32, #tpu.memory_space<vmem>>, vector<1x256x2048xf32>
    %get3A_367 = vector.shape_cast %get3A_366 : vector<1x256x2048xf32> to vector<256x2048xf32>
    %dot_general3A_368 = arith.constant dense<0.000000e+00> : vector<1x256xf32>
    %dot_general3A_369 = tpu.matmul %get3A_1, %get3A_367, %dot_general3A_368 {dimension_numbers = #tpu.dot_dimension_numbers<[1], [1], [0], [0], [0, 0, 1, 0], [], []>, transpose_lhs_hint = false} : vector<1x2048xf32>, vector<256x2048xf32>, vector<1x256xf32> -> vector<1x256xf32>
    %get3A_370 = arith.constant 0 : index
    %get3A_371 = arith.constant 0 : index
    %get3A_372 = vector.load %arg9[%get3A_370, %get3A_371] : memref<1x2048xf32, #tpu.memory_space<vmem>>, vector<1x256xf32>
    %mul3A_373 = vector.broadcast %div3A : vector<1x1xf32> to vector<1x256xf32>
    %mul3A_374 = arith.mulf %mul3A_373, %dot_general3A_362 : vector<1x256xf32>
    %mul3A_375 = vector.broadcast %div3A_141 : vector<1x1xf32> to vector<1x256xf32>
    %mul3A_376 = arith.mulf %mul3A_375, %dot_general3A_369 : vector<1x256xf32>
    %add3A_377 = arith.addf %mul3A_374, %mul3A_376 : vector<1x256xf32>
    %add3A_378 = arith.addf %get3A_372, %add3A_377 : vector<1x256xf32>
    %swap3A_379 = arith.constant 0 : index
    %swap3A_380 = arith.constant 0 : index
    %swap3A_381 = vector.load %arg9[%swap3A_379, %swap3A_380] : memref<1x2048xf32, #tpu.memory_space<vmem>>, vector<1x256xf32>
    tpu.vector_store %arg9[%swap3A_379, %swap3A_380], %add3A_378 {strides = array<i32>} : memref<1x2048xf32, #tpu.memory_space<vmem>>, vector<1x256xf32>,
    %dma_start3A_382 = arith.constant 0 : i32
    %dma_start3A_383 = arith.constant 0 : i32
    %dma_start3A_384 = tpu.memref_slice %arg12[%dma_start3A_383] : memref<6x!tpu.dma_semaphore, #tpu.memory_space<semaphore_mem>> -> memref<1x!tpu.dma_semaphore, #tpu.memory_space<semaphore_mem>>
    %dma_start3A_385 = tpu.memref_squeeze %dma_start3A_384 : memref<1x!tpu.dma_semaphore, #tpu.memory_space<semaphore_mem>> -> memref<!tpu.dma_semaphore, #tpu.memory_space<semaphore_mem>>
    %dma_start3A_386 = arith.constant 0 : i32
    %dma_start3A_387 = arith.constant 0 : i32
    %dma_start3A_388 = tpu.memref_slice %arg10[%dma_start3A_382, %dma_start3A_386, %dma_start3A_387] : memref<6x256x2048xf32, #tpu.memory_space<vmem>> -> memref<1x256x2048xf32, #tpu.memory_space<vmem>>
    %dma_start3A_389 = tpu.memref_squeeze %dma_start3A_388 : memref<1x256x2048xf32, #tpu.memory_space<vmem>> -> memref<256x2048xf32, #tpu.memory_space<vmem>>
    %dma_start3A_390 = arith.constant 768 : i32
    %dma_start3A_391 = arith.constant 0 : i32
    %dma_start3A_392 = tpu.memref_slice %arg5[%select_n3A, %dma_start3A_390, %dma_start3A_391] : memref<4x2048x2048xf32, #tpu.memory_space<any>> -> memref<1x256x2048xf32, #tpu.memory_space<any>>
    %dma_start3A_393 = tpu.memref_squeeze %dma_start3A_392 : memref<1x256x2048xf32, #tpu.memory_space<any>> -> memref<256x2048xf32, #tpu.memory_space<any>>
    tpu.enqueue_dma source(%dma_start3A_393 : memref<256x2048xf32, #tpu.memory_space<any>>) target(%dma_start3A_389 : memref<256x2048xf32, #tpu.memory_space<vmem>>) target_semaphore(%dma_start3A_385 : memref<!tpu.dma_semaphore, #tpu.memory_space<semaphore_mem>>)
    %dma_start3A_394 = arith.constant 0 : i32
    %dma_start3A_395 = arith.constant 0 : i32
    %dma_start3A_396 = tpu.memref_slice %arg13[%dma_start3A_395] : memref<6x!tpu.dma_semaphore, #tpu.memory_space<semaphore_mem>> -> memref<1x!tpu.dma_semaphore, #tpu.memory_space<semaphore_mem>>
    %dma_start3A_397 = tpu.memref_squeeze %dma_start3A_396 : memref<1x!tpu.dma_semaphore, #tpu.memory_space<semaphore_mem>> -> memref<!tpu.dma_semaphore, #tpu.memory_space<semaphore_mem>>
    %dma_start3A_398 = arith.constant 0 : i32
    %dma_start3A_399 = arith.constant 0 : i32
    %dma_start3A_400 = tpu.memref_slice %arg11[%dma_start3A_394, %dma_start3A_398, %dma_start3A_399] : memref<6x256x2048xf32, #tpu.memory_space<vmem>> -> memref<1x256x2048xf32, #tpu.memory_space<vmem>>
    %dma_start3A_401 = tpu.memref_squeeze %dma_start3A_400 : memref<1x256x2048xf32, #tpu.memory_space<vmem>> -> memref<256x2048xf32, #tpu.memory_space<vmem>>
    %dma_start3A_402 = arith.constant 768 : i32
    %dma_start3A_403 = arith.constant 0 : i32
    %dma_start3A_404 = tpu.memref_slice %arg6[%select_n3A_126, %dma_start3A_402, %dma_start3A_403] : memref<4x2048x2048xf32, #tpu.memory_space<any>> -> memref<1x256x2048xf32, #tpu.memory_space<any>>
    %dma_start3A_405 = tpu.memref_squeeze %dma_start3A_404 : memref<1x256x2048xf32, #tpu.memory_space<any>> -> memref<256x2048xf32, #tpu.memory_space<any>>
    tpu.enqueue_dma source(%dma_start3A_405 : memref<256x2048xf32, #tpu.memory_space<any>>) target(%dma_start3A_401 : memref<256x2048xf32, #tpu.memory_space<vmem>>) target_semaphore(%dma_start3A_397 : memref<!tpu.dma_semaphore, #tpu.memory_space<semaphore_mem>>)
    %dma_wait3A_406 = arith.constant 1 : i32
    %dma_wait3A_407 = arith.constant 1 : i32
    %dma_wait3A_408 = tpu.memref_slice %arg12[%dma_wait3A_407] : memref<6x!tpu.dma_semaphore, #tpu.memory_space<semaphore_mem>> -> memref<1x!tpu.dma_semaphore, #tpu.memory_space<semaphore_mem>>
    %dma_wait3A_409 = tpu.memref_squeeze %dma_wait3A_408 : memref<1x!tpu.dma_semaphore, #tpu.memory_space<semaphore_mem>> -> memref<!tpu.dma_semaphore, #tpu.memory_space<semaphore_mem>>
    %dma_wait3A_410 = arith.constant 0 : i32
    %dma_wait3A_411 = arith.constant 0 : i32
    %dma_wait3A_412 = tpu.memref_slice %arg10[%dma_wait3A_406, %dma_wait3A_410, %dma_wait3A_411] : memref<6x256x2048xf32, #tpu.memory_space<vmem>> -> memref<1x256x2048xf32, #tpu.memory_space<vmem>>
    %dma_wait3A_413 = tpu.memref_squeeze %dma_wait3A_412 : memref<1x256x2048xf32, #tpu.memory_space<vmem>> -> memref<256x2048xf32, #tpu.memory_space<vmem>>
    %dma_wait3A_414 = arith.constant 0 : i32
    %dma_wait3A_415 = arith.constant 0 : i32
    %dma_wait3A_416 = tpu.memref_slice %arg5[%select_n3A_59, %dma_wait3A_414, %dma_wait3A_415] : memref<4x2048x2048xf32, #tpu.memory_space<any>> -> memref<1x256x2048xf32, #tpu.memory_space<any>>
    %dma_wait3A_417 = tpu.memref_squeeze %dma_wait3A_416 : memref<1x256x2048xf32, #tpu.memory_space<any>> -> memref<256x2048xf32, #tpu.memory_space<any>>
    tpu.wait_dma2 semaphore(%dma_wait3A_409 : memref<!tpu.dma_semaphore, #tpu.memory_space<semaphore_mem>>) src(%dma_wait3A_417 : memref<256x2048xf32, #tpu.memory_space<any>>) dst(%dma_wait3A_413 : memref<256x2048xf32, #tpu.memory_space<vmem>>)
    %dma_wait3A_418 = arith.constant 1 : i32
    %dma_wait3A_419 = arith.constant 1 : i32
    %dma_wait3A_420 = tpu.memref_slice %arg13[%dma_wait3A_419] : memref<6x!tpu.dma_semaphore, #tpu.memory_space<semaphore_mem>> -> memref<1x!tpu.dma_semaphore, #tpu.memory_space<semaphore_mem>>
    %dma_wait3A_421 = tpu.memref_squeeze %dma_wait3A_420 : memref<1x!tpu.dma_semaphore, #tpu.memory_space<semaphore_mem>> -> memref<!tpu.dma_semaphore, #tpu.memory_space<semaphore_mem>>
    %dma_wait3A_422 = arith.constant 0 : i32
    %dma_wait3A_423 = arith.constant 0 : i32
    %dma_wait3A_424 = tpu.memref_slice %arg11[%dma_wait3A_418, %dma_wait3A_422, %dma_wait3A_423] : memref<6x256x2048xf32, #tpu.memory_space<vmem>> -> memref<1x256x2048xf32, #tpu.memory_space<vmem>>
    %dma_wait3A_425 = tpu.memref_squeeze %dma_wait3A_424 : memref<1x256x2048xf32, #tpu.memory_space<vmem>> -> memref<256x2048xf32, #tpu.memory_space<vmem>>
    %dma_wait3A_426 = arith.constant 0 : i32
    %dma_wait3A_427 = arith.constant 0 : i32
    %dma_wait3A_428 = tpu.memref_slice %arg6[%select_n3A_131, %dma_wait3A_426, %dma_wait3A_427] : memref<4x2048x2048xf32, #tpu.memory_space<any>> -> memref<1x256x2048xf32, #tpu.memory_space<any>>
    %dma_wait3A_429 = tpu.memref_squeeze %dma_wait3A_428 : memref<1x256x2048xf32, #tpu.memory_space<any>> -> memref<256x2048xf32, #tpu.memory_space<any>>
    tpu.wait_dma2 semaphore(%dma_wait3A_421 : memref<!tpu.dma_semaphore, #tpu.memory_space<semaphore_mem>>) src(%dma_wait3A_429 : memref<256x2048xf32, #tpu.memory_space<any>>) dst(%dma_wait3A_425 : memref<256x2048xf32, #tpu.memory_space<vmem>>)
    %get3A_430 = arith.constant 1 : index
    %get3A_431 = arith.constant 0 : index
    %get3A_432 = arith.constant 0 : index
    %get3A_433 = vector.load %arg10[%get3A_430, %get3A_431, %get3A_432] : memref<6x256x2048xf32, #tpu.memory_space<vmem>>, vector<1x256x2048xf32>
    %get3A_434 = vector.shape_cast %get3A_433 : vector<1x256x2048xf32> to vector<256x2048xf32>
    %dot_general3A_435 = arith.constant dense<0.000000e+00> : vector<1x256xf32>
    %dot_general3A_436 = tpu.matmul %get3A_1, %get3A_434, %dot_general3A_435 {dimension_numbers = #tpu.dot_dimension_numbers<[1], [1], [0], [0], [0, 0, 1, 0], [], []>, transpose_lhs_hint = false} : vector<1x2048xf32>, vector<256x2048xf32>, vector<1x256xf32> -> vector<1x256xf32>
    %get3A_437 = arith.constant 1 : index
    %get3A_438 = arith.constant 0 : index
    %get3A_439 = arith.constant 0 : index
    %get3A_440 = vector.load %arg11[%get3A_437, %get3A_438, %get3A_439] : memref<6x256x2048xf32, #tpu.memory_space<vmem>>, vector<1x256x2048xf32>
    %get3A_441 = vector.shape_cast %get3A_440 : vector<1x256x2048xf32> to vector<256x2048xf32>
    %dot_general3A_442 = arith.constant dense<0.000000e+00> : vector<1x256xf32>
    %dot_general3A_443 = tpu.matmul %get3A_1, %get3A_441, %dot_general3A_442 {dimension_numbers = #tpu.dot_dimension_numbers<[1], [1], [0], [0], [0, 0, 1, 0], [], []>, transpose_lhs_hint = false} : vector<1x2048xf32>, vector<256x2048xf32>, vector<1x256xf32> -> vector<1x256xf32>
    %get3A_444 = arith.constant 0 : index
    %get3A_445 = arith.constant 0 : index
    %get3A_446 = vector.load %arg9[%get3A_444, %get3A_445] : memref<1x2048xf32, #tpu.memory_space<vmem>>, vector<1x256xf32>
    %mul3A_447 = vector.broadcast %div3A_66 : vector<1x1xf32> to vector<1x256xf32>
    %mul3A_448 = arith.mulf %mul3A_447, %dot_general3A_436 : vector<1x256xf32>
    %mul3A_449 = vector.broadcast %div3A_142 : vector<1x1xf32> to vector<1x256xf32>
    %mul3A_450 = arith.mulf %mul3A_449, %dot_general3A_443 : vector<1x256xf32>
    %add3A_451 = arith.addf %mul3A_448, %mul3A_450 : vector<1x256xf32>
    %add3A_452 = arith.addf %get3A_446, %add3A_451 : vector<1x256xf32>
    %swap3A_453 = arith.constant 0 : index
    %swap3A_454 = arith.constant 0 : index
    %swap3A_455 = vector.load %arg9[%swap3A_453, %swap3A_454] : memref<1x2048xf32, #tpu.memory_space<vmem>>, vector<1x256xf32>
    tpu.vector_store %arg9[%swap3A_453, %swap3A_454], %add3A_452 {strides = array<i32>} : memref<1x2048xf32, #tpu.memory_space<vmem>>, vector<1x256xf32>,
    %dma_start3A_456 = arith.constant 1 : i32
    %dma_start3A_457 = arith.constant 1 : i32
    %dma_start3A_458 = tpu.memref_slice %arg12[%dma_start3A_457] : memref<6x!tpu.dma_semaphore, #tpu.memory_space<semaphore_mem>> -> memref<1x!tpu.dma_semaphore, #tpu.memory_space<semaphore_mem>>
    %dma_start3A_459 = tpu.memref_squeeze %dma_start3A_458 : memref<1x!tpu.dma_semaphore, #tpu.memory_space<semaphore_mem>> -> memref<!tpu.dma_semaphore, #tpu.memory_space<semaphore_mem>>
    %dma_start3A_460 = arith.constant 0 : i32
    %dma_start3A_461 = arith.constant 0 : i32
    %dma_start3A_462 = tpu.memref_slice %arg10[%dma_start3A_456, %dma_start3A_460, %dma_start3A_461] : memref<6x256x2048xf32, #tpu.memory_space<vmem>> -> memref<1x256x2048xf32, #tpu.memory_space<vmem>>
    %dma_start3A_463 = tpu.memref_squeeze %dma_start3A_462 : memref<1x256x2048xf32, #tpu.memory_space<vmem>> -> memref<256x2048xf32, #tpu.memory_space<vmem>>
    %dma_start3A_464 = arith.constant 768 : i32
    %dma_start3A_465 = arith.constant 0 : i32
    %dma_start3A_466 = tpu.memref_slice %arg5[%select_n3A_59, %dma_start3A_464, %dma_start3A_465] : memref<4x2048x2048xf32, #tpu.memory_space<any>> -> memref<1x256x2048xf32, #tpu.memory_space<any>>
    %dma_start3A_467 = tpu.memref_squeeze %dma_start3A_466 : memref<1x256x2048xf32, #tpu.memory_space<any>> -> memref<256x2048xf32, #tpu.memory_space<any>>
    tpu.enqueue_dma source(%dma_start3A_467 : memref<256x2048xf32, #tpu.memory_space<any>>) target(%dma_start3A_463 : memref<256x2048xf32, #tpu.memory_space<vmem>>) target_semaphore(%dma_start3A_459 : memref<!tpu.dma_semaphore, #tpu.memory_space<semaphore_mem>>)
    %dma_start3A_468 = arith.constant 1 : i32
    %dma_start3A_469 = arith.constant 1 : i32
    %dma_start3A_470 = tpu.memref_slice %arg13[%dma_start3A_469] : memref<6x!tpu.dma_semaphore, #tpu.memory_space<semaphore_mem>> -> memref<1x!tpu.dma_semaphore, #tpu.memory_space<semaphore_mem>>
    %dma_start3A_471 = tpu.memref_squeeze %dma_start3A_470 : memref<1x!tpu.dma_semaphore, #tpu.memory_space<semaphore_mem>> -> memref<!tpu.dma_semaphore, #tpu.memory_space<semaphore_mem>>
    %dma_start3A_472 = arith.constant 0 : i32
    %dma_start3A_473 = arith.constant 0 : i32
    %dma_start3A_474 = tpu.memref_slice %arg11[%dma_start3A_468, %dma_start3A_472, %dma_start3A_473] : memref<6x256x2048xf32, #tpu.memory_space<vmem>> -> memref<1x256x2048xf32, #tpu.memory_space<vmem>>
    %dma_start3A_475 = tpu.memref_squeeze %dma_start3A_474 : memref<1x256x2048xf32, #tpu.memory_space<vmem>> -> memref<256x2048xf32, #tpu.memory_space<vmem>>
    %dma_start3A_476 = arith.constant 768 : i32
    %dma_start3A_477 = arith.constant 0 : i32
    %dma_start3A_478 = tpu.memref_slice %arg6[%select_n3A_131, %dma_start3A_476, %dma_start3A_477] : memref<4x2048x2048xf32, #tpu.memory_space<any>> -> memref<1x256x2048xf32, #tpu.memory_space<any>>
    %dma_start3A_479 = tpu.memref_squeeze %dma_start3A_478 : memref<1x256x2048xf32, #tpu.memory_space<any>> -> memref<256x2048xf32, #tpu.memory_space<any>>
    tpu.enqueue_dma source(%dma_start3A_479 : memref<256x2048xf32, #tpu.memory_space<any>>) target(%dma_start3A_475 : memref<256x2048xf32, #tpu.memory_space<vmem>>) target_semaphore(%dma_start3A_471 : memref<!tpu.dma_semaphore, #tpu.memory_space<semaphore_mem>>)
    %dma_wait3A_480 = arith.constant 2 : i32
    %dma_wait3A_481 = arith.constant 2 : i32
    %dma_wait3A_482 = tpu.memref_slice %arg12[%dma_wait3A_481] : memref<6x!tpu.dma_semaphore, #tpu.memory_space<semaphore_mem>> -> memref<1x!tpu.dma_semaphore, #tpu.memory_space<semaphore_mem>>
    %dma_wait3A_483 = tpu.memref_squeeze %dma_wait3A_482 : memref<1x!tpu.dma_semaphore, #tpu.memory_space<semaphore_mem>> -> memref<!tpu.dma_semaphore, #tpu.memory_space<semaphore_mem>>
    %dma_wait3A_484 = arith.constant 0 : i32
    %dma_wait3A_485 = arith.constant 0 : i32
    %dma_wait3A_486 = tpu.memref_slice %arg10[%dma_wait3A_480, %dma_wait3A_484, %dma_wait3A_485] : memref<6x256x2048xf32, #tpu.memory_space<vmem>> -> memref<1x256x2048xf32, #tpu.memory_space<vmem>>
    %dma_wait3A_487 = tpu.memref_squeeze %dma_wait3A_486 : memref<1x256x2048xf32, #tpu.memory_space<vmem>> -> memref<256x2048xf32, #tpu.memory_space<vmem>>
    %dma_wait3A_488 = arith.constant 256 : i32
    %dma_wait3A_489 = arith.constant 0 : i32
    %dma_wait3A_490 = tpu.memref_slice %arg5[%select_n3A, %dma_wait3A_488, %dma_wait3A_489] : memref<4x2048x2048xf32, #tpu.memory_space<any>> -> memref<1x256x2048xf32, #tpu.memory_space<any>>
    %dma_wait3A_491 = tpu.memref_squeeze %dma_wait3A_490 : memref<1x256x2048xf32, #tpu.memory_space<any>> -> memref<256x2048xf32, #tpu.memory_space<any>>
    tpu.wait_dma2 semaphore(%dma_wait3A_483 : memref<!tpu.dma_semaphore, #tpu.memory_space<semaphore_mem>>) src(%dma_wait3A_491 : memref<256x2048xf32, #tpu.memory_space<any>>) dst(%dma_wait3A_487 : memref<256x2048xf32, #tpu.memory_space<vmem>>)
    %dma_wait3A_492 = arith.constant 2 : i32
    %dma_wait3A_493 = arith.constant 2 : i32
    %dma_wait3A_494 = tpu.memref_slice %arg13[%dma_wait3A_493] : memref<6x!tpu.dma_semaphore, #tpu.memory_space<semaphore_mem>> -> memref<1x!tpu.dma_semaphore, #tpu.memory_space<semaphore_mem>>
    %dma_wait3A_495 = tpu.memref_squeeze %dma_wait3A_494 : memref<1x!tpu.dma_semaphore, #tpu.memory_space<semaphore_mem>> -> memref<!tpu.dma_semaphore, #tpu.memory_space<semaphore_mem>>
    %dma_wait3A_496 = arith.constant 0 : i32
    %dma_wait3A_497 = arith.constant 0 : i32
    %dma_wait3A_498 = tpu.memref_slice %arg11[%dma_wait3A_492, %dma_wait3A_496, %dma_wait3A_497] : memref<6x256x2048xf32, #tpu.memory_space<vmem>> -> memref<1x256x2048xf32, #tpu.memory_space<vmem>>
    %dma_wait3A_499 = tpu.memref_squeeze %dma_wait3A_498 : memref<1x256x2048xf32, #tpu.memory_space<vmem>> -> memref<256x2048xf32, #tpu.memory_space<vmem>>
    %dma_wait3A_500 = arith.constant 256 : i32
    %dma_wait3A_501 = arith.constant 0 : i32
    %dma_wait3A_502 = tpu.memref_slice %arg6[%select_n3A_126, %dma_wait3A_500, %dma_wait3A_501] : memref<4x2048x2048xf32, #tpu.memory_space<any>> -> memref<1x256x2048xf32, #tpu.memory_space<any>>
    %dma_wait3A_503 = tpu.memref_squeeze %dma_wait3A_502 : memref<1x256x2048xf32, #tpu.memory_space<any>> -> memref<256x2048xf32, #tpu.memory_space<any>>
    tpu.wait_dma2 semaphore(%dma_wait3A_495 : memref<!tpu.dma_semaphore, #tpu.memory_space<semaphore_mem>>) src(%dma_wait3A_503 : memref<256x2048xf32, #tpu.memory_space<any>>) dst(%dma_wait3A_499 : memref<256x2048xf32, #tpu.memory_space<vmem>>)
    %get3A_504 = arith.constant 2 : index
    %get3A_505 = arith.constant 0 : index
    %get3A_506 = arith.constant 0 : index
    %get3A_507 = vector.load %arg10[%get3A_504, %get3A_505, %get3A_506] : memref<6x256x2048xf32, #tpu.memory_space<vmem>>, vector<1x256x2048xf32>
    %get3A_508 = vector.shape_cast %get3A_507 : vector<1x256x2048xf32> to vector<256x2048xf32>
    %dot_general3A_509 = arith.constant dense<0.000000e+00> : vector<1x256xf32>
    %dot_general3A_510 = tpu.matmul %get3A_1, %get3A_508, %dot_general3A_509 {dimension_numbers = #tpu.dot_dimension_numbers<[1], [1], [0], [0], [0, 0, 1, 0], [], []>, transpose_lhs_hint = false} : vector<1x2048xf32>, vector<256x2048xf32>, vector<1x256xf32> -> vector<1x256xf32>
    %get3A_511 = arith.constant 2 : index
    %get3A_512 = arith.constant 0 : index
    %get3A_513 = arith.constant 0 : index
    %get3A_514 = vector.load %arg11[%get3A_511, %get3A_512, %get3A_513] : memref<6x256x2048xf32, #tpu.memory_space<vmem>>, vector<1x256x2048xf32>
    %get3A_515 = vector.shape_cast %get3A_514 : vector<1x256x2048xf32> to vector<256x2048xf32>
    %dot_general3A_516 = arith.constant dense<0.000000e+00> : vector<1x256xf32>
    %dot_general3A_517 = tpu.matmul %get3A_1, %get3A_515, %dot_general3A_516 {dimension_numbers = #tpu.dot_dimension_numbers<[1], [1], [0], [0], [0, 0, 1, 0], [], []>, transpose_lhs_hint = false} : vector<1x2048xf32>, vector<256x2048xf32>, vector<1x256xf32> -> vector<1x256xf32>
    %get3A_518 = arith.constant 0 : index
    %get3A_519 = arith.constant 256 : index
    %get3A_520 = vector.load %arg9[%get3A_518, %get3A_519] : memref<1x2048xf32, #tpu.memory_space<vmem>>, vector<1x256xf32>
    %mul3A_521 = vector.broadcast %div3A : vector<1x1xf32> to vector<1x256xf32>
    %mul3A_522 = arith.mulf %mul3A_521, %dot_general3A_510 : vector<1x256xf32>
    %mul3A_523 = vector.broadcast %div3A_141 : vector<1x1xf32> to vector<1x256xf32>
    %mul3A_524 = arith.mulf %mul3A_523, %dot_general3A_517 : vector<1x256xf32>
    %add3A_525 = arith.addf %mul3A_522, %mul3A_524 : vector<1x256xf32>
    %add3A_526 = arith.addf %get3A_520, %add3A_525 : vector<1x256xf32>
    %swap3A_527 = arith.constant 0 : index
    %swap3A_528 = arith.constant 256 : index
    %swap3A_529 = vector.load %arg9[%swap3A_527, %swap3A_528] : memref<1x2048xf32, #tpu.memory_space<vmem>>, vector<1x256xf32>
    tpu.vector_store %arg9[%swap3A_527, %swap3A_528], %add3A_526 {strides = array<i32>} : memref<1x2048xf32, #tpu.memory_space<vmem>>, vector<1x256xf32>,
    %dma_start3A_530 = arith.constant 2 : i32
    %dma_start3A_531 = arith.constant 2 : i32
    %dma_start3A_532 = tpu.memref_slice %arg12[%dma_start3A_531] : memref<6x!tpu.dma_semaphore, #tpu.memory_space<semaphore_mem>> -> memref<1x!tpu.dma_semaphore, #tpu.memory_space<semaphore_mem>>
    %dma_start3A_533 = tpu.memref_squeeze %dma_start3A_532 : memref<1x!tpu.dma_semaphore, #tpu.memory_space<semaphore_mem>> -> memref<!tpu.dma_semaphore, #tpu.memory_space<semaphore_mem>>
    %dma_start3A_534 = arith.constant 0 : i32
    %dma_start3A_535 = arith.constant 0 : i32
    %dma_start3A_536 = tpu.memref_slice %arg10[%dma_start3A_530, %dma_start3A_534, %dma_start3A_535] : memref<6x256x2048xf32, #tpu.memory_space<vmem>> -> memref<1x256x2048xf32, #tpu.memory_space<vmem>>
    %dma_start3A_537 = tpu.memref_squeeze %dma_start3A_536 : memref<1x256x2048xf32, #tpu.memory_space<vmem>> -> memref<256x2048xf32, #tpu.memory_space<vmem>>
    %dma_start3A_538 = arith.constant 1024 : i32
    %dma_start3A_539 = arith.constant 0 : i32
    %dma_start3A_540 = tpu.memref_slice %arg5[%select_n3A, %dma_start3A_538, %dma_start3A_539] : memref<4x2048x2048xf32, #tpu.memory_space<any>> -> memref<1x256x2048xf32, #tpu.memory_space<any>>
    %dma_start3A_541 = tpu.memref_squeeze %dma_start3A_540 : memref<1x256x2048xf32, #tpu.memory_space<any>> -> memref<256x2048xf32, #tpu.memory_space<any>>
    tpu.enqueue_dma source(%dma_start3A_541 : memref<256x2048xf32, #tpu.memory_space<any>>) target(%dma_start3A_537 : memref<256x2048xf32, #tpu.memory_space<vmem>>) target_semaphore(%dma_start3A_533 : memref<!tpu.dma_semaphore, #tpu.memory_space<semaphore_mem>>)
    %dma_start3A_542 = arith.constant 2 : i32
    %dma_start3A_543 = arith.constant 2 : i32
    %dma_start3A_544 = tpu.memref_slice %arg13[%dma_start3A_543] : memref<6x!tpu.dma_semaphore, #tpu.memory_space<semaphore_mem>> -> memref<1x!tpu.dma_semaphore, #tpu.memory_space<semaphore_mem>>
    %dma_start3A_545 = tpu.memref_squeeze %dma_start3A_544 : memref<1x!tpu.dma_semaphore, #tpu.memory_space<semaphore_mem>> -> memref<!tpu.dma_semaphore, #tpu.memory_space<semaphore_mem>>
    %dma_start3A_546 = arith.constant 0 : i32
    %dma_start3A_547 = arith.constant 0 : i32
    %dma_start3A_548 = tpu.memref_slice %arg11[%dma_start3A_542, %dma_start3A_546, %dma_start3A_547] : memref<6x256x2048xf32, #tpu.memory_space<vmem>> -> memref<1x256x2048xf32, #tpu.memory_space<vmem>>
    %dma_start3A_549 = tpu.memref_squeeze %dma_start3A_548 : memref<1x256x2048xf32, #tpu.memory_space<vmem>> -> memref<256x2048xf32, #tpu.memory_space<vmem>>
    %dma_start3A_550 = arith.constant 1024 : i32
    %dma_start3A_551 = arith.constant 0 : i32
    %dma_start3A_552 = tpu.memref_slice %arg6[%select_n3A_126, %dma_start3A_550, %dma_start3A_551] : memref<4x2048x2048xf32, #tpu.memory_space<any>> -> memref<1x256x2048xf32, #tpu.memory_space<any>>
    %dma_start3A_553 = tpu.memref_squeeze %dma_start3A_552 : memref<1x256x2048xf32, #tpu.memory_space<any>> -> memref<256x2048xf32, #tpu.memory_space<any>>
    tpu.enqueue_dma source(%dma_start3A_553 : memref<256x2048xf32, #tpu.memory_space<any>>) target(%dma_start3A_549 : memref<256x2048xf32, #tpu.memory_space<vmem>>) target_semaphore(%dma_start3A_545 : memref<!tpu.dma_semaphore, #tpu.memory_space<semaphore_mem>>)
    %dma_wait3A_554 = arith.constant 3 : i32
    %dma_wait3A_555 = arith.constant 3 : i32
    %dma_wait3A_556 = tpu.memref_slice %arg12[%dma_wait3A_555] : memref<6x!tpu.dma_semaphore, #tpu.memory_space<semaphore_mem>> -> memref<1x!tpu.dma_semaphore, #tpu.memory_space<semaphore_mem>>
    %dma_wait3A_557 = tpu.memref_squeeze %dma_wait3A_556 : memref<1x!tpu.dma_semaphore, #tpu.memory_space<semaphore_mem>> -> memref<!tpu.dma_semaphore, #tpu.memory_space<semaphore_mem>>
    %dma_wait3A_558 = arith.constant 0 : i32
    %dma_wait3A_559 = arith.constant 0 : i32
    %dma_wait3A_560 = tpu.memref_slice %arg10[%dma_wait3A_554, %dma_wait3A_558, %dma_wait3A_559] : memref<6x256x2048xf32, #tpu.memory_space<vmem>> -> memref<1x256x2048xf32, #tpu.memory_space<vmem>>
    %dma_wait3A_561 = tpu.memref_squeeze %dma_wait3A_560 : memref<1x256x2048xf32, #tpu.memory_space<vmem>> -> memref<256x2048xf32, #tpu.memory_space<vmem>>
    %dma_wait3A_562 = arith.constant 256 : i32
    %dma_wait3A_563 = arith.constant 0 : i32
    %dma_wait3A_564 = tpu.memref_slice %arg5[%select_n3A_59, %dma_wait3A_562, %dma_wait3A_563] : memref<4x2048x2048xf32, #tpu.memory_space<any>> -> memref<1x256x2048xf32, #tpu.memory_space<any>>
    %dma_wait3A_565 = tpu.memref_squeeze %dma_wait3A_564 : memref<1x256x2048xf32, #tpu.memory_space<any>> -> memref<256x2048xf32, #tpu.memory_space<any>>
    tpu.wait_dma2 semaphore(%dma_wait3A_557 : memref<!tpu.dma_semaphore, #tpu.memory_space<semaphore_mem>>) src(%dma_wait3A_565 : memref<256x2048xf32, #tpu.memory_space<any>>) dst(%dma_wait3A_561 : memref<256x2048xf32, #tpu.memory_space<vmem>>)
    %dma_wait3A_566 = arith.constant 3 : i32
    %dma_wait3A_567 = arith.constant 3 : i32
    %dma_wait3A_568 = tpu.memref_slice %arg13[%dma_wait3A_567] : memref<6x!tpu.dma_semaphore, #tpu.memory_space<semaphore_mem>> -> memref<1x!tpu.dma_semaphore, #tpu.memory_space<semaphore_mem>>
    %dma_wait3A_569 = tpu.memref_squeeze %dma_wait3A_568 : memref<1x!tpu.dma_semaphore, #tpu.memory_space<semaphore_mem>> -> memref<!tpu.dma_semaphore, #tpu.memory_space<semaphore_mem>>
    %dma_wait3A_570 = arith.constant 0 : i32
    %dma_wait3A_571 = arith.constant 0 : i32
    %dma_wait3A_572 = tpu.memref_slice %arg11[%dma_wait3A_566, %dma_wait3A_570, %dma_wait3A_571] : memref<6x256x2048xf32, #tpu.memory_space<vmem>> -> memref<1x256x2048xf32, #tpu.memory_space<vmem>>
    %dma_wait3A_573 = tpu.memref_squeeze %dma_wait3A_572 : memref<1x256x2048xf32, #tpu.memory_space<vmem>> -> memref<256x2048xf32, #tpu.memory_space<vmem>>
    %dma_wait3A_574 = arith.constant 256 : i32
    %dma_wait3A_575 = arith.constant 0 : i32
    %dma_wait3A_576 = tpu.memref_slice %arg6[%select_n3A_131, %dma_wait3A_574, %dma_wait3A_575] : memref<4x2048x2048xf32, #tpu.memory_space<any>> -> memref<1x256x2048xf32, #tpu.memory_space<any>>
    %dma_wait3A_577 = tpu.memref_squeeze %dma_wait3A_576 : memref<1x256x2048xf32, #tpu.memory_space<any>> -> memref<256x2048xf32, #tpu.memory_space<any>>
    tpu.wait_dma2 semaphore(%dma_wait3A_569 : memref<!tpu.dma_semaphore, #tpu.memory_space<semaphore_mem>>) src(%dma_wait3A_577 : memref<256x2048xf32, #tpu.memory_space<any>>) dst(%dma_wait3A_573 : memref<256x2048xf32, #tpu.memory_space<vmem>>)
    %get3A_578 = arith.constant 3 : index
    %get3A_579 = arith.constant 0 : index
    %get3A_580 = arith.constant 0 : index
    %get3A_581 = vector.load %arg10[%get3A_578, %get3A_579, %get3A_580] : memref<6x256x2048xf32, #tpu.memory_space<vmem>>, vector<1x256x2048xf32>
    %get3A_582 = vector.shape_cast %get3A_581 : vector<1x256x2048xf32> to vector<256x2048xf32>
    %dot_general3A_583 = arith.constant dense<0.000000e+00> : vector<1x256xf32>
    %dot_general3A_584 = tpu.matmul %get3A_1, %get3A_582, %dot_general3A_583 {dimension_numbers = #tpu.dot_dimension_numbers<[1], [1], [0], [0], [0, 0, 1, 0], [], []>, transpose_lhs_hint = false} : vector<1x2048xf32>, vector<256x2048xf32>, vector<1x256xf32> -> vector<1x256xf32>
    %get3A_585 = arith.constant 3 : index
    %get3A_586 = arith.constant 0 : index
    %get3A_587 = arith.constant 0 : index
    %get3A_588 = vector.load %arg11[%get3A_585, %get3A_586, %get3A_587] : memref<6x256x2048xf32, #tpu.memory_space<vmem>>, vector<1x256x2048xf32>
    %get3A_589 = vector.shape_cast %get3A_588 : vector<1x256x2048xf32> to vector<256x2048xf32>
    %dot_general3A_590 = arith.constant dense<0.000000e+00> : vector<1x256xf32>
    %dot_general3A_591 = tpu.matmul %get3A_1, %get3A_589, %dot_general3A_590 {dimension_numbers = #tpu.dot_dimension_numbers<[1], [1], [0], [0], [0, 0, 1, 0], [], []>, transpose_lhs_hint = false} : vector<1x2048xf32>, vector<256x2048xf32>, vector<1x256xf32> -> vector<1x256xf32>
    %get3A_592 = arith.constant 0 : index
    %get3A_593 = arith.constant 256 : index
    %get3A_594 = vector.load %arg9[%get3A_592, %get3A_593] : memref<1x2048xf32, #tpu.memory_space<vmem>>, vector<1x256xf32>
    %mul3A_595 = vector.broadcast %div3A_66 : vector<1x1xf32> to vector<1x256xf32>
    %mul3A_596 = arith.mulf %mul3A_595, %dot_general3A_584 : vector<1x256xf32>
    %mul3A_597 = vector.broadcast %div3A_142 : vector<1x1xf32> to vector<1x256xf32>
    %mul3A_598 = arith.mulf %mul3A_597, %dot_general3A_591 : vector<1x256xf32>
    %add3A_599 = arith.addf %mul3A_596, %mul3A_598 : vector<1x256xf32>
    %add3A_600 = arith.addf %get3A_594, %add3A_599 : vector<1x256xf32>
    %swap3A_601 = arith.constant 0 : index
    %swap3A_602 = arith.constant 256 : index
    %swap3A_603 = vector.load %arg9[%swap3A_601, %swap3A_602] : memref<1x2048xf32, #tpu.memory_space<vmem>>, vector<1x256xf32>
    tpu.vector_store %arg9[%swap3A_601, %swap3A_602], %add3A_600 {strides = array<i32>} : memref<1x2048xf32, #tpu.memory_space<vmem>>, vector<1x256xf32>,
    %dma_start3A_604 = arith.constant 3 : i32
    %dma_start3A_605 = arith.constant 3 : i32
    %dma_start3A_606 = tpu.memref_slice %arg12[%dma_start3A_605] : memref<6x!tpu.dma_semaphore, #tpu.memory_space<semaphore_mem>> -> memref<1x!tpu.dma_semaphore, #tpu.memory_space<semaphore_mem>>
    %dma_start3A_607 = tpu.memref_squeeze %dma_start3A_606 : memref<1x!tpu.dma_semaphore, #tpu.memory_space<semaphore_mem>> -> memref<!tpu.dma_semaphore, #tpu.memory_space<semaphore_mem>>
    %dma_start3A_608 = arith.constant 0 : i32
    %dma_start3A_609 = arith.constant 0 : i32
    %dma_start3A_610 = tpu.memref_slice %arg10[%dma_start3A_604, %dma_start3A_608, %dma_start3A_609] : memref<6x256x2048xf32, #tpu.memory_space<vmem>> -> memref<1x256x2048xf32, #tpu.memory_space<vmem>>
    %dma_start3A_611 = tpu.memref_squeeze %dma_start3A_610 : memref<1x256x2048xf32, #tpu.memory_space<vmem>> -> memref<256x2048xf32, #tpu.memory_space<vmem>>
    %dma_start3A_612 = arith.constant 1024 : i32
    %dma_start3A_613 = arith.constant 0 : i32
    %dma_start3A_614 = tpu.memref_slice %arg5[%select_n3A_59, %dma_start3A_612, %dma_start3A_613] : memref<4x2048x2048xf32, #tpu.memory_space<any>> -> memref<1x256x2048xf32, #tpu.memory_space<any>>
    %dma_start3A_615 = tpu.memref_squeeze %dma_start3A_614 : memref<1x256x2048xf32, #tpu.memory_space<any>> -> memref<256x2048xf32, #tpu.memory_space<any>>
    tpu.enqueue_dma source(%dma_start3A_615 : memref<256x2048xf32, #tpu.memory_space<any>>) target(%dma_start3A_611 : memref<256x2048xf32, #tpu.memory_space<vmem>>) target_semaphore(%dma_start3A_607 : memref<!tpu.dma_semaphore, #tpu.memory_space<semaphore_mem>>)
    %dma_start3A_616 = arith.constant 3 : i32
    %dma_start3A_617 = arith.constant 3 : i32
    %dma_start3A_618 = tpu.memref_slice %arg13[%dma_start3A_617] : memref<6x!tpu.dma_semaphore, #tpu.memory_space<semaphore_mem>> -> memref<1x!tpu.dma_semaphore, #tpu.memory_space<semaphore_mem>>
    %dma_start3A_619 = tpu.memref_squeeze %dma_start3A_618 : memref<1x!tpu.dma_semaphore, #tpu.memory_space<semaphore_mem>> -> memref<!tpu.dma_semaphore, #tpu.memory_space<semaphore_mem>>
    %dma_start3A_620 = arith.constant 0 : i32
    %dma_start3A_621 = arith.constant 0 : i32
    %dma_start3A_622 = tpu.memref_slice %arg11[%dma_start3A_616, %dma_start3A_620, %dma_start3A_621] : memref<6x256x2048xf32, #tpu.memory_space<vmem>> -> memref<1x256x2048xf32, #tpu.memory_space<vmem>>
    %dma_start3A_623 = tpu.memref_squeeze %dma_start3A_622 : memref<1x256x2048xf32, #tpu.memory_space<vmem>> -> memref<256x2048xf32, #tpu.memory_space<vmem>>
    %dma_start3A_624 = arith.constant 1024 : i32
    %dma_start3A_625 = arith.constant 0 : i32
    %dma_start3A_626 = tpu.memref_slice %arg6[%select_n3A_131, %dma_start3A_624, %dma_start3A_625] : memref<4x2048x2048xf32, #tpu.memory_space<any>> -> memref<1x256x2048xf32, #tpu.memory_space<any>>
    %dma_start3A_627 = tpu.memref_squeeze %dma_start3A_626 : memref<1x256x2048xf32, #tpu.memory_space<any>> -> memref<256x2048xf32, #tpu.memory_space<any>>
    tpu.enqueue_dma source(%dma_start3A_627 : memref<256x2048xf32, #tpu.memory_space<any>>) target(%dma_start3A_623 : memref<256x2048xf32, #tpu.memory_space<vmem>>) target_semaphore(%dma_start3A_619 : memref<!tpu.dma_semaphore, #tpu.memory_space<semaphore_mem>>)
    %dma_wait3A_628 = arith.constant 4 : i32
    %dma_wait3A_629 = arith.constant 4 : i32
    %dma_wait3A_630 = tpu.memref_slice %arg12[%dma_wait3A_629] : memref<6x!tpu.dma_semaphore, #tpu.memory_space<semaphore_mem>> -> memref<1x!tpu.dma_semaphore, #tpu.memory_space<semaphore_mem>>
    %dma_wait3A_631 = tpu.memref_squeeze %dma_wait3A_630 : memref<1x!tpu.dma_semaphore, #tpu.memory_space<semaphore_mem>> -> memref<!tpu.dma_semaphore, #tpu.memory_space<semaphore_mem>>
    %dma_wait3A_632 = arith.constant 0 : i32
    %dma_wait3A_633 = arith.constant 0 : i32
    %dma_wait3A_634 = tpu.memref_slice %arg10[%dma_wait3A_628, %dma_wait3A_632, %dma_wait3A_633] : memref<6x256x2048xf32, #tpu.memory_space<vmem>> -> memref<1x256x2048xf32, #tpu.memory_space<vmem>>
    %dma_wait3A_635 = tpu.memref_squeeze %dma_wait3A_634 : memref<1x256x2048xf32, #tpu.memory_space<vmem>> -> memref<256x2048xf32, #tpu.memory_space<vmem>>
    %dma_wait3A_636 = arith.constant 512 : i32
    %dma_wait3A_637 = arith.constant 0 : i32
    %dma_wait3A_638 = tpu.memref_slice %arg5[%select_n3A, %dma_wait3A_636, %dma_wait3A_637] : memref<4x2048x2048xf32, #tpu.memory_space<any>> -> memref<1x256x2048xf32, #tpu.memory_space<any>>
    %dma_wait3A_639 = tpu.memref_squeeze %dma_wait3A_638 : memref<1x256x2048xf32, #tpu.memory_space<any>> -> memref<256x2048xf32, #tpu.memory_space<any>>
    tpu.wait_dma2 semaphore(%dma_wait3A_631 : memref<!tpu.dma_semaphore, #tpu.memory_space<semaphore_mem>>) src(%dma_wait3A_639 : memref<256x2048xf32, #tpu.memory_space<any>>) dst(%dma_wait3A_635 : memref<256x2048xf32, #tpu.memory_space<vmem>>)
    %dma_wait3A_640 = arith.constant 4 : i32
    %dma_wait3A_641 = arith.constant 4 : i32
    %dma_wait3A_642 = tpu.memref_slice %arg13[%dma_wait3A_641] : memref<6x!tpu.dma_semaphore, #tpu.memory_space<semaphore_mem>> -> memref<1x!tpu.dma_semaphore, #tpu.memory_space<semaphore_mem>>
    %dma_wait3A_643 = tpu.memref_squeeze %dma_wait3A_642 : memref<1x!tpu.dma_semaphore, #tpu.memory_space<semaphore_mem>> -> memref<!tpu.dma_semaphore, #tpu.memory_space<semaphore_mem>>
    %dma_wait3A_644 = arith.constant 0 : i32
    %dma_wait3A_645 = arith.constant 0 : i32
    %dma_wait3A_646 = tpu.memref_slice %arg11[%dma_wait3A_640, %dma_wait3A_644, %dma_wait3A_645] : memref<6x256x2048xf32, #tpu.memory_space<vmem>> -> memref<1x256x2048xf32, #tpu.memory_space<vmem>>
    %dma_wait3A_647 = tpu.memref_squeeze %dma_wait3A_646 : memref<1x256x2048xf32, #tpu.memory_space<vmem>> -> memref<256x2048xf32, #tpu.memory_space<vmem>>
    %dma_wait3A_648 = arith.constant 512 : i32
    %dma_wait3A_649 = arith.constant 0 : i32
    %dma_wait3A_650 = tpu.memref_slice %arg6[%select_n3A_126, %dma_wait3A_648, %dma_wait3A_649] : memref<4x2048x2048xf32, #tpu.memory_space<any>> -> memref<1x256x2048xf32, #tpu.memory_space<any>>
    %dma_wait3A_651 = tpu.memref_squeeze %dma_wait3A_650 : memref<1x256x2048xf32, #tpu.memory_space<any>> -> memref<256x2048xf32, #tpu.memory_space<any>>
    tpu.wait_dma2 semaphore(%dma_wait3A_643 : memref<!tpu.dma_semaphore, #tpu.memory_space<semaphore_mem>>) src(%dma_wait3A_651 : memref<256x2048xf32, #tpu.memory_space<any>>) dst(%dma_wait3A_647 : memref<256x2048xf32, #tpu.memory_space<vmem>>)
    %get3A_652 = arith.constant 4 : index
    %get3A_653 = arith.constant 0 : index
    %get3A_654 = arith.constant 0 : index
    %get3A_655 = vector.load %arg10[%get3A_652, %get3A_653, %get3A_654] : memref<6x256x2048xf32, #tpu.memory_space<vmem>>, vector<1x256x2048xf32>
    %get3A_656 = vector.shape_cast %get3A_655 : vector<1x256x2048xf32> to vector<256x2048xf32>
    %dot_general3A_657 = arith.constant dense<0.000000e+00> : vector<1x256xf32>
    %dot_general3A_658 = tpu.matmul %get3A_1, %get3A_656, %dot_general3A_657 {dimension_numbers = #tpu.dot_dimension_numbers<[1], [1], [0], [0], [0, 0, 1, 0], [], []>, transpose_lhs_hint = false} : vector<1x2048xf32>, vector<256x2048xf32>, vector<1x256xf32> -> vector<1x256xf32>
    %get3A_659 = arith.constant 4 : index
    %get3A_660 = arith.constant 0 : index
    %get3A_661 = arith.constant 0 : index
    %get3A_662 = vector.load %arg11[%get3A_659, %get3A_660, %get3A_661] : memref<6x256x2048xf32, #tpu.memory_space<vmem>>, vector<1x256x2048xf32>
    %get3A_663 = vector.shape_cast %get3A_662 : vector<1x256x2048xf32> to vector<256x2048xf32>
    %dot_general3A_664 = arith.constant dense<0.000000e+00> : vector<1x256xf32>
    %dot_general3A_665 = tpu.matmul %get3A_1, %get3A_663, %dot_general3A_664 {dimension_numbers = #tpu.dot_dimension_numbers<[1], [1], [0], [0], [0, 0, 1, 0], [], []>, transpose_lhs_hint = false} : vector<1x2048xf32>, vector<256x2048xf32>, vector<1x256xf32> -> vector<1x256xf32>
    %get3A_666 = arith.constant 0 : index
    %get3A_667 = arith.constant 512 : index
    %get3A_668 = vector.load %arg9[%get3A_666, %get3A_667] : memref<1x2048xf32, #tpu.memory_space<vmem>>, vector<1x256xf32>
    %mul3A_669 = vector.broadcast %div3A : vector<1x1xf32> to vector<1x256xf32>
    %mul3A_670 = arith.mulf %mul3A_669, %dot_general3A_658 : vector<1x256xf32>
    %mul3A_671 = vector.broadcast %div3A_141 : vector<1x1xf32> to vector<1x256xf32>
    %mul3A_672 = arith.mulf %mul3A_671, %dot_general3A_665 : vector<1x256xf32>
    %add3A_673 = arith.addf %mul3A_670, %mul3A_672 : vector<1x256xf32>
    %add3A_674 = arith.addf %get3A_668, %add3A_673 : vector<1x256xf32>
    %swap3A_675 = arith.constant 0 : index
    %swap3A_676 = arith.constant 512 : index
    %swap3A_677 = vector.load %arg9[%swap3A_675, %swap3A_676] : memref<1x2048xf32, #tpu.memory_space<vmem>>, vector<1x256xf32>
    tpu.vector_store %arg9[%swap3A_675, %swap3A_676], %add3A_674 {strides = array<i32>} : memref<1x2048xf32, #tpu.memory_space<vmem>>, vector<1x256xf32>,
    %dma_start3A_678 = arith.constant 4 : i32
    %dma_start3A_679 = arith.constant 4 : i32
    %dma_start3A_680 = tpu.memref_slice %arg12[%dma_start3A_679] : memref<6x!tpu.dma_semaphore, #tpu.memory_space<semaphore_mem>> -> memref<1x!tpu.dma_semaphore, #tpu.memory_space<semaphore_mem>>
    %dma_start3A_681 = tpu.memref_squeeze %dma_start3A_680 : memref<1x!tpu.dma_semaphore, #tpu.memory_space<semaphore_mem>> -> memref<!tpu.dma_semaphore, #tpu.memory_space<semaphore_mem>>
    %dma_start3A_682 = arith.constant 0 : i32
    %dma_start3A_683 = arith.constant 0 : i32
    %dma_start3A_684 = tpu.memref_slice %arg10[%dma_start3A_678, %dma_start3A_682, %dma_start3A_683] : memref<6x256x2048xf32, #tpu.memory_space<vmem>> -> memref<1x256x2048xf32, #tpu.memory_space<vmem>>
    %dma_start3A_685 = tpu.memref_squeeze %dma_start3A_684 : memref<1x256x2048xf32, #tpu.memory_space<vmem>> -> memref<256x2048xf32, #tpu.memory_space<vmem>>
    %dma_start3A_686 = arith.constant 1280 : i32
    %dma_start3A_687 = arith.constant 0 : i32
    %dma_start3A_688 = tpu.memref_slice %arg5[%select_n3A, %dma_start3A_686, %dma_start3A_687] : memref<4x2048x2048xf32, #tpu.memory_space<any>> -> memref<1x256x2048xf32, #tpu.memory_space<any>>
    %dma_start3A_689 = tpu.memref_squeeze %dma_start3A_688 : memref<1x256x2048xf32, #tpu.memory_space<any>> -> memref<256x2048xf32, #tpu.memory_space<any>>
    tpu.enqueue_dma source(%dma_start3A_689 : memref<256x2048xf32, #tpu.memory_space<any>>) target(%dma_start3A_685 : memref<256x2048xf32, #tpu.memory_space<vmem>>) target_semaphore(%dma_start3A_681 : memref<!tpu.dma_semaphore, #tpu.memory_space<semaphore_mem>>)
    %dma_start3A_690 = arith.constant 4 : i32
    %dma_start3A_691 = arith.constant 4 : i32
    %dma_start3A_692 = tpu.memref_slice %arg13[%dma_start3A_691] : memref<6x!tpu.dma_semaphore, #tpu.memory_space<semaphore_mem>> -> memref<1x!tpu.dma_semaphore, #tpu.memory_space<semaphore_mem>>
    %dma_start3A_693 = tpu.memref_squeeze %dma_start3A_692 : memref<1x!tpu.dma_semaphore, #tpu.memory_space<semaphore_mem>> -> memref<!tpu.dma_semaphore, #tpu.memory_space<semaphore_mem>>
    %dma_start3A_694 = arith.constant 0 : i32
    %dma_start3A_695 = arith.constant 0 : i32
    %dma_start3A_696 = tpu.memref_slice %arg11[%dma_start3A_690, %dma_start3A_694, %dma_start3A_695] : memref<6x256x2048xf32, #tpu.memory_space<vmem>> -> memref<1x256x2048xf32, #tpu.memory_space<vmem>>
    %dma_start3A_697 = tpu.memref_squeeze %dma_start3A_696 : memref<1x256x2048xf32, #tpu.memory_space<vmem>> -> memref<256x2048xf32, #tpu.memory_space<vmem>>
    %dma_start3A_698 = arith.constant 1280 : i32
    %dma_start3A_699 = arith.constant 0 : i32
    %dma_start3A_700 = tpu.memref_slice %arg6[%select_n3A_126, %dma_start3A_698, %dma_start3A_699] : memref<4x2048x2048xf32, #tpu.memory_space<any>> -> memref<1x256x2048xf32, #tpu.memory_space<any>>
    %dma_start3A_701 = tpu.memref_squeeze %dma_start3A_700 : memref<1x256x2048xf32, #tpu.memory_space<any>> -> memref<256x2048xf32, #tpu.memory_space<any>>
    tpu.enqueue_dma source(%dma_start3A_701 : memref<256x2048xf32, #tpu.memory_space<any>>) target(%dma_start3A_697 : memref<256x2048xf32, #tpu.memory_space<vmem>>) target_semaphore(%dma_start3A_693 : memref<!tpu.dma_semaphore, #tpu.memory_space<semaphore_mem>>)
    %dma_wait3A_702 = arith.constant 5 : i32
    %dma_wait3A_703 = arith.constant 5 : i32
    %dma_wait3A_704 = tpu.memref_slice %arg12[%dma_wait3A_703] : memref<6x!tpu.dma_semaphore, #tpu.memory_space<semaphore_mem>> -> memref<1x!tpu.dma_semaphore, #tpu.memory_space<semaphore_mem>>
    %dma_wait3A_705 = tpu.memref_squeeze %dma_wait3A_704 : memref<1x!tpu.dma_semaphore, #tpu.memory_space<semaphore_mem>> -> memref<!tpu.dma_semaphore, #tpu.memory_space<semaphore_mem>>
    %dma_wait3A_706 = arith.constant 0 : i32
    %dma_wait3A_707 = arith.constant 0 : i32
    %dma_wait3A_708 = tpu.memref_slice %arg10[%dma_wait3A_702, %dma_wait3A_706, %dma_wait3A_707] : memref<6x256x2048xf32, #tpu.memory_space<vmem>> -> memref<1x256x2048xf32, #tpu.memory_space<vmem>>
    %dma_wait3A_709 = tpu.memref_squeeze %dma_wait3A_708 : memref<1x256x2048xf32, #tpu.memory_space<vmem>> -> memref<256x2048xf32, #tpu.memory_space<vmem>>
    %dma_wait3A_710 = arith.constant 512 : i32
    %dma_wait3A_711 = arith.constant 0 : i32
    %dma_wait3A_712 = tpu.memref_slice %arg5[%select_n3A_59, %dma_wait3A_710, %dma_wait3A_711] : memref<4x2048x2048xf32, #tpu.memory_space<any>> -> memref<1x256x2048xf32, #tpu.memory_space<any>>
    %dma_wait3A_713 = tpu.memref_squeeze %dma_wait3A_712 : memref<1x256x2048xf32, #tpu.memory_space<any>> -> memref<256x2048xf32, #tpu.memory_space<any>>
    tpu.wait_dma2 semaphore(%dma_wait3A_705 : memref<!tpu.dma_semaphore, #tpu.memory_space<semaphore_mem>>) src(%dma_wait3A_713 : memref<256x2048xf32, #tpu.memory_space<any>>) dst(%dma_wait3A_709 : memref<256x2048xf32, #tpu.memory_space<vmem>>)
    %dma_wait3A_714 = arith.constant 5 : i32
    %dma_wait3A_715 = arith.constant 5 : i32
    %dma_wait3A_716 = tpu.memref_slice %arg13[%dma_wait3A_715] : memref<6x!tpu.dma_semaphore, #tpu.memory_space<semaphore_mem>> -> memref<1x!tpu.dma_semaphore, #tpu.memory_space<semaphore_mem>>
    %dma_wait3A_717 = tpu.memref_squeeze %dma_wait3A_716 : memref<1x!tpu.dma_semaphore, #tpu.memory_space<semaphore_mem>> -> memref<!tpu.dma_semaphore, #tpu.memory_space<semaphore_mem>>
    %dma_wait3A_718 = arith.constant 0 : i32
    %dma_wait3A_719 = arith.constant 0 : i32
    %dma_wait3A_720 = tpu.memref_slice %arg11[%dma_wait3A_714, %dma_wait3A_718, %dma_wait3A_719] : memref<6x256x2048xf32, #tpu.memory_space<vmem>> -> memref<1x256x2048xf32, #tpu.memory_space<vmem>>
    %dma_wait3A_721 = tpu.memref_squeeze %dma_wait3A_720 : memref<1x256x2048xf32, #tpu.memory_space<vmem>> -> memref<256x2048xf32, #tpu.memory_space<vmem>>
    %dma_wait3A_722 = arith.constant 512 : i32
    %dma_wait3A_723 = arith.constant 0 : i32
    %dma_wait3A_724 = tpu.memref_slice %arg6[%select_n3A_131, %dma_wait3A_722, %dma_wait3A_723] : memref<4x2048x2048xf32, #tpu.memory_space<any>> -> memref<1x256x2048xf32, #tpu.memory_space<any>>
    %dma_wait3A_725 = tpu.memref_squeeze %dma_wait3A_724 : memref<1x256x2048xf32, #tpu.memory_space<any>> -> memref<256x2048xf32, #tpu.memory_space<any>>
    tpu.wait_dma2 semaphore(%dma_wait3A_717 : memref<!tpu.dma_semaphore, #tpu.memory_space<semaphore_mem>>) src(%dma_wait3A_725 : memref<256x2048xf32, #tpu.memory_space<any>>) dst(%dma_wait3A_721 : memref<256x2048xf32, #tpu.memory_space<vmem>>)
    %get3A_726 = arith.constant 5 : index
    %get3A_727 = arith.constant 0 : index
    %get3A_728 = arith.constant 0 : index
    %get3A_729 = vector.load %arg10[%get3A_726, %get3A_727, %get3A_728] : memref<6x256x2048xf32, #tpu.memory_space<vmem>>, vector<1x256x2048xf32>
    %get3A_730 = vector.shape_cast %get3A_729 : vector<1x256x2048xf32> to vector<256x2048xf32>
    %dot_general3A_731 = arith.constant dense<0.000000e+00> : vector<1x256xf32>
    %dot_general3A_732 = tpu.matmul %get3A_1, %get3A_730, %dot_general3A_731 {dimension_numbers = #tpu.dot_dimension_numbers<[1], [1], [0], [0], [0, 0, 1, 0], [], []>, transpose_lhs_hint = false} : vector<1x2048xf32>, vector<256x2048xf32>, vector<1x256xf32> -> vector<1x256xf32>
    %get3A_733 = arith.constant 5 : index
    %get3A_734 = arith.constant 0 : index
    %get3A_735 = arith.constant 0 : index
    %get3A_736 = vector.load %arg11[%get3A_733, %get3A_734, %get3A_735] : memref<6x256x2048xf32, #tpu.memory_space<vmem>>, vector<1x256x2048xf32>
    %get3A_737 = vector.shape_cast %get3A_736 : vector<1x256x2048xf32> to vector<256x2048xf32>
    %dot_general3A_738 = arith.constant dense<0.000000e+00> : vector<1x256xf32>
    %dot_general3A_739 = tpu.matmul %get3A_1, %get3A_737, %dot_general3A_738 {dimension_numbers = #tpu.dot_dimension_numbers<[1], [1], [0], [0], [0, 0, 1, 0], [], []>, transpose_lhs_hint = false} : vector<1x2048xf32>, vector<256x2048xf32>, vector<1x256xf32> -> vector<1x256xf32>
    %get3A_740 = arith.constant 0 : index
    %get3A_741 = arith.constant 512 : index
    %get3A_742 = vector.load %arg9[%get3A_740, %get3A_741] : memref<1x2048xf32, #tpu.memory_space<vmem>>, vector<1x256xf32>
    %mul3A_743 = vector.broadcast %div3A_66 : vector<1x1xf32> to vector<1x256xf32>
    %mul3A_744 = arith.mulf %mul3A_743, %dot_general3A_732 : vector<1x256xf32>
    %mul3A_745 = vector.broadcast %div3A_142 : vector<1x1xf32> to vector<1x256xf32>
    %mul3A_746 = arith.mulf %mul3A_745, %dot_general3A_739 : vector<1x256xf32>
    %add3A_747 = arith.addf %mul3A_744, %mul3A_746 : vector<1x256xf32>
    %add3A_748 = arith.addf %get3A_742, %add3A_747 : vector<1x256xf32>
    %swap3A_749 = arith.constant 0 : index
    %swap3A_750 = arith.constant 512 : index
    %swap3A_751 = vector.load %arg9[%swap3A_749, %swap3A_750] : memref<1x2048xf32, #tpu.memory_space<vmem>>, vector<1x256xf32>
    tpu.vector_store %arg9[%swap3A_749, %swap3A_750], %add3A_748 {strides = array<i32>} : memref<1x2048xf32, #tpu.memory_space<vmem>>, vector<1x256xf32>,
    %dma_start3A_752 = arith.constant 5 : i32
    %dma_start3A_753 = arith.constant 5 : i32
    %dma_start3A_754 = tpu.memref_slice %arg12[%dma_start3A_753] : memref<6x!tpu.dma_semaphore, #tpu.memory_space<semaphore_mem>> -> memref<1x!tpu.dma_semaphore, #tpu.memory_space<semaphore_mem>>
    %dma_start3A_755 = tpu.memref_squeeze %dma_start3A_754 : memref<1x!tpu.dma_semaphore, #tpu.memory_space<semaphore_mem>> -> memref<!tpu.dma_semaphore, #tpu.memory_space<semaphore_mem>>
    %dma_start3A_756 = arith.constant 0 : i32
    %dma_start3A_757 = arith.constant 0 : i32
    %dma_start3A_758 = tpu.memref_slice %arg10[%dma_start3A_752, %dma_start3A_756, %dma_start3A_757] : memref<6x256x2048xf32, #tpu.memory_space<vmem>> -> memref<1x256x2048xf32, #tpu.memory_space<vmem>>
    %dma_start3A_759 = tpu.memref_squeeze %dma_start3A_758 : memref<1x256x2048xf32, #tpu.memory_space<vmem>> -> memref<256x2048xf32, #tpu.memory_space<vmem>>
    %dma_start3A_760 = arith.constant 1280 : i32
    %dma_start3A_761 = arith.constant 0 : i32
    %dma_start3A_762 = tpu.memref_slice %arg5[%select_n3A_59, %dma_start3A_760, %dma_start3A_761] : memref<4x2048x2048xf32, #tpu.memory_space<any>> -> memref<1x256x2048xf32, #tpu.memory_space<any>>
    %dma_start3A_763 = tpu.memref_squeeze %dma_start3A_762 : memref<1x256x2048xf32, #tpu.memory_space<any>> -> memref<256x2048xf32, #tpu.memory_space<any>>
    tpu.enqueue_dma source(%dma_start3A_763 : memref<256x2048xf32, #tpu.memory_space<any>>) target(%dma_start3A_759 : memref<256x2048xf32, #tpu.memory_space<vmem>>) target_semaphore(%dma_start3A_755 : memref<!tpu.dma_semaphore, #tpu.memory_space<semaphore_mem>>)
    %dma_start3A_764 = arith.constant 5 : i32
    %dma_start3A_765 = arith.constant 5 : i32
    %dma_start3A_766 = tpu.memref_slice %arg13[%dma_start3A_765] : memref<6x!tpu.dma_semaphore, #tpu.memory_space<semaphore_mem>> -> memref<1x!tpu.dma_semaphore, #tpu.memory_space<semaphore_mem>>
    %dma_start3A_767 = tpu.memref_squeeze %dma_start3A_766 : memref<1x!tpu.dma_semaphore, #tpu.memory_space<semaphore_mem>> -> memref<!tpu.dma_semaphore, #tpu.memory_space<semaphore_mem>>
    %dma_start3A_768 = arith.constant 0 : i32
    %dma_start3A_769 = arith.constant 0 : i32
    %dma_start3A_770 = tpu.memref_slice %arg11[%dma_start3A_764, %dma_start3A_768, %dma_start3A_769] : memref<6x256x2048xf32, #tpu.memory_space<vmem>> -> memref<1x256x2048xf32, #tpu.memory_space<vmem>>
    %dma_start3A_771 = tpu.memref_squeeze %dma_start3A_770 : memref<1x256x2048xf32, #tpu.memory_space<vmem>> -> memref<256x2048xf32, #tpu.memory_space<vmem>>
    %dma_start3A_772 = arith.constant 1280 : i32
    %dma_start3A_773 = arith.constant 0 : i32
    %dma_start3A_774 = tpu.memref_slice %arg6[%select_n3A_131, %dma_start3A_772, %dma_start3A_773] : memref<4x2048x2048xf32, #tpu.memory_space<any>> -> memref<1x256x2048xf32, #tpu.memory_space<any>>
    %dma_start3A_775 = tpu.memref_squeeze %dma_start3A_774 : memref<1x256x2048xf32, #tpu.memory_space<any>> -> memref<256x2048xf32, #tpu.memory_space<any>>
    tpu.enqueue_dma source(%dma_start3A_775 : memref<256x2048xf32, #tpu.memory_space<any>>) target(%dma_start3A_771 : memref<256x2048xf32, #tpu.memory_space<vmem>>) target_semaphore(%dma_start3A_767 : memref<!tpu.dma_semaphore, #tpu.memory_space<semaphore_mem>>)
    %dma_wait3A_776 = arith.constant 0 : i32
    %dma_wait3A_777 = arith.constant 0 : i32
    %dma_wait3A_778 = tpu.memref_slice %arg12[%dma_wait3A_777] : memref<6x!tpu.dma_semaphore, #tpu.memory_space<semaphore_mem>> -> memref<1x!tpu.dma_semaphore, #tpu.memory_space<semaphore_mem>>
    %dma_wait3A_779 = tpu.memref_squeeze %dma_wait3A_778 : memref<1x!tpu.dma_semaphore, #tpu.memory_space<semaphore_mem>> -> memref<!tpu.dma_semaphore, #tpu.memory_space<semaphore_mem>>
    %dma_wait3A_780 = arith.constant 0 : i32
    %dma_wait3A_781 = arith.constant 0 : i32
    %dma_wait3A_782 = tpu.memref_slice %arg10[%dma_wait3A_776, %dma_wait3A_780, %dma_wait3A_781] : memref<6x256x2048xf32, #tpu.memory_space<vmem>> -> memref<1x256x2048xf32, #tpu.memory_space<vmem>>
    %dma_wait3A_783 = tpu.memref_squeeze %dma_wait3A_782 : memref<1x256x2048xf32, #tpu.memory_space<vmem>> -> memref<256x2048xf32, #tpu.memory_space<vmem>>
    %dma_wait3A_784 = arith.constant 768 : i32
    %dma_wait3A_785 = arith.constant 0 : i32
    %dma_wait3A_786 = tpu.memref_slice %arg5[%select_n3A, %dma_wait3A_784, %dma_wait3A_785] : memref<4x2048x2048xf32, #tpu.memory_space<any>> -> memref<1x256x2048xf32, #tpu.memory_space<any>>
    %dma_wait3A_787 = tpu.memref_squeeze %dma_wait3A_786 : memref<1x256x2048xf32, #tpu.memory_space<any>> -> memref<256x2048xf32, #tpu.memory_space<any>>
    tpu.wait_dma2 semaphore(%dma_wait3A_779 : memref<!tpu.dma_semaphore, #tpu.memory_space<semaphore_mem>>) src(%dma_wait3A_787 : memref<256x2048xf32, #tpu.memory_space<any>>) dst(%dma_wait3A_783 : memref<256x2048xf32, #tpu.memory_space<vmem>>)
    %dma_wait3A_788 = arith.constant 0 : i32
    %dma_wait3A_789 = arith.constant 0 : i32
    %dma_wait3A_790 = tpu.memref_slice %arg13[%dma_wait3A_789] : memref<6x!tpu.dma_semaphore, #tpu.memory_space<semaphore_mem>> -> memref<1x!tpu.dma_semaphore, #tpu.memory_space<semaphore_mem>>
    %dma_wait3A_791 = tpu.memref_squeeze %dma_wait3A_790 : memref<1x!tpu.dma_semaphore, #tpu.memory_space<semaphore_mem>> -> memref<!tpu.dma_semaphore, #tpu.memory_space<semaphore_mem>>
    %dma_wait3A_792 = arith.constant 0 : i32
    %dma_wait3A_793 = arith.constant 0 : i32
    %dma_wait3A_794 = tpu.memref_slice %arg11[%dma_wait3A_788, %dma_wait3A_792, %dma_wait3A_793] : memref<6x256x2048xf32, #tpu.memory_space<vmem>> -> memref<1x256x2048xf32, #tpu.memory_space<vmem>>
    %dma_wait3A_795 = tpu.memref_squeeze %dma_wait3A_794 : memref<1x256x2048xf32, #tpu.memory_space<vmem>> -> memref<256x2048xf32, #tpu.memory_space<vmem>>
    %dma_wait3A_796 = arith.constant 768 : i32
    %dma_wait3A_797 = arith.constant 0 : i32
    %dma_wait3A_798 = tpu.memref_slice %arg6[%select_n3A_126, %dma_wait3A_796, %dma_wait3A_797] : memref<4x2048x2048xf32, #tpu.memory_space<any>> -> memref<1x256x2048xf32, #tpu.memory_space<any>>
    %dma_wait3A_799 = tpu.memref_squeeze %dma_wait3A_798 : memref<1x256x2048xf32, #tpu.memory_space<any>> -> memref<256x2048xf32, #tpu.memory_space<any>>
    tpu.wait_dma2 semaphore(%dma_wait3A_791 : memref<!tpu.dma_semaphore, #tpu.memory_space<semaphore_mem>>) src(%dma_wait3A_799 : memref<256x2048xf32, #tpu.memory_space<any>>) dst(%dma_wait3A_795 : memref<256x2048xf32, #tpu.memory_space<vmem>>)
    %get3A_800 = arith.constant 0 : index
    %get3A_801 = arith.constant 0 : index
    %get3A_802 = arith.constant 0 : index
    %get3A_803 = vector.load %arg10[%get3A_800, %get3A_801, %get3A_802] : memref<6x256x2048xf32, #tpu.memory_space<vmem>>, vector<1x256x2048xf32>
    %get3A_804 = vector.shape_cast %get3A_803 : vector<1x256x2048xf32> to vector<256x2048xf32>
    %dot_general3A_805 = arith.constant dense<0.000000e+00> : vector<1x256xf32>
    %dot_general3A_806 = tpu.matmul %get3A_1, %get3A_804, %dot_general3A_805 {dimension_numbers = #tpu.dot_dimension_numbers<[1], [1], [0], [0], [0, 0, 1, 0], [], []>, transpose_lhs_hint = false} : vector<1x2048xf32>, vector<256x2048xf32>, vector<1x256xf32> -> vector<1x256xf32>
    %get3A_807 = arith.constant 0 : index
    %get3A_808 = arith.constant 0 : index
    %get3A_809 = arith.constant 0 : index
    %get3A_810 = vector.load %arg11[%get3A_807, %get3A_808, %get3A_809] : memref<6x256x2048xf32, #tpu.memory_space<vmem>>, vector<1x256x2048xf32>
    %get3A_811 = vector.shape_cast %get3A_810 : vector<1x256x2048xf32> to vector<256x2048xf32>
    %dot_general3A_812 = arith.constant dense<0.000000e+00> : vector<1x256xf32>
    %dot_general3A_813 = tpu.matmul %get3A_1, %get3A_811, %dot_general3A_812 {dimension_numbers = #tpu.dot_dimension_numbers<[1], [1], [0], [0], [0, 0, 1, 0], [], []>, transpose_lhs_hint = false} : vector<1x2048xf32>, vector<256x2048xf32>, vector<1x256xf32> -> vector<1x256xf32>
    %get3A_814 = arith.constant 0 : index
    %get3A_815 = arith.constant 768 : index
    %get3A_816 = vector.load %arg9[%get3A_814, %get3A_815] : memref<1x2048xf32, #tpu.memory_space<vmem>>, vector<1x256xf32>
    %mul3A_817 = vector.broadcast %div3A : vector<1x1xf32> to vector<1x256xf32>
    %mul3A_818 = arith.mulf %mul3A_817, %dot_general3A_806 : vector<1x256xf32>
    %mul3A_819 = vector.broadcast %div3A_141 : vector<1x1xf32> to vector<1x256xf32>
    %mul3A_820 = arith.mulf %mul3A_819, %dot_general3A_813 : vector<1x256xf32>
    %add3A_821 = arith.addf %mul3A_818, %mul3A_820 : vector<1x256xf32>
    %add3A_822 = arith.addf %get3A_816, %add3A_821 : vector<1x256xf32>
    %swap3A_823 = arith.constant 0 : index
    %swap3A_824 = arith.constant 768 : index
    %swap3A_825 = vector.load %arg9[%swap3A_823, %swap3A_824] : memref<1x2048xf32, #tpu.memory_space<vmem>>, vector<1x256xf32>
    tpu.vector_store %arg9[%swap3A_823, %swap3A_824], %add3A_822 {strides = array<i32>} : memref<1x2048xf32, #tpu.memory_space<vmem>>, vector<1x256xf32>,
    %dma_start3A_826 = arith.constant 0 : i32
    %dma_start3A_827 = arith.constant 0 : i32
    %dma_start3A_828 = tpu.memref_slice %arg12[%dma_start3A_827] : memref<6x!tpu.dma_semaphore, #tpu.memory_space<semaphore_mem>> -> memref<1x!tpu.dma_semaphore, #tpu.memory_space<semaphore_mem>>
    %dma_start3A_829 = tpu.memref_squeeze %dma_start3A_828 : memref<1x!tpu.dma_semaphore, #tpu.memory_space<semaphore_mem>> -> memref<!tpu.dma_semaphore, #tpu.memory_space<semaphore_mem>>
    %dma_start3A_830 = arith.constant 0 : i32
    %dma_start3A_831 = arith.constant 0 : i32
    %dma_start3A_832 = tpu.memref_slice %arg10[%dma_start3A_826, %dma_start3A_830, %dma_start3A_831] : memref<6x256x2048xf32, #tpu.memory_space<vmem>> -> memref<1x256x2048xf32, #tpu.memory_space<vmem>>
    %dma_start3A_833 = tpu.memref_squeeze %dma_start3A_832 : memref<1x256x2048xf32, #tpu.memory_space<vmem>> -> memref<256x2048xf32, #tpu.memory_space<vmem>>
    %dma_start3A_834 = arith.constant 1536 : i32
    %dma_start3A_835 = arith.constant 0 : i32
    %dma_start3A_836 = tpu.memref_slice %arg5[%select_n3A, %dma_start3A_834, %dma_start3A_835] : memref<4x2048x2048xf32, #tpu.memory_space<any>> -> memref<1x256x2048xf32, #tpu.memory_space<any>>
    %dma_start3A_837 = tpu.memref_squeeze %dma_start3A_836 : memref<1x256x2048xf32, #tpu.memory_space<any>> -> memref<256x2048xf32, #tpu.memory_space<any>>
    tpu.enqueue_dma source(%dma_start3A_837 : memref<256x2048xf32, #tpu.memory_space<any>>) target(%dma_start3A_833 : memref<256x2048xf32, #tpu.memory_space<vmem>>) target_semaphore(%dma_start3A_829 : memref<!tpu.dma_semaphore, #tpu.memory_space<semaphore_mem>>)
    %dma_start3A_838 = arith.constant 0 : i32
    %dma_start3A_839 = arith.constant 0 : i32
    %dma_start3A_840 = tpu.memref_slice %arg13[%dma_start3A_839] : memref<6x!tpu.dma_semaphore, #tpu.memory_space<semaphore_mem>> -> memref<1x!tpu.dma_semaphore, #tpu.memory_space<semaphore_mem>>
    %dma_start3A_841 = tpu.memref_squeeze %dma_start3A_840 : memref<1x!tpu.dma_semaphore, #tpu.memory_space<semaphore_mem>> -> memref<!tpu.dma_semaphore, #tpu.memory_space<semaphore_mem>>
    %dma_start3A_842 = arith.constant 0 : i32
    %dma_start3A_843 = arith.constant 0 : i32
    %dma_start3A_844 = tpu.memref_slice %arg11[%dma_start3A_838, %dma_start3A_842, %dma_start3A_843] : memref<6x256x2048xf32, #tpu.memory_space<vmem>> -> memref<1x256x2048xf32, #tpu.memory_space<vmem>>
    %dma_start3A_845 = tpu.memref_squeeze %dma_start3A_844 : memref<1x256x2048xf32, #tpu.memory_space<vmem>> -> memref<256x2048xf32, #tpu.memory_space<vmem>>
    %dma_start3A_846 = arith.constant 1536 : i32
    %dma_start3A_847 = arith.constant 0 : i32
    %dma_start3A_848 = tpu.memref_slice %arg6[%select_n3A_126, %dma_start3A_846, %dma_start3A_847] : memref<4x2048x2048xf32, #tpu.memory_space<any>> -> memref<1x256x2048xf32, #tpu.memory_space<any>>
    %dma_start3A_849 = tpu.memref_squeeze %dma_start3A_848 : memref<1x256x2048xf32, #tpu.memory_space<any>> -> memref<256x2048xf32, #tpu.memory_space<any>>
    tpu.enqueue_dma source(%dma_start3A_849 : memref<256x2048xf32, #tpu.memory_space<any>>) target(%dma_start3A_845 : memref<256x2048xf32, #tpu.memory_space<vmem>>) target_semaphore(%dma_start3A_841 : memref<!tpu.dma_semaphore, #tpu.memory_space<semaphore_mem>>)
    %dma_wait3A_850 = arith.constant 1 : i32
    %dma_wait3A_851 = arith.constant 1 : i32
    %dma_wait3A_852 = tpu.memref_slice %arg12[%dma_wait3A_851] : memref<6x!tpu.dma_semaphore, #tpu.memory_space<semaphore_mem>> -> memref<1x!tpu.dma_semaphore, #tpu.memory_space<semaphore_mem>>
    %dma_wait3A_853 = tpu.memref_squeeze %dma_wait3A_852 : memref<1x!tpu.dma_semaphore, #tpu.memory_space<semaphore_mem>> -> memref<!tpu.dma_semaphore, #tpu.memory_space<semaphore_mem>>
    %dma_wait3A_854 = arith.constant 0 : i32
    %dma_wait3A_855 = arith.constant 0 : i32
    %dma_wait3A_856 = tpu.memref_slice %arg10[%dma_wait3A_850, %dma_wait3A_854, %dma_wait3A_855] : memref<6x256x2048xf32, #tpu.memory_space<vmem>> -> memref<1x256x2048xf32, #tpu.memory_space<vmem>>
    %dma_wait3A_857 = tpu.memref_squeeze %dma_wait3A_856 : memref<1x256x2048xf32, #tpu.memory_space<vmem>> -> memref<256x2048xf32, #tpu.memory_space<vmem>>
    %dma_wait3A_858 = arith.constant 768 : i32
    %dma_wait3A_859 = arith.constant 0 : i32
    %dma_wait3A_860 = tpu.memref_slice %arg5[%select_n3A_59, %dma_wait3A_858, %dma_wait3A_859] : memref<4x2048x2048xf32, #tpu.memory_space<any>> -> memref<1x256x2048xf32, #tpu.memory_space<any>>
    %dma_wait3A_861 = tpu.memref_squeeze %dma_wait3A_860 : memref<1x256x2048xf32, #tpu.memory_space<any>> -> memref<256x2048xf32, #tpu.memory_space<any>>
    tpu.wait_dma2 semaphore(%dma_wait3A_853 : memref<!tpu.dma_semaphore, #tpu.memory_space<semaphore_mem>>) src(%dma_wait3A_861 : memref<256x2048xf32, #tpu.memory_space<any>>) dst(%dma_wait3A_857 : memref<256x2048xf32, #tpu.memory_space<vmem>>)
    %dma_wait3A_862 = arith.constant 1 : i32
    %dma_wait3A_863 = arith.constant 1 : i32
    %dma_wait3A_864 = tpu.memref_slice %arg13[%dma_wait3A_863] : memref<6x!tpu.dma_semaphore, #tpu.memory_space<semaphore_mem>> -> memref<1x!tpu.dma_semaphore, #tpu.memory_space<semaphore_mem>>
    %dma_wait3A_865 = tpu.memref_squeeze %dma_wait3A_864 : memref<1x!tpu.dma_semaphore, #tpu.memory_space<semaphore_mem>> -> memref<!tpu.dma_semaphore, #tpu.memory_space<semaphore_mem>>
    %dma_wait3A_866 = arith.constant 0 : i32
    %dma_wait3A_867 = arith.constant 0 : i32
    %dma_wait3A_868 = tpu.memref_slice %arg11[%dma_wait3A_862, %dma_wait3A_866, %dma_wait3A_867] : memref<6x256x2048xf32, #tpu.memory_space<vmem>> -> memref<1x256x2048xf32, #tpu.memory_space<vmem>>
    %dma_wait3A_869 = tpu.memref_squeeze %dma_wait3A_868 : memref<1x256x2048xf32, #tpu.memory_space<vmem>> -> memref<256x2048xf32, #tpu.memory_space<vmem>>
    %dma_wait3A_870 = arith.constant 768 : i32
    %dma_wait3A_871 = arith.constant 0 : i32
    %dma_wait3A_872 = tpu.memref_slice %arg6[%select_n3A_131, %dma_wait3A_870, %dma_wait3A_871] : memref<4x2048x2048xf32, #tpu.memory_space<any>> -> memref<1x256x2048xf32, #tpu.memory_space<any>>
    %dma_wait3A_873 = tpu.memref_squeeze %dma_wait3A_872 : memref<1x256x2048xf32, #tpu.memory_space<any>> -> memref<256x2048xf32, #tpu.memory_space<any>>
    tpu.wait_dma2 semaphore(%dma_wait3A_865 : memref<!tpu.dma_semaphore, #tpu.memory_space<semaphore_mem>>) src(%dma_wait3A_873 : memref<256x2048xf32, #tpu.memory_space<any>>) dst(%dma_wait3A_869 : memref<256x2048xf32, #tpu.memory_space<vmem>>)
    %get3A_874 = arith.constant 1 : index
    %get3A_875 = arith.constant 0 : index
    %get3A_876 = arith.constant 0 : index
    %get3A_877 = vector.load %arg10[%get3A_874, %get3A_875, %get3A_876] : memref<6x256x2048xf32, #tpu.memory_space<vmem>>, vector<1x256x2048xf32>
    %get3A_878 = vector.shape_cast %get3A_877 : vector<1x256x2048xf32> to vector<256x2048xf32>
    %dot_general3A_879 = arith.constant dense<0.000000e+00> : vector<1x256xf32>
    %dot_general3A_880 = tpu.matmul %get3A_1, %get3A_878, %dot_general3A_879 {dimension_numbers = #tpu.dot_dimension_numbers<[1], [1], [0], [0], [0, 0, 1, 0], [], []>, transpose_lhs_hint = false} : vector<1x2048xf32>, vector<256x2048xf32>, vector<1x256xf32> -> vector<1x256xf32>
    %get3A_881 = arith.constant 1 : index
    %get3A_882 = arith.constant 0 : index
    %get3A_883 = arith.constant 0 : index
    %get3A_884 = vector.load %arg11[%get3A_881, %get3A_882, %get3A_883] : memref<6x256x2048xf32, #tpu.memory_space<vmem>>, vector<1x256x2048xf32>
    %get3A_885 = vector.shape_cast %get3A_884 : vector<1x256x2048xf32> to vector<256x2048xf32>
    %dot_general3A_886 = arith.constant dense<0.000000e+00> : vector<1x256xf32>
    %dot_general3A_887 = tpu.matmul %get3A_1, %get3A_885, %dot_general3A_886 {dimension_numbers = #tpu.dot_dimension_numbers<[1], [1], [0], [0], [0, 0, 1, 0], [], []>, transpose_lhs_hint = false} : vector<1x2048xf32>, vector<256x2048xf32>, vector<1x256xf32> -> vector<1x256xf32>
    %get3A_888 = arith.constant 0 : index
    %get3A_889 = arith.constant 768 : index
    %get3A_890 = vector.load %arg9[%get3A_888, %get3A_889] : memref<1x2048xf32, #tpu.memory_space<vmem>>, vector<1x256xf32>
    %mul3A_891 = vector.broadcast %div3A_66 : vector<1x1xf32> to vector<1x256xf32>
    %mul3A_892 = arith.mulf %mul3A_891, %dot_general3A_880 : vector<1x256xf32>
    %mul3A_893 = vector.broadcast %div3A_142 : vector<1x1xf32> to vector<1x256xf32>
    %mul3A_894 = arith.mulf %mul3A_893, %dot_general3A_887 : vector<1x256xf32>
    %add3A_895 = arith.addf %mul3A_892, %mul3A_894 : vector<1x256xf32>
    %add3A_896 = arith.addf %get3A_890, %add3A_895 : vector<1x256xf32>
    %swap3A_897 = arith.constant 0 : index
    %swap3A_898 = arith.constant 768 : index
    %swap3A_899 = vector.load %arg9[%swap3A_897, %swap3A_898] : memref<1x2048xf32, #tpu.memory_space<vmem>>, vector<1x256xf32>
    tpu.vector_store %arg9[%swap3A_897, %swap3A_898], %add3A_896 {strides = array<i32>} : memref<1x2048xf32, #tpu.memory_space<vmem>>, vector<1x256xf32>,
    %dma_start3A_900 = arith.constant 1 : i32
    %dma_start3A_901 = arith.constant 1 : i32
    %dma_start3A_902 = tpu.memref_slice %arg12[%dma_start3A_901] : memref<6x!tpu.dma_semaphore, #tpu.memory_space<semaphore_mem>> -> memref<1x!tpu.dma_semaphore, #tpu.memory_space<semaphore_mem>>
    %dma_start3A_903 = tpu.memref_squeeze %dma_start3A_902 : memref<1x!tpu.dma_semaphore, #tpu.memory_space<semaphore_mem>> -> memref<!tpu.dma_semaphore, #tpu.memory_space<semaphore_mem>>
    %dma_start3A_904 = arith.constant 0 : i32
    %dma_start3A_905 = arith.constant 0 : i32
    %dma_start3A_906 = tpu.memref_slice %arg10[%dma_start3A_900, %dma_start3A_904, %dma_start3A_905] : memref<6x256x2048xf32, #tpu.memory_space<vmem>> -> memref<1x256x2048xf32, #tpu.memory_space<vmem>>
    %dma_start3A_907 = tpu.memref_squeeze %dma_start3A_906 : memref<1x256x2048xf32, #tpu.memory_space<vmem>> -> memref<256x2048xf32, #tpu.memory_space<vmem>>
    %dma_start3A_908 = arith.constant 1536 : i32
    %dma_start3A_909 = arith.constant 0 : i32
    %dma_start3A_910 = tpu.memref_slice %arg5[%select_n3A_59, %dma_start3A_908, %dma_start3A_909] : memref<4x2048x2048xf32, #tpu.memory_space<any>> -> memref<1x256x2048xf32, #tpu.memory_space<any>>
    %dma_start3A_911 = tpu.memref_squeeze %dma_start3A_910 : memref<1x256x2048xf32, #tpu.memory_space<any>> -> memref<256x2048xf32, #tpu.memory_space<any>>
    tpu.enqueue_dma source(%dma_start3A_911 : memref<256x2048xf32, #tpu.memory_space<any>>) target(%dma_start3A_907 : memref<256x2048xf32, #tpu.memory_space<vmem>>) target_semaphore(%dma_start3A_903 : memref<!tpu.dma_semaphore, #tpu.memory_space<semaphore_mem>>)
    %dma_start3A_912 = arith.constant 1 : i32
    %dma_start3A_913 = arith.constant 1 : i32
    %dma_start3A_914 = tpu.memref_slice %arg13[%dma_start3A_913] : memref<6x!tpu.dma_semaphore, #tpu.memory_space<semaphore_mem>> -> memref<1x!tpu.dma_semaphore, #tpu.memory_space<semaphore_mem>>
    %dma_start3A_915 = tpu.memref_squeeze %dma_start3A_914 : memref<1x!tpu.dma_semaphore, #tpu.memory_space<semaphore_mem>> -> memref<!tpu.dma_semaphore, #tpu.memory_space<semaphore_mem>>
    %dma_start3A_916 = arith.constant 0 : i32
    %dma_start3A_917 = arith.constant 0 : i32
    %dma_start3A_918 = tpu.memref_slice %arg11[%dma_start3A_912, %dma_start3A_916, %dma_start3A_917] : memref<6x256x2048xf32, #tpu.memory_space<vmem>> -> memref<1x256x2048xf32, #tpu.memory_space<vmem>>
    %dma_start3A_919 = tpu.memref_squeeze %dma_start3A_918 : memref<1x256x2048xf32, #tpu.memory_space<vmem>> -> memref<256x2048xf32, #tpu.memory_space<vmem>>
    %dma_start3A_920 = arith.constant 1536 : i32
    %dma_start3A_921 = arith.constant 0 : i32
    %dma_start3A_922 = tpu.memref_slice %arg6[%select_n3A_131, %dma_start3A_920, %dma_start3A_921] : memref<4x2048x2048xf32, #tpu.memory_space<any>> -> memref<1x256x2048xf32, #tpu.memory_space<any>>
    %dma_start3A_923 = tpu.memref_squeeze %dma_start3A_922 : memref<1x256x2048xf32, #tpu.memory_space<any>> -> memref<256x2048xf32, #tpu.memory_space<any>>
    tpu.enqueue_dma source(%dma_start3A_923 : memref<256x2048xf32, #tpu.memory_space<any>>) target(%dma_start3A_919 : memref<256x2048xf32, #tpu.memory_space<vmem>>) target_semaphore(%dma_start3A_915 : memref<!tpu.dma_semaphore, #tpu.memory_space<semaphore_mem>>)
    %dma_wait3A_924 = arith.constant 2 : i32
    %dma_wait3A_925 = arith.constant 2 : i32
    %dma_wait3A_926 = tpu.memref_slice %arg12[%dma_wait3A_925] : memref<6x!tpu.dma_semaphore, #tpu.memory_space<semaphore_mem>> -> memref<1x!tpu.dma_semaphore, #tpu.memory_space<semaphore_mem>>
    %dma_wait3A_927 = tpu.memref_squeeze %dma_wait3A_926 : memref<1x!tpu.dma_semaphore, #tpu.memory_space<semaphore_mem>> -> memref<!tpu.dma_semaphore, #tpu.memory_space<semaphore_mem>>
    %dma_wait3A_928 = arith.constant 0 : i32
    %dma_wait3A_929 = arith.constant 0 : i32
    %dma_wait3A_930 = tpu.memref_slice %arg10[%dma_wait3A_924, %dma_wait3A_928, %dma_wait3A_929] : memref<6x256x2048xf32, #tpu.memory_space<vmem>> -> memref<1x256x2048xf32, #tpu.memory_space<vmem>>
    %dma_wait3A_931 = tpu.memref_squeeze %dma_wait3A_930 : memref<1x256x2048xf32, #tpu.memory_space<vmem>> -> memref<256x2048xf32, #tpu.memory_space<vmem>>
    %dma_wait3A_932 = arith.constant 1024 : i32
    %dma_wait3A_933 = arith.constant 0 : i32
    %dma_wait3A_934 = tpu.memref_slice %arg5[%select_n3A, %dma_wait3A_932, %dma_wait3A_933] : memref<4x2048x2048xf32, #tpu.memory_space<any>> -> memref<1x256x2048xf32, #tpu.memory_space<any>>
    %dma_wait3A_935 = tpu.memref_squeeze %dma_wait3A_934 : memref<1x256x2048xf32, #tpu.memory_space<any>> -> memref<256x2048xf32, #tpu.memory_space<any>>
    tpu.wait_dma2 semaphore(%dma_wait3A_927 : memref<!tpu.dma_semaphore, #tpu.memory_space<semaphore_mem>>) src(%dma_wait3A_935 : memref<256x2048xf32, #tpu.memory_space<any>>) dst(%dma_wait3A_931 : memref<256x2048xf32, #tpu.memory_space<vmem>>)
    %dma_wait3A_936 = arith.constant 2 : i32
    %dma_wait3A_937 = arith.constant 2 : i32
    %dma_wait3A_938 = tpu.memref_slice %arg13[%dma_wait3A_937] : memref<6x!tpu.dma_semaphore, #tpu.memory_space<semaphore_mem>> -> memref<1x!tpu.dma_semaphore, #tpu.memory_space<semaphore_mem>>
    %dma_wait3A_939 = tpu.memref_squeeze %dma_wait3A_938 : memref<1x!tpu.dma_semaphore, #tpu.memory_space<semaphore_mem>> -> memref<!tpu.dma_semaphore, #tpu.memory_space<semaphore_mem>>
    %dma_wait3A_940 = arith.constant 0 : i32
    %dma_wait3A_941 = arith.constant 0 : i32
    %dma_wait3A_942 = tpu.memref_slice %arg11[%dma_wait3A_936, %dma_wait3A_940, %dma_wait3A_941] : memref<6x256x2048xf32, #tpu.memory_space<vmem>> -> memref<1x256x2048xf32, #tpu.memory_space<vmem>>
    %dma_wait3A_943 = tpu.memref_squeeze %dma_wait3A_942 : memref<1x256x2048xf32, #tpu.memory_space<vmem>> -> memref<256x2048xf32, #tpu.memory_space<vmem>>
    %dma_wait3A_944 = arith.constant 1024 : i32
    %dma_wait3A_945 = arith.constant 0 : i32
    %dma_wait3A_946 = tpu.memref_slice %arg6[%select_n3A_126, %dma_wait3A_944, %dma_wait3A_945] : memref<4x2048x2048xf32, #tpu.memory_space<any>> -> memref<1x256x2048xf32, #tpu.memory_space<any>>
    %dma_wait3A_947 = tpu.memref_squeeze %dma_wait3A_946 : memref<1x256x2048xf32, #tpu.memory_space<any>> -> memref<256x2048xf32, #tpu.memory_space<any>>
    tpu.wait_dma2 semaphore(%dma_wait3A_939 : memref<!tpu.dma_semaphore, #tpu.memory_space<semaphore_mem>>) src(%dma_wait3A_947 : memref<256x2048xf32, #tpu.memory_space<any>>) dst(%dma_wait3A_943 : memref<256x2048xf32, #tpu.memory_space<vmem>>)
    %get3A_948 = arith.constant 2 : index
    %get3A_949 = arith.constant 0 : index
    %get3A_950 = arith.constant 0 : index
    %get3A_951 = vector.load %arg10[%get3A_948, %get3A_949, %get3A_950] : memref<6x256x2048xf32, #tpu.memory_space<vmem>>, vector<1x256x2048xf32>
    %get3A_952 = vector.shape_cast %get3A_951 : vector<1x256x2048xf32> to vector<256x2048xf32>
    %dot_general3A_953 = arith.constant dense<0.000000e+00> : vector<1x256xf32>
    %dot_general3A_954 = tpu.matmul %get3A_1, %get3A_952, %dot_general3A_953 {dimension_numbers = #tpu.dot_dimension_numbers<[1], [1], [0], [0], [0, 0, 1, 0], [], []>, transpose_lhs_hint = false} : vector<1x2048xf32>, vector<256x2048xf32>, vector<1x256xf32> -> vector<1x256xf32>
    %get3A_955 = arith.constant 2 : index
    %get3A_956 = arith.constant 0 : index
    %get3A_957 = arith.constant 0 : index
    %get3A_958 = vector.load %arg11[%get3A_955, %get3A_956, %get3A_957] : memref<6x256x2048xf32, #tpu.memory_space<vmem>>, vector<1x256x2048xf32>
    %get3A_959 = vector.shape_cast %get3A_958 : vector<1x256x2048xf32> to vector<256x2048xf32>
    %dot_general3A_960 = arith.constant dense<0.000000e+00> : vector<1x256xf32>
    %dot_general3A_961 = tpu.matmul %get3A_1, %get3A_959, %dot_general3A_960 {dimension_numbers = #tpu.dot_dimension_numbers<[1], [1], [0], [0], [0, 0, 1, 0], [], []>, transpose_lhs_hint = false} : vector<1x2048xf32>, vector<256x2048xf32>, vector<1x256xf32> -> vector<1x256xf32>
    %get3A_962 = arith.constant 0 : index
    %get3A_963 = arith.constant 1024 : index
    %get3A_964 = vector.load %arg9[%get3A_962, %get3A_963] : memref<1x2048xf32, #tpu.memory_space<vmem>>, vector<1x256xf32>
    %mul3A_965 = vector.broadcast %div3A : vector<1x1xf32> to vector<1x256xf32>
    %mul3A_966 = arith.mulf %mul3A_965, %dot_general3A_954 : vector<1x256xf32>
    %mul3A_967 = vector.broadcast %div3A_141 : vector<1x1xf32> to vector<1x256xf32>
    %mul3A_968 = arith.mulf %mul3A_967, %dot_general3A_961 : vector<1x256xf32>
    %add3A_969 = arith.addf %mul3A_966, %mul3A_968 : vector<1x256xf32>
    %add3A_970 = arith.addf %get3A_964, %add3A_969 : vector<1x256xf32>
    %swap3A_971 = arith.constant 0 : index
    %swap3A_972 = arith.constant 1024 : index
    %swap3A_973 = vector.load %arg9[%swap3A_971, %swap3A_972] : memref<1x2048xf32, #tpu.memory_space<vmem>>, vector<1x256xf32>
    tpu.vector_store %arg9[%swap3A_971, %swap3A_972], %add3A_970 {strides = array<i32>} : memref<1x2048xf32, #tpu.memory_space<vmem>>, vector<1x256xf32>,
    %dma_start3A_974 = arith.constant 2 : i32
    %dma_start3A_975 = arith.constant 2 : i32
    %dma_start3A_976 = tpu.memref_slice %arg12[%dma_start3A_975] : memref<6x!tpu.dma_semaphore, #tpu.memory_space<semaphore_mem>> -> memref<1x!tpu.dma_semaphore, #tpu.memory_space<semaphore_mem>>
    %dma_start3A_977 = tpu.memref_squeeze %dma_start3A_976 : memref<1x!tpu.dma_semaphore, #tpu.memory_space<semaphore_mem>> -> memref<!tpu.dma_semaphore, #tpu.memory_space<semaphore_mem>>
    %dma_start3A_978 = arith.constant 0 : i32
    %dma_start3A_979 = arith.constant 0 : i32
    %dma_start3A_980 = tpu.memref_slice %arg10[%dma_start3A_974, %dma_start3A_978, %dma_start3A_979] : memref<6x256x2048xf32, #tpu.memory_space<vmem>> -> memref<1x256x2048xf32, #tpu.memory_space<vmem>>
    %dma_start3A_981 = tpu.memref_squeeze %dma_start3A_980 : memref<1x256x2048xf32, #tpu.memory_space<vmem>> -> memref<256x2048xf32, #tpu.memory_space<vmem>>
    %dma_start3A_982 = arith.constant 1792 : i32
    %dma_start3A_983 = arith.constant 0 : i32
    %dma_start3A_984 = tpu.memref_slice %arg5[%select_n3A, %dma_start3A_982, %dma_start3A_983] : memref<4x2048x2048xf32, #tpu.memory_space<any>> -> memref<1x256x2048xf32, #tpu.memory_space<any>>
    %dma_start3A_985 = tpu.memref_squeeze %dma_start3A_984 : memref<1x256x2048xf32, #tpu.memory_space<any>> -> memref<256x2048xf32, #tpu.memory_space<any>>
    tpu.enqueue_dma source(%dma_start3A_985 : memref<256x2048xf32, #tpu.memory_space<any>>) target(%dma_start3A_981 : memref<256x2048xf32, #tpu.memory_space<vmem>>) target_semaphore(%dma_start3A_977 : memref<!tpu.dma_semaphore, #tpu.memory_space<semaphore_mem>>)
    %dma_start3A_986 = arith.constant 2 : i32
    %dma_start3A_987 = arith.constant 2 : i32
    %dma_start3A_988 = tpu.memref_slice %arg13[%dma_start3A_987] : memref<6x!tpu.dma_semaphore, #tpu.memory_space<semaphore_mem>> -> memref<1x!tpu.dma_semaphore, #tpu.memory_space<semaphore_mem>>
    %dma_start3A_989 = tpu.memref_squeeze %dma_start3A_988 : memref<1x!tpu.dma_semaphore, #tpu.memory_space<semaphore_mem>> -> memref<!tpu.dma_semaphore, #tpu.memory_space<semaphore_mem>>
    %dma_start3A_990 = arith.constant 0 : i32
    %dma_start3A_991 = arith.constant 0 : i32
    %dma_start3A_992 = tpu.memref_slice %arg11[%dma_start3A_986, %dma_start3A_990, %dma_start3A_991] : memref<6x256x2048xf32, #tpu.memory_space<vmem>> -> memref<1x256x2048xf32, #tpu.memory_space<vmem>>
    %dma_start3A_993 = tpu.memref_squeeze %dma_start3A_992 : memref<1x256x2048xf32, #tpu.memory_space<vmem>> -> memref<256x2048xf32, #tpu.memory_space<vmem>>
    %dma_start3A_994 = arith.constant 1792 : i32
    %dma_start3A_995 = arith.constant 0 : i32
    %dma_start3A_996 = tpu.memref_slice %arg6[%select_n3A_126, %dma_start3A_994, %dma_start3A_995] : memref<4x2048x2048xf32, #tpu.memory_space<any>> -> memref<1x256x2048xf32, #tpu.memory_space<any>>
    %dma_start3A_997 = tpu.memref_squeeze %dma_start3A_996 : memref<1x256x2048xf32, #tpu.memory_space<any>> -> memref<256x2048xf32, #tpu.memory_space<any>>
    tpu.enqueue_dma source(%dma_start3A_997 : memref<256x2048xf32, #tpu.memory_space<any>>) target(%dma_start3A_993 : memref<256x2048xf32, #tpu.memory_space<vmem>>) target_semaphore(%dma_start3A_989 : memref<!tpu.dma_semaphore, #tpu.memory_space<semaphore_mem>>)
    %dma_wait3A_998 = arith.constant 3 : i32
    %dma_wait3A_999 = arith.constant 3 : i32
    %dma_wait3A_1000 = tpu.memref_slice %arg12[%dma_wait3A_999] : memref<6x!tpu.dma_semaphore, #tpu.memory_space<semaphore_mem>> -> memref<1x!tpu.dma_semaphore, #tpu.memory_space<semaphore_mem>>
    %dma_wait3A_1001 = tpu.memref_squeeze %dma_wait3A_1000 : memref<1x!tpu.dma_semaphore, #tpu.memory_space<semaphore_mem>> -> memref<!tpu.dma_semaphore, #tpu.memory_space<semaphore_mem>>
    %dma_wait3A_1002 = arith.constant 0 : i32
    %dma_wait3A_1003 = arith.constant 0 : i32
    %dma_wait3A_1004 = tpu.memref_slice %arg10[%dma_wait3A_998, %dma_wait3A_1002, %dma_wait3A_1003] : memref<6x256x2048xf32, #tpu.memory_space<vmem>> -> memref<1x256x2048xf32, #tpu.memory_space<vmem>>
    %dma_wait3A_1005 = tpu.memref_squeeze %dma_wait3A_1004 : memref<1x256x2048xf32, #tpu.memory_space<vmem>> -> memref<256x2048xf32, #tpu.memory_space<vmem>>
    %dma_wait3A_1006 = arith.constant 1024 : i32
    %dma_wait3A_1007 = arith.constant 0 : i32
    %dma_wait3A_1008 = tpu.memref_slice %arg5[%select_n3A_59, %dma_wait3A_1006, %dma_wait3A_1007] : memref<4x2048x2048xf32, #tpu.memory_space<any>> -> memref<1x256x2048xf32, #tpu.memory_space<any>>
    %dma_wait3A_1009 = tpu.memref_squeeze %dma_wait3A_1008 : memref<1x256x2048xf32, #tpu.memory_space<any>> -> memref<256x2048xf32, #tpu.memory_space<any>>
    tpu.wait_dma2 semaphore(%dma_wait3A_1001 : memref<!tpu.dma_semaphore, #tpu.memory_space<semaphore_mem>>) src(%dma_wait3A_1009 : memref<256x2048xf32, #tpu.memory_space<any>>) dst(%dma_wait3A_1005 : memref<256x2048xf32, #tpu.memory_space<vmem>>)
    %dma_wait3A_1010 = arith.constant 3 : i32
    %dma_wait3A_1011 = arith.constant 3 : i32
    %dma_wait3A_1012 = tpu.memref_slice %arg13[%dma_wait3A_1011] : memref<6x!tpu.dma_semaphore, #tpu.memory_space<semaphore_mem>> -> memref<1x!tpu.dma_semaphore, #tpu.memory_space<semaphore_mem>>
    %dma_wait3A_1013 = tpu.memref_squeeze %dma_wait3A_1012 : memref<1x!tpu.dma_semaphore, #tpu.memory_space<semaphore_mem>> -> memref<!tpu.dma_semaphore, #tpu.memory_space<semaphore_mem>>
    %dma_wait3A_1014 = arith.constant 0 : i32
    %dma_wait3A_1015 = arith.constant 0 : i32
    %dma_wait3A_1016 = tpu.memref_slice %arg11[%dma_wait3A_1010, %dma_wait3A_1014, %dma_wait3A_1015] : memref<6x256x2048xf32, #tpu.memory_space<vmem>> -> memref<1x256x2048xf32, #tpu.memory_space<vmem>>
    %dma_wait3A_1017 = tpu.memref_squeeze %dma_wait3A_1016 : memref<1x256x2048xf32, #tpu.memory_space<vmem>> -> memref<256x2048xf32, #tpu.memory_space<vmem>>
    %dma_wait3A_1018 = arith.constant 1024 : i32
    %dma_wait3A_1019 = arith.constant 0 : i32
    %dma_wait3A_1020 = tpu.memref_slice %arg6[%select_n3A_131, %dma_wait3A_1018, %dma_wait3A_1019] : memref<4x2048x2048xf32, #tpu.memory_space<any>> -> memref<1x256x2048xf32, #tpu.memory_space<any>>
    %dma_wait3A_1021 = tpu.memref_squeeze %dma_wait3A_1020 : memref<1x256x2048xf32, #tpu.memory_space<any>> -> memref<256x2048xf32, #tpu.memory_space<any>>
    tpu.wait_dma2 semaphore(%dma_wait3A_1013 : memref<!tpu.dma_semaphore, #tpu.memory_space<semaphore_mem>>) src(%dma_wait3A_1021 : memref<256x2048xf32, #tpu.memory_space<any>>) dst(%dma_wait3A_1017 : memref<256x2048xf32, #tpu.memory_space<vmem>>)
    %get3A_1022 = arith.constant 3 : index
    %get3A_1023 = arith.constant 0 : index
    %get3A_1024 = arith.constant 0 : index
    %get3A_1025 = vector.load %arg10[%get3A_1022, %get3A_1023, %get3A_1024] : memref<6x256x2048xf32, #tpu.memory_space<vmem>>, vector<1x256x2048xf32>
    %get3A_1026 = vector.shape_cast %get3A_1025 : vector<1x256x2048xf32> to vector<256x2048xf32>
    %dot_general3A_1027 = arith.constant dense<0.000000e+00> : vector<1x256xf32>
    %dot_general3A_1028 = tpu.matmul %get3A_1, %get3A_1026, %dot_general3A_1027 {dimension_numbers = #tpu.dot_dimension_numbers<[1], [1], [0], [0], [0, 0, 1, 0], [], []>, transpose_lhs_hint = false} : vector<1x2048xf32>, vector<256x2048xf32>, vector<1x256xf32> -> vector<1x256xf32>
    %get3A_1029 = arith.constant 3 : index
    %get3A_1030 = arith.constant 0 : index
    %get3A_1031 = arith.constant 0 : index
    %get3A_1032 = vector.load %arg11[%get3A_1029, %get3A_1030, %get3A_1031] : memref<6x256x2048xf32, #tpu.memory_space<vmem>>, vector<1x256x2048xf32>
    %get3A_1033 = vector.shape_cast %get3A_1032 : vector<1x256x2048xf32> to vector<256x2048xf32>
    %dot_general3A_1034 = arith.constant dense<0.000000e+00> : vector<1x256xf32>
    %dot_general3A_1035 = tpu.matmul %get3A_1, %get3A_1033, %dot_general3A_1034 {dimension_numbers = #tpu.dot_dimension_numbers<[1], [1], [0], [0], [0, 0, 1, 0], [], []>, transpose_lhs_hint = false} : vector<1x2048xf32>, vector<256x2048xf32>, vector<1x256xf32> -> vector<1x256xf32>
    %get3A_1036 = arith.constant 0 : index
    %get3A_1037 = arith.constant 1024 : index
    %get3A_1038 = vector.load %arg9[%get3A_1036, %get3A_1037] : memref<1x2048xf32, #tpu.memory_space<vmem>>, vector<1x256xf32>
    %mul3A_1039 = vector.broadcast %div3A_66 : vector<1x1xf32> to vector<1x256xf32>
    %mul3A_1040 = arith.mulf %mul3A_1039, %dot_general3A_1028 : vector<1x256xf32>
    %mul3A_1041 = vector.broadcast %div3A_142 : vector<1x1xf32> to vector<1x256xf32>
    %mul3A_1042 = arith.mulf %mul3A_1041, %dot_general3A_1035 : vector<1x256xf32>
    %add3A_1043 = arith.addf %mul3A_1040, %mul3A_1042 : vector<1x256xf32>
    %add3A_1044 = arith.addf %get3A_1038, %add3A_1043 : vector<1x256xf32>
    %swap3A_1045 = arith.constant 0 : index
    %swap3A_1046 = arith.constant 1024 : index
    %swap3A_1047 = vector.load %arg9[%swap3A_1045, %swap3A_1046] : memref<1x2048xf32, #tpu.memory_space<vmem>>, vector<1x256xf32>
    tpu.vector_store %arg9[%swap3A_1045, %swap3A_1046], %add3A_1044 {strides = array<i32>} : memref<1x2048xf32, #tpu.memory_space<vmem>>, vector<1x256xf32>,
    %dma_start3A_1048 = arith.constant 3 : i32
    %dma_start3A_1049 = arith.constant 3 : i32
    %dma_start3A_1050 = tpu.memref_slice %arg12[%dma_start3A_1049] : memref<6x!tpu.dma_semaphore, #tpu.memory_space<semaphore_mem>> -> memref<1x!tpu.dma_semaphore, #tpu.memory_space<semaphore_mem>>
    %dma_start3A_1051 = tpu.memref_squeeze %dma_start3A_1050 : memref<1x!tpu.dma_semaphore, #tpu.memory_space<semaphore_mem>> -> memref<!tpu.dma_semaphore, #tpu.memory_space<semaphore_mem>>
    %dma_start3A_1052 = arith.constant 0 : i32
    %dma_start3A_1053 = arith.constant 0 : i32
    %dma_start3A_1054 = tpu.memref_slice %arg10[%dma_start3A_1048, %dma_start3A_1052, %dma_start3A_1053] : memref<6x256x2048xf32, #tpu.memory_space<vmem>> -> memref<1x256x2048xf32, #tpu.memory_space<vmem>>
    %dma_start3A_1055 = tpu.memref_squeeze %dma_start3A_1054 : memref<1x256x2048xf32, #tpu.memory_space<vmem>> -> memref<256x2048xf32, #tpu.memory_space<vmem>>
    %dma_start3A_1056 = arith.constant 1792 : i32
    %dma_start3A_1057 = arith.constant 0 : i32
    %dma_start3A_1058 = tpu.memref_slice %arg5[%select_n3A_59, %dma_start3A_1056, %dma_start3A_1057] : memref<4x2048x2048xf32, #tpu.memory_space<any>> -> memref<1x256x2048xf32, #tpu.memory_space<any>>
    %dma_start3A_1059 = tpu.memref_squeeze %dma_start3A_1058 : memref<1x256x2048xf32, #tpu.memory_space<any>> -> memref<256x2048xf32, #tpu.memory_space<any>>
    tpu.enqueue_dma source(%dma_start3A_1059 : memref<256x2048xf32, #tpu.memory_space<any>>) target(%dma_start3A_1055 : memref<256x2048xf32, #tpu.memory_space<vmem>>) target_semaphore(%dma_start3A_1051 : memref<!tpu.dma_semaphore, #tpu.memory_space<semaphore_mem>>)
    %dma_start3A_1060 = arith.constant 3 : i32
    %dma_start3A_1061 = arith.constant 3 : i32
    %dma_start3A_1062 = tpu.memref_slice %arg13[%dma_start3A_1061] : memref<6x!tpu.dma_semaphore, #tpu.memory_space<semaphore_mem>> -> memref<1x!tpu.dma_semaphore, #tpu.memory_space<semaphore_mem>>
    %dma_start3A_1063 = tpu.memref_squeeze %dma_start3A_1062 : memref<1x!tpu.dma_semaphore, #tpu.memory_space<semaphore_mem>> -> memref<!tpu.dma_semaphore, #tpu.memory_space<semaphore_mem>>
    %dma_start3A_1064 = arith.constant 0 : i32
    %dma_start3A_1065 = arith.constant 0 : i32
    %dma_start3A_1066 = tpu.memref_slice %arg11[%dma_start3A_1060, %dma_start3A_1064, %dma_start3A_1065] : memref<6x256x2048xf32, #tpu.memory_space<vmem>> -> memref<1x256x2048xf32, #tpu.memory_space<vmem>>
    %dma_start3A_1067 = tpu.memref_squeeze %dma_start3A_1066 : memref<1x256x2048xf32, #tpu.memory_space<vmem>> -> memref<256x2048xf32, #tpu.memory_space<vmem>>
    %dma_start3A_1068 = arith.constant 1792 : i32
    %dma_start3A_1069 = arith.constant 0 : i32
    %dma_start3A_1070 = tpu.memref_slice %arg6[%select_n3A_131, %dma_start3A_1068, %dma_start3A_1069] : memref<4x2048x2048xf32, #tpu.memory_space<any>> -> memref<1x256x2048xf32, #tpu.memory_space<any>>
    %dma_start3A_1071 = tpu.memref_squeeze %dma_start3A_1070 : memref<1x256x2048xf32, #tpu.memory_space<any>> -> memref<256x2048xf32, #tpu.memory_space<any>>
    tpu.enqueue_dma source(%dma_start3A_1071 : memref<256x2048xf32, #tpu.memory_space<any>>) target(%dma_start3A_1067 : memref<256x2048xf32, #tpu.memory_space<vmem>>) target_semaphore(%dma_start3A_1063 : memref<!tpu.dma_semaphore, #tpu.memory_space<semaphore_mem>>)
    %dma_wait3A_1072 = arith.constant 4 : i32
    %dma_wait3A_1073 = arith.constant 4 : i32
    %dma_wait3A_1074 = tpu.memref_slice %arg12[%dma_wait3A_1073] : memref<6x!tpu.dma_semaphore, #tpu.memory_space<semaphore_mem>> -> memref<1x!tpu.dma_semaphore, #tpu.memory_space<semaphore_mem>>
    %dma_wait3A_1075 = tpu.memref_squeeze %dma_wait3A_1074 : memref<1x!tpu.dma_semaphore, #tpu.memory_space<semaphore_mem>> -> memref<!tpu.dma_semaphore, #tpu.memory_space<semaphore_mem>>
    %dma_wait3A_1076 = arith.constant 0 : i32
    %dma_wait3A_1077 = arith.constant 0 : i32
    %dma_wait3A_1078 = tpu.memref_slice %arg10[%dma_wait3A_1072, %dma_wait3A_1076, %dma_wait3A_1077] : memref<6x256x2048xf32, #tpu.memory_space<vmem>> -> memref<1x256x2048xf32, #tpu.memory_space<vmem>>
    %dma_wait3A_1079 = tpu.memref_squeeze %dma_wait3A_1078 : memref<1x256x2048xf32, #tpu.memory_space<vmem>> -> memref<256x2048xf32, #tpu.memory_space<vmem>>
    %dma_wait3A_1080 = arith.constant 1280 : i32
    %dma_wait3A_1081 = arith.constant 0 : i32
    %dma_wait3A_1082 = tpu.memref_slice %arg5[%select_n3A, %dma_wait3A_1080, %dma_wait3A_1081] : memref<4x2048x2048xf32, #tpu.memory_space<any>> -> memref<1x256x2048xf32, #tpu.memory_space<any>>
    %dma_wait3A_1083 = tpu.memref_squeeze %dma_wait3A_1082 : memref<1x256x2048xf32, #tpu.memory_space<any>> -> memref<256x2048xf32, #tpu.memory_space<any>>
    tpu.wait_dma2 semaphore(%dma_wait3A_1075 : memref<!tpu.dma_semaphore, #tpu.memory_space<semaphore_mem>>) src(%dma_wait3A_1083 : memref<256x2048xf32, #tpu.memory_space<any>>) dst(%dma_wait3A_1079 : memref<256x2048xf32, #tpu.memory_space<vmem>>)
    %dma_wait3A_1084 = arith.constant 4 : i32
    %dma_wait3A_1085 = arith.constant 4 : i32
    %dma_wait3A_1086 = tpu.memref_slice %arg13[%dma_wait3A_1085] : memref<6x!tpu.dma_semaphore, #tpu.memory_space<semaphore_mem>> -> memref<1x!tpu.dma_semaphore, #tpu.memory_space<semaphore_mem>>
    %dma_wait3A_1087 = tpu.memref_squeeze %dma_wait3A_1086 : memref<1x!tpu.dma_semaphore, #tpu.memory_space<semaphore_mem>> -> memref<!tpu.dma_semaphore, #tpu.memory_space<semaphore_mem>>
    %dma_wait3A_1088 = arith.constant 0 : i32
    %dma_wait3A_1089 = arith.constant 0 : i32
    %dma_wait3A_1090 = tpu.memref_slice %arg11[%dma_wait3A_1084, %dma_wait3A_1088, %dma_wait3A_1089] : memref<6x256x2048xf32, #tpu.memory_space<vmem>> -> memref<1x256x2048xf32, #tpu.memory_space<vmem>>
    %dma_wait3A_1091 = tpu.memref_squeeze %dma_wait3A_1090 : memref<1x256x2048xf32, #tpu.memory_space<vmem>> -> memref<256x2048xf32, #tpu.memory_space<vmem>>
    %dma_wait3A_1092 = arith.constant 1280 : i32
    %dma_wait3A_1093 = arith.constant 0 : i32
    %dma_wait3A_1094 = tpu.memref_slice %arg6[%select_n3A_126, %dma_wait3A_1092, %dma_wait3A_1093] : memref<4x2048x2048xf32, #tpu.memory_space<any>> -> memref<1x256x2048xf32, #tpu.memory_space<any>>
    %dma_wait3A_1095 = tpu.memref_squeeze %dma_wait3A_1094 : memref<1x256x2048xf32, #tpu.memory_space<any>> -> memref<256x2048xf32, #tpu.memory_space<any>>
    tpu.wait_dma2 semaphore(%dma_wait3A_1087 : memref<!tpu.dma_semaphore, #tpu.memory_space<semaphore_mem>>) src(%dma_wait3A_1095 : memref<256x2048xf32, #tpu.memory_space<any>>) dst(%dma_wait3A_1091 : memref<256x2048xf32, #tpu.memory_space<vmem>>)
    %get3A_1096 = arith.constant 4 : index
    %get3A_1097 = arith.constant 0 : index
    %get3A_1098 = arith.constant 0 : index
    %get3A_1099 = vector.load %arg10[%get3A_1096, %get3A_1097, %get3A_1098] : memref<6x256x2048xf32, #tpu.memory_space<vmem>>, vector<1x256x2048xf32>
    %get3A_1100 = vector.shape_cast %get3A_1099 : vector<1x256x2048xf32> to vector<256x2048xf32>
    %dot_general3A_1101 = arith.constant dense<0.000000e+00> : vector<1x256xf32>
    %dot_general3A_1102 = tpu.matmul %get3A_1, %get3A_1100, %dot_general3A_1101 {dimension_numbers = #tpu.dot_dimension_numbers<[1], [1], [0], [0], [0, 0, 1, 0], [], []>, transpose_lhs_hint = false} : vector<1x2048xf32>, vector<256x2048xf32>, vector<1x256xf32> -> vector<1x256xf32>
    %get3A_1103 = arith.constant 4 : index
    %get3A_1104 = arith.constant 0 : index
    %get3A_1105 = arith.constant 0 : index
    %get3A_1106 = vector.load %arg11[%get3A_1103, %get3A_1104, %get3A_1105] : memref<6x256x2048xf32, #tpu.memory_space<vmem>>, vector<1x256x2048xf32>
    %get3A_1107 = vector.shape_cast %get3A_1106 : vector<1x256x2048xf32> to vector<256x2048xf32>
    %dot_general3A_1108 = arith.constant dense<0.000000e+00> : vector<1x256xf32>
    %dot_general3A_1109 = tpu.matmul %get3A_1, %get3A_1107, %dot_general3A_1108 {dimension_numbers = #tpu.dot_dimension_numbers<[1], [1], [0], [0], [0, 0, 1, 0], [], []>, transpose_lhs_hint = false} : vector<1x2048xf32>, vector<256x2048xf32>, vector<1x256xf32> -> vector<1x256xf32>
    %get3A_1110 = arith.constant 0 : index
    %get3A_1111 = arith.constant 1280 : index
    %get3A_1112 = vector.load %arg9[%get3A_1110, %get3A_1111] : memref<1x2048xf32, #tpu.memory_space<vmem>>, vector<1x256xf32>
    %mul3A_1113 = vector.broadcast %div3A : vector<1x1xf32> to vector<1x256xf32>
    %mul3A_1114 = arith.mulf %mul3A_1113, %dot_general3A_1102 : vector<1x256xf32>
    %mul3A_1115 = vector.broadcast %div3A_141 : vector<1x1xf32> to vector<1x256xf32>
    %mul3A_1116 = arith.mulf %mul3A_1115, %dot_general3A_1109 : vector<1x256xf32>
    %add3A_1117 = arith.addf %mul3A_1114, %mul3A_1116 : vector<1x256xf32>
    %add3A_1118 = arith.addf %get3A_1112, %add3A_1117 : vector<1x256xf32>
    %swap3A_1119 = arith.constant 0 : index
    %swap3A_1120 = arith.constant 1280 : index
    %swap3A_1121 = vector.load %arg9[%swap3A_1119, %swap3A_1120] : memref<1x2048xf32, #tpu.memory_space<vmem>>, vector<1x256xf32>
    tpu.vector_store %arg9[%swap3A_1119, %swap3A_1120], %add3A_1118 {strides = array<i32>} : memref<1x2048xf32, #tpu.memory_space<vmem>>, vector<1x256xf32>,
    %dma_wait3A_1122 = arith.constant 5 : i32
    %dma_wait3A_1123 = arith.constant 5 : i32
    %dma_wait3A_1124 = tpu.memref_slice %arg12[%dma_wait3A_1123] : memref<6x!tpu.dma_semaphore, #tpu.memory_space<semaphore_mem>> -> memref<1x!tpu.dma_semaphore, #tpu.memory_space<semaphore_mem>>
    %dma_wait3A_1125 = tpu.memref_squeeze %dma_wait3A_1124 : memref<1x!tpu.dma_semaphore, #tpu.memory_space<semaphore_mem>> -> memref<!tpu.dma_semaphore, #tpu.memory_space<semaphore_mem>>
    %dma_wait3A_1126 = arith.constant 0 : i32
    %dma_wait3A_1127 = arith.constant 0 : i32
    %dma_wait3A_1128 = tpu.memref_slice %arg10[%dma_wait3A_1122, %dma_wait3A_1126, %dma_wait3A_1127] : memref<6x256x2048xf32, #tpu.memory_space<vmem>> -> memref<1x256x2048xf32, #tpu.memory_space<vmem>>
    %dma_wait3A_1129 = tpu.memref_squeeze %dma_wait3A_1128 : memref<1x256x2048xf32, #tpu.memory_space<vmem>> -> memref<256x2048xf32, #tpu.memory_space<vmem>>
    %dma_wait3A_1130 = arith.constant 1280 : i32
    %dma_wait3A_1131 = arith.constant 0 : i32
    %dma_wait3A_1132 = tpu.memref_slice %arg5[%select_n3A_59, %dma_wait3A_1130, %dma_wait3A_1131] : memref<4x2048x2048xf32, #tpu.memory_space<any>> -> memref<1x256x2048xf32, #tpu.memory_space<any>>
    %dma_wait3A_1133 = tpu.memref_squeeze %dma_wait3A_1132 : memref<1x256x2048xf32, #tpu.memory_space<any>> -> memref<256x2048xf32, #tpu.memory_space<any>>
    tpu.wait_dma2 semaphore(%dma_wait3A_1125 : memref<!tpu.dma_semaphore, #tpu.memory_space<semaphore_mem>>) src(%dma_wait3A_1133 : memref<256x2048xf32, #tpu.memory_space<any>>) dst(%dma_wait3A_1129 : memref<256x2048xf32, #tpu.memory_space<vmem>>)
    %dma_wait3A_1134 = arith.constant 5 : i32
    %dma_wait3A_1135 = arith.constant 5 : i32
    %dma_wait3A_1136 = tpu.memref_slice %arg13[%dma_wait3A_1135] : memref<6x!tpu.dma_semaphore, #tpu.memory_space<semaphore_mem>> -> memref<1x!tpu.dma_semaphore, #tpu.memory_space<semaphore_mem>>
    %dma_wait3A_1137 = tpu.memref_squeeze %dma_wait3A_1136 : memref<1x!tpu.dma_semaphore, #tpu.memory_space<semaphore_mem>> -> memref<!tpu.dma_semaphore, #tpu.memory_space<semaphore_mem>>
    %dma_wait3A_1138 = arith.constant 0 : i32
    %dma_wait3A_1139 = arith.constant 0 : i32
    %dma_wait3A_1140 = tpu.memref_slice %arg11[%dma_wait3A_1134, %dma_wait3A_1138, %dma_wait3A_1139] : memref<6x256x2048xf32, #tpu.memory_space<vmem>> -> memref<1x256x2048xf32, #tpu.memory_space<vmem>>
    %dma_wait3A_1141 = tpu.memref_squeeze %dma_wait3A_1140 : memref<1x256x2048xf32, #tpu.memory_space<vmem>> -> memref<256x2048xf32, #tpu.memory_space<vmem>>
    %dma_wait3A_1142 = arith.constant 1280 : i32
    %dma_wait3A_1143 = arith.constant 0 : i32
    %dma_wait3A_1144 = tpu.memref_slice %arg6[%select_n3A_131, %dma_wait3A_1142, %dma_wait3A_1143] : memref<4x2048x2048xf32, #tpu.memory_space<any>> -> memref<1x256x2048xf32, #tpu.memory_space<any>>
    %dma_wait3A_1145 = tpu.memref_squeeze %dma_wait3A_1144 : memref<1x256x2048xf32, #tpu.memory_space<any>> -> memref<256x2048xf32, #tpu.memory_space<any>>
    tpu.wait_dma2 semaphore(%dma_wait3A_1137 : memref<!tpu.dma_semaphore, #tpu.memory_space<semaphore_mem>>) src(%dma_wait3A_1145 : memref<256x2048xf32, #tpu.memory_space<any>>) dst(%dma_wait3A_1141 : memref<256x2048xf32, #tpu.memory_space<vmem>>)
    %get3A_1146 = arith.constant 5 : index
    %get3A_1147 = arith.constant 0 : index
    %get3A_1148 = arith.constant 0 : index
    %get3A_1149 = vector.load %arg10[%get3A_1146, %get3A_1147, %get3A_1148] : memref<6x256x2048xf32, #tpu.memory_space<vmem>>, vector<1x256x2048xf32>
    %get3A_1150 = vector.shape_cast %get3A_1149 : vector<1x256x2048xf32> to vector<256x2048xf32>
    %dot_general3A_1151 = arith.constant dense<0.000000e+00> : vector<1x256xf32>
    %dot_general3A_1152 = tpu.matmul %get3A_1, %get3A_1150, %dot_general3A_1151 {dimension_numbers = #tpu.dot_dimension_numbers<[1], [1], [0], [0], [0, 0, 1, 0], [], []>, transpose_lhs_hint = false} : vector<1x2048xf32>, vector<256x2048xf32>, vector<1x256xf32> -> vector<1x256xf32>
    %get3A_1153 = arith.constant 5 : index
    %get3A_1154 = arith.constant 0 : index
    %get3A_1155 = arith.constant 0 : index
    %get3A_1156 = vector.load %arg11[%get3A_1153, %get3A_1154, %get3A_1155] : memref<6x256x2048xf32, #tpu.memory_space<vmem>>, vector<1x256x2048xf32>
    %get3A_1157 = vector.shape_cast %get3A_1156 : vector<1x256x2048xf32> to vector<256x2048xf32>
    %dot_general3A_1158 = arith.constant dense<0.000000e+00> : vector<1x256xf32>
    %dot_general3A_1159 = tpu.matmul %get3A_1, %get3A_1157, %dot_general3A_1158 {dimension_numbers = #tpu.dot_dimension_numbers<[1], [1], [0], [0], [0, 0, 1, 0], [], []>, transpose_lhs_hint = false} : vector<1x2048xf32>, vector<256x2048xf32>, vector<1x256xf32> -> vector<1x256xf32>
    %get3A_1160 = arith.constant 0 : index
    %get3A_1161 = arith.constant 1280 : index
    %get3A_1162 = vector.load %arg9[%get3A_1160, %get3A_1161] : memref<1x2048xf32, #tpu.memory_space<vmem>>, vector<1x256xf32>
    %mul3A_1163 = vector.broadcast %div3A_66 : vector<1x1xf32> to vector<1x256xf32>
    %mul3A_1164 = arith.mulf %mul3A_1163, %dot_general3A_1152 : vector<1x256xf32>
    %mul3A_1165 = vector.broadcast %div3A_142 : vector<1x1xf32> to vector<1x256xf32>
    %mul3A_1166 = arith.mulf %mul3A_1165, %dot_general3A_1159 : vector<1x256xf32>
    %add3A_1167 = arith.addf %mul3A_1164, %mul3A_1166 : vector<1x256xf32>
    %add3A_1168 = arith.addf %get3A_1162, %add3A_1167 : vector<1x256xf32>
    %swap3A_1169 = arith.constant 0 : index
    %swap3A_1170 = arith.constant 1280 : index
    %swap3A_1171 = vector.load %arg9[%swap3A_1169, %swap3A_1170] : memref<1x2048xf32, #tpu.memory_space<vmem>>, vector<1x256xf32>
    tpu.vector_store %arg9[%swap3A_1169, %swap3A_1170], %add3A_1168 {strides = array<i32>} : memref<1x2048xf32, #tpu.memory_space<vmem>>, vector<1x256xf32>,
    %dma_wait3A_1172 = arith.constant 0 : i32
    %dma_wait3A_1173 = arith.constant 0 : i32
    %dma_wait3A_1174 = tpu.memref_slice %arg12[%dma_wait3A_1173] : memref<6x!tpu.dma_semaphore, #tpu.memory_space<semaphore_mem>> -> memref<1x!tpu.dma_semaphore, #tpu.memory_space<semaphore_mem>>
    %dma_wait3A_1175 = tpu.memref_squeeze %dma_wait3A_1174 : memref<1x!tpu.dma_semaphore, #tpu.memory_space<semaphore_mem>> -> memref<!tpu.dma_semaphore, #tpu.memory_space<semaphore_mem>>
    %dma_wait3A_1176 = arith.constant 0 : i32
    %dma_wait3A_1177 = arith.constant 0 : i32
    %dma_wait3A_1178 = tpu.memref_slice %arg10[%dma_wait3A_1172, %dma_wait3A_1176, %dma_wait3A_1177] : memref<6x256x2048xf32, #tpu.memory_space<vmem>> -> memref<1x256x2048xf32, #tpu.memory_space<vmem>>
    %dma_wait3A_1179 = tpu.memref_squeeze %dma_wait3A_1178 : memref<1x256x2048xf32, #tpu.memory_space<vmem>> -> memref<256x2048xf32, #tpu.memory_space<vmem>>
    %dma_wait3A_1180 = arith.constant 1536 : i32
    %dma_wait3A_1181 = arith.constant 0 : i32
    %dma_wait3A_1182 = tpu.memref_slice %arg5[%select_n3A, %dma_wait3A_1180, %dma_wait3A_1181] : memref<4x2048x2048xf32, #tpu.memory_space<any>> -> memref<1x256x2048xf32, #tpu.memory_space<any>>
    %dma_wait3A_1183 = tpu.memref_squeeze %dma_wait3A_1182 : memref<1x256x2048xf32, #tpu.memory_space<any>> -> memref<256x2048xf32, #tpu.memory_space<any>>
    tpu.wait_dma2 semaphore(%dma_wait3A_1175 : memref<!tpu.dma_semaphore, #tpu.memory_space<semaphore_mem>>) src(%dma_wait3A_1183 : memref<256x2048xf32, #tpu.memory_space<any>>) dst(%dma_wait3A_1179 : memref<256x2048xf32, #tpu.memory_space<vmem>>)
    %dma_wait3A_1184 = arith.constant 0 : i32
    %dma_wait3A_1185 = arith.constant 0 : i32
    %dma_wait3A_1186 = tpu.memref_slice %arg13[%dma_wait3A_1185] : memref<6x!tpu.dma_semaphore, #tpu.memory_space<semaphore_mem>> -> memref<1x!tpu.dma_semaphore, #tpu.memory_space<semaphore_mem>>
    %dma_wait3A_1187 = tpu.memref_squeeze %dma_wait3A_1186 : memref<1x!tpu.dma_semaphore, #tpu.memory_space<semaphore_mem>> -> memref<!tpu.dma_semaphore, #tpu.memory_space<semaphore_mem>>
    %dma_wait3A_1188 = arith.constant 0 : i32
    %dma_wait3A_1189 = arith.constant 0 : i32
    %dma_wait3A_1190 = tpu.memref_slice %arg11[%dma_wait3A_1184, %dma_wait3A_1188, %dma_wait3A_1189] : memref<6x256x2048xf32, #tpu.memory_space<vmem>> -> memref<1x256x2048xf32, #tpu.memory_space<vmem>>
    %dma_wait3A_1191 = tpu.memref_squeeze %dma_wait3A_1190 : memref<1x256x2048xf32, #tpu.memory_space<vmem>> -> memref<256x2048xf32, #tpu.memory_space<vmem>>
    %dma_wait3A_1192 = arith.constant 1536 : i32
    %dma_wait3A_1193 = arith.constant 0 : i32
    %dma_wait3A_1194 = tpu.memref_slice %arg6[%select_n3A_126, %dma_wait3A_1192, %dma_wait3A_1193] : memref<4x2048x2048xf32, #tpu.memory_space<any>> -> memref<1x256x2048xf32, #tpu.memory_space<any>>
    %dma_wait3A_1195 = tpu.memref_squeeze %dma_wait3A_1194 : memref<1x256x2048xf32, #tpu.memory_space<any>> -> memref<256x2048xf32, #tpu.memory_space<any>>
    tpu.wait_dma2 semaphore(%dma_wait3A_1187 : memref<!tpu.dma_semaphore, #tpu.memory_space<semaphore_mem>>) src(%dma_wait3A_1195 : memref<256x2048xf32, #tpu.memory_space<any>>) dst(%dma_wait3A_1191 : memref<256x2048xf32, #tpu.memory_space<vmem>>)
    %get3A_1196 = arith.constant 0 : index
    %get3A_1197 = arith.constant 0 : index
    %get3A_1198 = arith.constant 0 : index
    %get3A_1199 = vector.load %arg10[%get3A_1196, %get3A_1197, %get3A_1198] : memref<6x256x2048xf32, #tpu.memory_space<vmem>>, vector<1x256x2048xf32>
    %get3A_1200 = vector.shape_cast %get3A_1199 : vector<1x256x2048xf32> to vector<256x2048xf32>
    %dot_general3A_1201 = arith.constant dense<0.000000e+00> : vector<1x256xf32>
    %dot_general3A_1202 = tpu.matmul %get3A_1, %get3A_1200, %dot_general3A_1201 {dimension_numbers = #tpu.dot_dimension_numbers<[1], [1], [0], [0], [0, 0, 1, 0], [], []>, transpose_lhs_hint = false} : vector<1x2048xf32>, vector<256x2048xf32>, vector<1x256xf32> -> vector<1x256xf32>
    %get3A_1203 = arith.constant 0 : index
    %get3A_1204 = arith.constant 0 : index
    %get3A_1205 = arith.constant 0 : index
    %get3A_1206 = vector.load %arg11[%get3A_1203, %get3A_1204, %get3A_1205] : memref<6x256x2048xf32, #tpu.memory_space<vmem>>, vector<1x256x2048xf32>
    %get3A_1207 = vector.shape_cast %get3A_1206 : vector<1x256x2048xf32> to vector<256x2048xf32>
    %dot_general3A_1208 = arith.constant dense<0.000000e+00> : vector<1x256xf32>
    %dot_general3A_1209 = tpu.matmul %get3A_1, %get3A_1207, %dot_general3A_1208 {dimension_numbers = #tpu.dot_dimension_numbers<[1], [1], [0], [0], [0, 0, 1, 0], [], []>, transpose_lhs_hint = false} : vector<1x2048xf32>, vector<256x2048xf32>, vector<1x256xf32> -> vector<1x256xf32>
    %get3A_1210 = arith.constant 0 : index
    %get3A_1211 = arith.constant 1536 : index
    %get3A_1212 = vector.load %arg9[%get3A_1210, %get3A_1211] : memref<1x2048xf32, #tpu.memory_space<vmem>>, vector<1x256xf32>
    %mul3A_1213 = vector.broadcast %div3A : vector<1x1xf32> to vector<1x256xf32>
    %mul3A_1214 = arith.mulf %mul3A_1213, %dot_general3A_1202 : vector<1x256xf32>
    %mul3A_1215 = vector.broadcast %div3A_141 : vector<1x1xf32> to vector<1x256xf32>
    %mul3A_1216 = arith.mulf %mul3A_1215, %dot_general3A_1209 : vector<1x256xf32>
    %add3A_1217 = arith.addf %mul3A_1214, %mul3A_1216 : vector<1x256xf32>
    %add3A_1218 = arith.addf %get3A_1212, %add3A_1217 : vector<1x256xf32>
    %swap3A_1219 = arith.constant 0 : index
    %swap3A_1220 = arith.constant 1536 : index
    %swap3A_1221 = vector.load %arg9[%swap3A_1219, %swap3A_1220] : memref<1x2048xf32, #tpu.memory_space<vmem>>, vector<1x256xf32>
    tpu.vector_store %arg9[%swap3A_1219, %swap3A_1220], %add3A_1218 {strides = array<i32>} : memref<1x2048xf32, #tpu.memory_space<vmem>>, vector<1x256xf32>,
    %dma_wait3A_1222 = arith.constant 1 : i32
    %dma_wait3A_1223 = arith.constant 1 : i32
    %dma_wait3A_1224 = tpu.memref_slice %arg12[%dma_wait3A_1223] : memref<6x!tpu.dma_semaphore, #tpu.memory_space<semaphore_mem>> -> memref<1x!tpu.dma_semaphore, #tpu.memory_space<semaphore_mem>>
    %dma_wait3A_1225 = tpu.memref_squeeze %dma_wait3A_1224 : memref<1x!tpu.dma_semaphore, #tpu.memory_space<semaphore_mem>> -> memref<!tpu.dma_semaphore, #tpu.memory_space<semaphore_mem>>
    %dma_wait3A_1226 = arith.constant 0 : i32
    %dma_wait3A_1227 = arith.constant 0 : i32
    %dma_wait3A_1228 = tpu.memref_slice %arg10[%dma_wait3A_1222, %dma_wait3A_1226, %dma_wait3A_1227] : memref<6x256x2048xf32, #tpu.memory_space<vmem>> -> memref<1x256x2048xf32, #tpu.memory_space<vmem>>
    %dma_wait3A_1229 = tpu.memref_squeeze %dma_wait3A_1228 : memref<1x256x2048xf32, #tpu.memory_space<vmem>> -> memref<256x2048xf32, #tpu.memory_space<vmem>>
    %dma_wait3A_1230 = arith.constant 1536 : i32
    %dma_wait3A_1231 = arith.constant 0 : i32
    %dma_wait3A_1232 = tpu.memref_slice %arg5[%select_n3A_59, %dma_wait3A_1230, %dma_wait3A_1231] : memref<4x2048x2048xf32, #tpu.memory_space<any>> -> memref<1x256x2048xf32, #tpu.memory_space<any>>
    %dma_wait3A_1233 = tpu.memref_squeeze %dma_wait3A_1232 : memref<1x256x2048xf32, #tpu.memory_space<any>> -> memref<256x2048xf32, #tpu.memory_space<any>>
    tpu.wait_dma2 semaphore(%dma_wait3A_1225 : memref<!tpu.dma_semaphore, #tpu.memory_space<semaphore_mem>>) src(%dma_wait3A_1233 : memref<256x2048xf32, #tpu.memory_space<any>>) dst(%dma_wait3A_1229 : memref<256x2048xf32, #tpu.memory_space<vmem>>)
    %dma_wait3A_1234 = arith.constant 1 : i32
    %dma_wait3A_1235 = arith.constant 1 : i32
    %dma_wait3A_1236 = tpu.memref_slice %arg13[%dma_wait3A_1235] : memref<6x!tpu.dma_semaphore, #tpu.memory_space<semaphore_mem>> -> memref<1x!tpu.dma_semaphore, #tpu.memory_space<semaphore_mem>>
    %dma_wait3A_1237 = tpu.memref_squeeze %dma_wait3A_1236 : memref<1x!tpu.dma_semaphore, #tpu.memory_space<semaphore_mem>> -> memref<!tpu.dma_semaphore, #tpu.memory_space<semaphore_mem>>
    %dma_wait3A_1238 = arith.constant 0 : i32
    %dma_wait3A_1239 = arith.constant 0 : i32
    %dma_wait3A_1240 = tpu.memref_slice %arg11[%dma_wait3A_1234, %dma_wait3A_1238, %dma_wait3A_1239] : memref<6x256x2048xf32, #tpu.memory_space<vmem>> -> memref<1x256x2048xf32, #tpu.memory_space<vmem>>
    %dma_wait3A_1241 = tpu.memref_squeeze %dma_wait3A_1240 : memref<1x256x2048xf32, #tpu.memory_space<vmem>> -> memref<256x2048xf32, #tpu.memory_space<vmem>>
    %dma_wait3A_1242 = arith.constant 1536 : i32
    %dma_wait3A_1243 = arith.constant 0 : i32
    %dma_wait3A_1244 = tpu.memref_slice %arg6[%select_n3A_131, %dma_wait3A_1242, %dma_wait3A_1243] : memref<4x2048x2048xf32, #tpu.memory_space<any>> -> memref<1x256x2048xf32, #tpu.memory_space<any>>
    %dma_wait3A_1245 = tpu.memref_squeeze %dma_wait3A_1244 : memref<1x256x2048xf32, #tpu.memory_space<any>> -> memref<256x2048xf32, #tpu.memory_space<any>>
    tpu.wait_dma2 semaphore(%dma_wait3A_1237 : memref<!tpu.dma_semaphore, #tpu.memory_space<semaphore_mem>>) src(%dma_wait3A_1245 : memref<256x2048xf32, #tpu.memory_space<any>>) dst(%dma_wait3A_1241 : memref<256x2048xf32, #tpu.memory_space<vmem>>)
    %get3A_1246 = arith.constant 1 : index
    %get3A_1247 = arith.constant 0 : index
    %get3A_1248 = arith.constant 0 : index
    %get3A_1249 = vector.load %arg10[%get3A_1246, %get3A_1247, %get3A_1248] : memref<6x256x2048xf32, #tpu.memory_space<vmem>>, vector<1x256x2048xf32>
    %get3A_1250 = vector.shape_cast %get3A_1249 : vector<1x256x2048xf32> to vector<256x2048xf32>
    %dot_general3A_1251 = arith.constant dense<0.000000e+00> : vector<1x256xf32>
    %dot_general3A_1252 = tpu.matmul %get3A_1, %get3A_1250, %dot_general3A_1251 {dimension_numbers = #tpu.dot_dimension_numbers<[1], [1], [0], [0], [0, 0, 1, 0], [], []>, transpose_lhs_hint = false} : vector<1x2048xf32>, vector<256x2048xf32>, vector<1x256xf32> -> vector<1x256xf32>
    %get3A_1253 = arith.constant 1 : index
    %get3A_1254 = arith.constant 0 : index
    %get3A_1255 = arith.constant 0 : index
    %get3A_1256 = vector.load %arg11[%get3A_1253, %get3A_1254, %get3A_1255] : memref<6x256x2048xf32, #tpu.memory_space<vmem>>, vector<1x256x2048xf32>
    %get3A_1257 = vector.shape_cast %get3A_1256 : vector<1x256x2048xf32> to vector<256x2048xf32>
    %dot_general3A_1258 = arith.constant dense<0.000000e+00> : vector<1x256xf32>
    %dot_general3A_1259 = tpu.matmul %get3A_1, %get3A_1257, %dot_general3A_1258 {dimension_numbers = #tpu.dot_dimension_numbers<[1], [1], [0], [0], [0, 0, 1, 0], [], []>, transpose_lhs_hint = false} : vector<1x2048xf32>, vector<256x2048xf32>, vector<1x256xf32> -> vector<1x256xf32>
    %get3A_1260 = arith.constant 0 : index
    %get3A_1261 = arith.constant 1536 : index
    %get3A_1262 = vector.load %arg9[%get3A_1260, %get3A_1261] : memref<1x2048xf32, #tpu.memory_space<vmem>>, vector<1x256xf32>
    %mul3A_1263 = vector.broadcast %div3A_66 : vector<1x1xf32> to vector<1x256xf32>
    %mul3A_1264 = arith.mulf %mul3A_1263, %dot_general3A_1252 : vector<1x256xf32>
    %mul3A_1265 = vector.broadcast %div3A_142 : vector<1x1xf32> to vector<1x256xf32>
    %mul3A_1266 = arith.mulf %mul3A_1265, %dot_general3A_1259 : vector<1x256xf32>
    %add3A_1267 = arith.addf %mul3A_1264, %mul3A_1266 : vector<1x256xf32>
    %add3A_1268 = arith.addf %get3A_1262, %add3A_1267 : vector<1x256xf32>
    %swap3A_1269 = arith.constant 0 : index
    %swap3A_1270 = arith.constant 1536 : index
    %swap3A_1271 = vector.load %arg9[%swap3A_1269, %swap3A_1270] : memref<1x2048xf32, #tpu.memory_space<vmem>>, vector<1x256xf32>
    tpu.vector_store %arg9[%swap3A_1269, %swap3A_1270], %add3A_1268 {strides = array<i32>} : memref<1x2048xf32, #tpu.memory_space<vmem>>, vector<1x256xf32>,
    %dma_wait3A_1272 = arith.constant 2 : i32
    %dma_wait3A_1273 = arith.constant 2 : i32
    %dma_wait3A_1274 = tpu.memref_slice %arg12[%dma_wait3A_1273] : memref<6x!tpu.dma_semaphore, #tpu.memory_space<semaphore_mem>> -> memref<1x!tpu.dma_semaphore, #tpu.memory_space<semaphore_mem>>
    %dma_wait3A_1275 = tpu.memref_squeeze %dma_wait3A_1274 : memref<1x!tpu.dma_semaphore, #tpu.memory_space<semaphore_mem>> -> memref<!tpu.dma_semaphore, #tpu.memory_space<semaphore_mem>>
    %dma_wait3A_1276 = arith.constant 0 : i32
    %dma_wait3A_1277 = arith.constant 0 : i32
    %dma_wait3A_1278 = tpu.memref_slice %arg10[%dma_wait3A_1272, %dma_wait3A_1276, %dma_wait3A_1277] : memref<6x256x2048xf32, #tpu.memory_space<vmem>> -> memref<1x256x2048xf32, #tpu.memory_space<vmem>>
    %dma_wait3A_1279 = tpu.memref_squeeze %dma_wait3A_1278 : memref<1x256x2048xf32, #tpu.memory_space<vmem>> -> memref<256x2048xf32, #tpu.memory_space<vmem>>
    %dma_wait3A_1280 = arith.constant 1792 : i32
    %dma_wait3A_1281 = arith.constant 0 : i32
    %dma_wait3A_1282 = tpu.memref_slice %arg5[%select_n3A, %dma_wait3A_1280, %dma_wait3A_1281] : memref<4x2048x2048xf32, #tpu.memory_space<any>> -> memref<1x256x2048xf32, #tpu.memory_space<any>>
    %dma_wait3A_1283 = tpu.memref_squeeze %dma_wait3A_1282 : memref<1x256x2048xf32, #tpu.memory_space<any>> -> memref<256x2048xf32, #tpu.memory_space<any>>
    tpu.wait_dma2 semaphore(%dma_wait3A_1275 : memref<!tpu.dma_semaphore, #tpu.memory_space<semaphore_mem>>) src(%dma_wait3A_1283 : memref<256x2048xf32, #tpu.memory_space<any>>) dst(%dma_wait3A_1279 : memref<256x2048xf32, #tpu.memory_space<vmem>>)
    %dma_wait3A_1284 = arith.constant 2 : i32
    %dma_wait3A_1285 = arith.constant 2 : i32
    %dma_wait3A_1286 = tpu.memref_slice %arg13[%dma_wait3A_1285] : memref<6x!tpu.dma_semaphore, #tpu.memory_space<semaphore_mem>> -> memref<1x!tpu.dma_semaphore, #tpu.memory_space<semaphore_mem>>
    %dma_wait3A_1287 = tpu.memref_squeeze %dma_wait3A_1286 : memref<1x!tpu.dma_semaphore, #tpu.memory_space<semaphore_mem>> -> memref<!tpu.dma_semaphore, #tpu.memory_space<semaphore_mem>>
    %dma_wait3A_1288 = arith.constant 0 : i32
    %dma_wait3A_1289 = arith.constant 0 : i32
    %dma_wait3A_1290 = tpu.memref_slice %arg11[%dma_wait3A_1284, %dma_wait3A_1288, %dma_wait3A_1289] : memref<6x256x2048xf32, #tpu.memory_space<vmem>> -> memref<1x256x2048xf32, #tpu.memory_space<vmem>>
    %dma_wait3A_1291 = tpu.memref_squeeze %dma_wait3A_1290 : memref<1x256x2048xf32, #tpu.memory_space<vmem>> -> memref<256x2048xf32, #tpu.memory_space<vmem>>
    %dma_wait3A_1292 = arith.constant 1792 : i32
    %dma_wait3A_1293 = arith.constant 0 : i32
    %dma_wait3A_1294 = tpu.memref_slice %arg6[%select_n3A_126, %dma_wait3A_1292, %dma_wait3A_1293] : memref<4x2048x2048xf32, #tpu.memory_space<any>> -> memref<1x256x2048xf32, #tpu.memory_space<any>>
    %dma_wait3A_1295 = tpu.memref_squeeze %dma_wait3A_1294 : memref<1x256x2048xf32, #tpu.memory_space<any>> -> memref<256x2048xf32, #tpu.memory_space<any>>
    tpu.wait_dma2 semaphore(%dma_wait3A_1287 : memref<!tpu.dma_semaphore, #tpu.memory_space<semaphore_mem>>) src(%dma_wait3A_1295 : memref<256x2048xf32, #tpu.memory_space<any>>) dst(%dma_wait3A_1291 : memref<256x2048xf32, #tpu.memory_space<vmem>>)
    %get3A_1296 = arith.constant 2 : index
    %get3A_1297 = arith.constant 0 : index
    %get3A_1298 = arith.constant 0 : index
    %get3A_1299 = vector.load %arg10[%get3A_1296, %get3A_1297, %get3A_1298] : memref<6x256x2048xf32, #tpu.memory_space<vmem>>, vector<1x256x2048xf32>
    %get3A_1300 = vector.shape_cast %get3A_1299 : vector<1x256x2048xf32> to vector<256x2048xf32>
    %dot_general3A_1301 = arith.constant dense<0.000000e+00> : vector<1x256xf32>
    %dot_general3A_1302 = tpu.matmul %get3A_1, %get3A_1300, %dot_general3A_1301 {dimension_numbers = #tpu.dot_dimension_numbers<[1], [1], [0], [0], [0, 0, 1, 0], [], []>, transpose_lhs_hint = false} : vector<1x2048xf32>, vector<256x2048xf32>, vector<1x256xf32> -> vector<1x256xf32>
    %get3A_1303 = arith.constant 2 : index
    %get3A_1304 = arith.constant 0 : index
    %get3A_1305 = arith.constant 0 : index
    %get3A_1306 = vector.load %arg11[%get3A_1303, %get3A_1304, %get3A_1305] : memref<6x256x2048xf32, #tpu.memory_space<vmem>>, vector<1x256x2048xf32>
    %get3A_1307 = vector.shape_cast %get3A_1306 : vector<1x256x2048xf32> to vector<256x2048xf32>
    %dot_general3A_1308 = arith.constant dense<0.000000e+00> : vector<1x256xf32>
    %dot_general3A_1309 = tpu.matmul %get3A_1, %get3A_1307, %dot_general3A_1308 {dimension_numbers = #tpu.dot_dimension_numbers<[1], [1], [0], [0], [0, 0, 1, 0], [], []>, transpose_lhs_hint = false} : vector<1x2048xf32>, vector<256x2048xf32>, vector<1x256xf32> -> vector<1x256xf32>
    %get3A_1310 = arith.constant 0 : index
    %get3A_1311 = arith.constant 1792 : index
    %get3A_1312 = vector.load %arg9[%get3A_1310, %get3A_1311] : memref<1x2048xf32, #tpu.memory_space<vmem>>, vector<1x256xf32>
    %mul3A_1313 = vector.broadcast %div3A : vector<1x1xf32> to vector<1x256xf32>
    %mul3A_1314 = arith.mulf %mul3A_1313, %dot_general3A_1302 : vector<1x256xf32>
    %mul3A_1315 = vector.broadcast %div3A_141 : vector<1x1xf32> to vector<1x256xf32>
    %mul3A_1316 = arith.mulf %mul3A_1315, %dot_general3A_1309 : vector<1x256xf32>
    %add3A_1317 = arith.addf %mul3A_1314, %mul3A_1316 : vector<1x256xf32>
    %add3A_1318 = arith.addf %get3A_1312, %add3A_1317 : vector<1x256xf32>
    %swap3A_1319 = arith.constant 0 : index
    %swap3A_1320 = arith.constant 1792 : index
    %swap3A_1321 = vector.load %arg9[%swap3A_1319, %swap3A_1320] : memref<1x2048xf32, #tpu.memory_space<vmem>>, vector<1x256xf32>
    tpu.vector_store %arg9[%swap3A_1319, %swap3A_1320], %add3A_1318 {strides = array<i32>} : memref<1x2048xf32, #tpu.memory_space<vmem>>, vector<1x256xf32>,
    %dma_wait3A_1322 = arith.constant 3 : i32
    %dma_wait3A_1323 = arith.constant 3 : i32
    %dma_wait3A_1324 = tpu.memref_slice %arg12[%dma_wait3A_1323] : memref<6x!tpu.dma_semaphore, #tpu.memory_space<semaphore_mem>> -> memref<1x!tpu.dma_semaphore, #tpu.memory_space<semaphore_mem>>
    %dma_wait3A_1325 = tpu.memref_squeeze %dma_wait3A_1324 : memref<1x!tpu.dma_semaphore, #tpu.memory_space<semaphore_mem>> -> memref<!tpu.dma_semaphore, #tpu.memory_space<semaphore_mem>>
    %dma_wait3A_1326 = arith.constant 0 : i32
    %dma_wait3A_1327 = arith.constant 0 : i32
    %dma_wait3A_1328 = tpu.memref_slice %arg10[%dma_wait3A_1322, %dma_wait3A_1326, %dma_wait3A_1327] : memref<6x256x2048xf32, #tpu.memory_space<vmem>> -> memref<1x256x2048xf32, #tpu.memory_space<vmem>>
    %dma_wait3A_1329 = tpu.memref_squeeze %dma_wait3A_1328 : memref<1x256x2048xf32, #tpu.memory_space<vmem>> -> memref<256x2048xf32, #tpu.memory_space<vmem>>
    %dma_wait3A_1330 = arith.constant 1792 : i32
    %dma_wait3A_1331 = arith.constant 0 : i32
    %dma_wait3A_1332 = tpu.memref_slice %arg5[%select_n3A_59, %dma_wait3A_1330, %dma_wait3A_1331] : memref<4x2048x2048xf32, #tpu.memory_space<any>> -> memref<1x256x2048xf32, #tpu.memory_space<any>>
    %dma_wait3A_1333 = tpu.memref_squeeze %dma_wait3A_1332 : memref<1x256x2048xf32, #tpu.memory_space<any>> -> memref<256x2048xf32, #tpu.memory_space<any>>
    tpu.wait_dma2 semaphore(%dma_wait3A_1325 : memref<!tpu.dma_semaphore, #tpu.memory_space<semaphore_mem>>) src(%dma_wait3A_1333 : memref<256x2048xf32, #tpu.memory_space<any>>) dst(%dma_wait3A_1329 : memref<256x2048xf32, #tpu.memory_space<vmem>>)
    %dma_wait3A_1334 = arith.constant 3 : i32
    %dma_wait3A_1335 = arith.constant 3 : i32
    %dma_wait3A_1336 = tpu.memref_slice %arg13[%dma_wait3A_1335] : memref<6x!tpu.dma_semaphore, #tpu.memory_space<semaphore_mem>> -> memref<1x!tpu.dma_semaphore, #tpu.memory_space<semaphore_mem>>
    %dma_wait3A_1337 = tpu.memref_squeeze %dma_wait3A_1336 : memref<1x!tpu.dma_semaphore, #tpu.memory_space<semaphore_mem>> -> memref<!tpu.dma_semaphore, #tpu.memory_space<semaphore_mem>>
    %dma_wait3A_1338 = arith.constant 0 : i32
    %dma_wait3A_1339 = arith.constant 0 : i32
    %dma_wait3A_1340 = tpu.memref_slice %arg11[%dma_wait3A_1334, %dma_wait3A_1338, %dma_wait3A_1339] : memref<6x256x2048xf32, #tpu.memory_space<vmem>> -> memref<1x256x2048xf32, #tpu.memory_space<vmem>>
    %dma_wait3A_1341 = tpu.memref_squeeze %dma_wait3A_1340 : memref<1x256x2048xf32, #tpu.memory_space<vmem>> -> memref<256x2048xf32, #tpu.memory_space<vmem>>
    %dma_wait3A_1342 = arith.constant 1792 : i32
    %dma_wait3A_1343 = arith.constant 0 : i32
    %dma_wait3A_1344 = tpu.memref_slice %arg6[%select_n3A_131, %dma_wait3A_1342, %dma_wait3A_1343] : memref<4x2048x2048xf32, #tpu.memory_space<any>> -> memref<1x256x2048xf32, #tpu.memory_space<any>>
    %dma_wait3A_1345 = tpu.memref_squeeze %dma_wait3A_1344 : memref<1x256x2048xf32, #tpu.memory_space<any>> -> memref<256x2048xf32, #tpu.memory_space<any>>
    tpu.wait_dma2 semaphore(%dma_wait3A_1337 : memref<!tpu.dma_semaphore, #tpu.memory_space<semaphore_mem>>) src(%dma_wait3A_1345 : memref<256x2048xf32, #tpu.memory_space<any>>) dst(%dma_wait3A_1341 : memref<256x2048xf32, #tpu.memory_space<vmem>>)
    %get3A_1346 = arith.constant 3 : index
    %get3A_1347 = arith.constant 0 : index
    %get3A_1348 = arith.constant 0 : index
    %get3A_1349 = vector.load %arg10[%get3A_1346, %get3A_1347, %get3A_1348] : memref<6x256x2048xf32, #tpu.memory_space<vmem>>, vector<1x256x2048xf32>
    %get3A_1350 = vector.shape_cast %get3A_1349 : vector<1x256x2048xf32> to vector<256x2048xf32>
    %dot_general3A_1351 = arith.constant dense<0.000000e+00> : vector<1x256xf32>
    %dot_general3A_1352 = tpu.matmul %get3A_1, %get3A_1350, %dot_general3A_1351 {dimension_numbers = #tpu.dot_dimension_numbers<[1], [1], [0], [0], [0, 0, 1, 0], [], []>, transpose_lhs_hint = false} : vector<1x2048xf32>, vector<256x2048xf32>, vector<1x256xf32> -> vector<1x256xf32>
    %get3A_1353 = arith.constant 3 : index
    %get3A_1354 = arith.constant 0 : index
    %get3A_1355 = arith.constant 0 : index
    %get3A_1356 = vector.load %arg11[%get3A_1353, %get3A_1354, %get3A_1355] : memref<6x256x2048xf32, #tpu.memory_space<vmem>>, vector<1x256x2048xf32>
    %get3A_1357 = vector.shape_cast %get3A_1356 : vector<1x256x2048xf32> to vector<256x2048xf32>
    %dot_general3A_1358 = arith.constant dense<0.000000e+00> : vector<1x256xf32>
    %dot_general3A_1359 = tpu.matmul %get3A_1, %get3A_1357, %dot_general3A_1358 {dimension_numbers = #tpu.dot_dimension_numbers<[1], [1], [0], [0], [0, 0, 1, 0], [], []>, transpose_lhs_hint = false} : vector<1x2048xf32>, vector<256x2048xf32>, vector<1x256xf32> -> vector<1x256xf32>
    %get3A_1360 = arith.constant 0 : index
    %get3A_1361 = arith.constant 1792 : index
    %get3A_1362 = vector.load %arg9[%get3A_1360, %get3A_1361] : memref<1x2048xf32, #tpu.memory_space<vmem>>, vector<1x256xf32>
    %mul3A_1363 = vector.broadcast %div3A_66 : vector<1x1xf32> to vector<1x256xf32>
    %mul3A_1364 = arith.mulf %mul3A_1363, %dot_general3A_1352 : vector<1x256xf32>
    %mul3A_1365 = vector.broadcast %div3A_142 : vector<1x1xf32> to vector<1x256xf32>
    %mul3A_1366 = arith.mulf %mul3A_1365, %dot_general3A_1359 : vector<1x256xf32>
    %add3A_1367 = arith.addf %mul3A_1364, %mul3A_1366 : vector<1x256xf32>
    %add3A_1368 = arith.addf %get3A_1362, %add3A_1367 : vector<1x256xf32>
    %swap3A_1369 = arith.constant 0 : index
    %swap3A_1370 = arith.constant 1792 : index
    %swap3A_1371 = vector.load %arg9[%swap3A_1369, %swap3A_1370] : memref<1x2048xf32, #tpu.memory_space<vmem>>, vector<1x256xf32>
    tpu.vector_store %arg9[%swap3A_1369, %swap3A_1370], %add3A_1368 {strides = array<i32>} : memref<1x2048xf32, #tpu.memory_space<vmem>>, vector<1x256xf32>,
    return
  }
}

</mosaic_0001>

<sc_bundles>
// kernel: kernel.4.cloned.1.call-start
scs
__scs_entry_jumppad:
0x0: {  	(pc) =	sbr.rel $0x88, $3  }
0x1: {  	(tag) =	ssettag $0x0;
	lr =	simm.s32 $0x1  }
0x2: {  	[smem:$0x3F97] =	sst lr;
	_ =	strace $0xD0000000  }
0x3: {  	_ = 	snop  }
0x4: {  	_ = 	snop  }
0x5: {  	_ = 	snop  }
0x6: {  	_ = 	snop  }
0x7: {  	_ = 	snop  }
__scs_overlays_trampoline_lowered:
0x8: {  	[smem:$0x3FA6] =	sst s0  }
0x9: {  	[smem:$0x3FA7] =	sst s1  }
0xa: {  	[smem:$0x3FA8] =	sst s2  }
0xb: {  	[smem:$0x3FA9] =	sst s3  }
0xc: {  	[smem:$0x3FAA] =	sst s4  }
0xd: {  	[smem:$0x3FAB] =	sst s5  }
0xe: {  	[smem:$0x3FAC] =	sst s6  }
0xf: {  	[smem:$0x3FAD] =	sst s7  }
0x10: {  	[smem:$0x3FAE] =	sst s8  }
0x11: {  	[smem:$0x3FAF] =	sst s9;
	s0 =	simm.s32 @!p0 $0x0  }
0x12: {  	s1 =	sld [smem:$0x3F95];
	s0 =	simm.s32 @p0 $0x1  }
0x13: {  	[smem:$0x3FB0] =	sst s0;
	s0 =	simm.s32 @!p1 $0x0  }
0x14: {  	s2 =	sld [smem:$0x3F94];
	s0 =	simm.s32 @p1 $0x1  }
0x15: {  	[smem:$0x3FB1] =	sst s0;
	s0 =	simm.s32 @!p2 $0x0  }
0x16: {  	s3 =	sld [smem:$0x3FDB];
	s0 =	simm.s32 @p2 $0x1  }
0x17: {  	s4 =	simm.s32 $0x1BF5;
	[smem:$0x3FB3] =	sst s0  }
0x18: {  	s0 =	sld [smem:$0x3F96];
	_ =	swait.ge [sflag:s4], $0x0  }
0x19: {  	s7 =	sld [smem:$0x3F97]  }
0x1a: {  	s8 =	sadd.s32 $0xFFFFE003, lr  }
0x1b: {  	s9 =	sadd.s32 $0xFFFFFEF7, lr;
	s5 =	simm.s32 $0xFFFFFFFF;
	p2 =	slt.u32 s8, $0xFFFFF086  }
0x1c: {  	p1 =	slt.u32 s9, $0xF7A;
	s5 =	simm.s32 @!p2 $0x0  }
0x1d: {  	s5 =	simm.s32 @p1 $0x1;
	p0 =	seq.s32 s7, s2  }
0x1e: {  	s7 =	smul.u32 @!p0 $0xF7A, s2;
	p2 =	seq.s32 @!p0 s5, $0x0  }
0x1f: {  	s9 =	smul.u32 $0xF7A, s1;
	s8 =	simm.s32 @!p0 $0x1BF5;
	p2 =	por !p2, p0  }
0x20: {  	[sflag:s8] =	ssyncset.s32 @!p0 $0xFFFFF086;
	s6 =	sadd.s32 @!p0 s3, s7;
	s7 =	simm.s32 @!p0 $0x108  }
0x21: {  	s3 =	sadd.s32 s3, s9;
	s6 =	sadd.s32 @!p0 $0x88, s6;
	s7 =	simm.s32 @p2 $0x1082  }
0x22: {  	[simem:s7], [sflag:s8] =	dma.local @!p0 [hbm:s6], $0xF7A  }
0x23: {  	s9 =	sor.u32 $0xD0000000, s2;
	s6 =	simm.s32 $0x108;
	_ =	swait.ge @!p0 [sflag:s8], $0x0  }
0x24: {  	s3 =	sadd.s32 $0x88, s3;
	s6 =	simm.s32 @!p1 $0x1082;
	[sflag:s4] =	ssyncset.s32 $0xFFFFF086  }
0x25: {  	[simem:s6], [sflag:s4] =	dma.local [hbm:s3], $0xF7A  }
0x26: {  	[smem:$0x3F97] =	sst s1;
	(tag) =	ssettag s2;
	_ =	strace s9  }
0x27: {  	s1 =	sld [smem:$0x3FA7]  }
0x28: {  	s2 =	sld [smem:$0x3FA8]  }
0x29: {  	s4 =	sld [smem:$0x3FAA]  }
0x2a: {  	p0 =	seq.s32 s5, $0x0;
	s5 =	sld [smem:$0x3FAB]  }
0x2b: {  	s6 =	sld [smem:$0x3FAC]  }
0x2c: {  	s7 =	sld [smem:$0x3FAD]  }
0x2d: {  	s3 =	simm.s32 $0x108;
	s8 =	sld [smem:$0x3FAE]  }
0x2e: {  	s3 =	simm.s32 @!p0 $0x1082;
	s9 =	sld [smem:$0x3FAF]  }
0x2f: {  	lr =	sadd.s32 s0, s3;
	s0 =	sld [smem:$0x3FA6]  }
0x30: {  	s3 =	sld [smem:$0x3FA9]  }
0x31: {  	[smem:$0x3FB2] =	sst s10  }
0x32: {  	s10 =	sld [smem:$0x3FB0];
	_ =	sdelay $0x3  }
0x33: {  	p0 =	seq.s32 s10, $0x1;
	s10 =	sld [smem:$0x3FB2];
	_ =	sdelay $0x3  }
0x34: {  	[smem:$0x3FB2] =	sst s10  }
0x35: {  	s10 =	sld [smem:$0x3FB1];
	_ =	sdelay $0x3  }
0x36: {  	p1 =	seq.s32 s10, $0x1;
	s10 =	sld [smem:$0x3FB2];
	_ =	sdelay $0x3  }
0x37: {  	[smem:$0x3FB2] =	sst s10  }
0x38: {  	s10 =	sld [smem:$0x3FB3]  }
0x39: {  	_ = 	snop;
	(pc) =	sbr.ind lr, $3  }
0x3a: {  	_ = 	snop  }
0x3b: {  	_ = 	snop  }
0x3c: {  	p2 =	seq.s32 s10, $0x1;
	s10 =	sld [smem:$0x3FB2]  }
0x3d: {  	_ =	shalt  }
0x3e: {  	_ =	shalt  }
0x3f: {  	_ =	shalt  }
0x40: {  	_ =	shalt  }
0x41: {  	_ =	shalt  }
0x42: {  	_ =	shalt  }
0x43: {  	_ =	shalt  }
0x44: {  	_ =	shalt  }
0x45: {  	_ =	shalt  }
0x46: {  	_ =	shalt  }
0x47: {  	_ =	shalt  }
0x48: {  	_ =	shalt  }
0x49: {  	_ =	shalt  }
0x4a: {  	_ =	shalt  }
0x4b: {  	_ =	shalt  }
0x4c: {  	_ =	shalt  }
0x4d: {  	_ =	shalt  }
0x4e: {  	_ =	shalt  }
0x4f: {  	_ =	shalt  }
0x50: {  	_ =	shalt  }
0x51: {  	_ =	shalt  }
0x52: {  	_ =	shalt  }
0x53: {  	_ =	shalt  }
0x54: {  	_ =	shalt  }
0x55: {  	_ =	shalt  }
0x56: {  	_ =	shalt  }
0x57: {  	_ =	shalt  }
0x58: {  	_ =	shalt  }
0x59: {  	_ =	shalt  }
0x5a: {  	_ =	shalt  }
0x5b: {  	_ =	shalt  }
0x5c: {  	_ =	shalt  }
0x5d: {  	_ =	shalt  }
0x5e: {  	_ =	shalt  }
0x5f: {  	_ =	shalt  }
0x60: {  	_ =	shalt  }
0x61: {  	_ =	shalt  }
0x62: {  	_ =	shalt  }
0x63: {  	_ =	shalt  }
0x64: {  	_ =	shalt  }
0x65: {  	_ =	shalt  }
0x66: {  	_ =	shalt  }
0x67: {  	_ =	shalt  }
0x68: {  	_ =	shalt  }
0x69: {  	_ =	shalt  }
0x6a: {  	_ =	shalt  }
0x6b: {  	_ =	shalt  }
0x6c: {  	_ =	shalt  }
0x6d: {  	_ =	shalt  }
0x6e: {  	_ =	shalt  }
0x6f: {  	_ =	shalt  }
0x70: {  	_ =	shalt  }
0x71: {  	_ =	shalt  }
0x72: {  	_ =	shalt  }
0x73: {  	_ =	shalt  }
0x74: {  	_ =	shalt  }
0x75: {  	_ =	shalt  }
0x76: {  	_ =	shalt  }
0x77: {  	_ =	shalt  }
0x78: {  	_ =	shalt  }
0x79: {  	_ =	shalt  }
0x7a: {  	_ =	shalt  }
0x7b: {  	_ =	shalt  }
0x7c: {  	_ =	shalt  }
0x7d: {  	_ =	shalt  }
0x7e: {  	_ =	shalt  }
0x7f: {  	_ =	shalt  }
0x80: {  	_ =	shalt  }
0x81: {  	_ =	shalt  }
0x82: {  	_ =	shalt  }
0x83: {  	_ =	shalt  }
0x84: {  	_ =	shalt  }
0x85: {  	_ =	shalt  }
0x86: {  	_ =	shalt  }
0x87: {  	_ =	shalt  }
.Lfunc_end0:
.L_simem_size_0:
called_computation_lowered:
.L_overlay_start_0:
0x88: {  	s2 =	sld [smem:$0x3FD9]  }
0x89: {  	s3 =	sld [smem:$0x3FFE];
	_ =	sdelay $0x1  }
0x8a: {  	s1 =	srdreg.scid  }
0x8b: {  	s0 =	sand.u32 $0x1, s1  }
0x8c: {  	s14 =	sshll.u32 s0, $0xA;
	s2 =	sadd.s32 s3, s2  }
0x8d: {  	s2 =	sadd.s32 s2, s14  }
0x8e: {  	[smem:$0x3FBE] =	sst s2  }
0x8f: {  	_ = 	snop  }
0x90: {  	s2 =	sld [smem:$0x3FD0];
	_ =	sdelay $0x1  }
0x91: {  	s15 =	sld [smem:$0x3FC7]  }
0x92: {  	s5 =	simm.s32 $0xA;
	s6 =	simm.s32 $0x10;
	s4 =	sld [smem:$0x3FC5]  }
0x93: {  	[smem:s6], [sflag:s5] =	dma.local [hbm:s2], $0x1  }
0x94: {  	_ =	swait.eq [sflag:s5], $0x1  }
0x95: {  	[sflag:s5] =	ssyncset.done $0x0  }
0x96: {  	s16 =	sld [smem:$0x11];
	[sflag:s5] =	ssyncadd.s32 $0xFFFFFFFF  }
0x97: {  	s17 =	sld [smem:$0x12];
	(tm) =	ssettm $0x1  }
0x98: {  	s18 =	sld [smem:$0x3FFB];
	_ =	sdelay $0x3  }
0x99: {  	_ =	strace s18  }
0x9a: {  	s6 =	sld [smem:$0x3FFC];
	_ =	sdelay $0x3  }
0x9b: {  	_ =	strace s6  }
0x9c: {  	s6 =	sld [smem:$0x3FFD];
	_ =	sdelay $0x3  }
0x9d: {  	_ =	strace s6  }
0x9e: {  	_ =	strace $0x8FFFFFFF  }
0x9f: {  	s19 =	sld [smem:$0x3FDB];
	_ =	sdelay $0x1  }
0xa0: {  	s7 =	simm.s32 $_scs_section_size  }
0xa1: {  	s8 =	simm.s32 $_size__tile_overlayer_lowered;
	s9 =	simm.s32 $_tile_overlayer_lowered  }
0xa2: {  	s22 =	simm.s32 $0x1BFF;
	s21 =	sshll.u32 s9, $0x1;
	s6 =	sadd.s32 s7, s19  }
0xa3: {  	s10 =	simm.s32 $0x0;
	s20 =	sshll.u32 s8, $0x1;
	s8 =	sadd.s32 s21, s6  }
0xa4: {  	[timem:s10], [sflag:s22] =	dma.local [hbm:s8], s20  }
0xa5: {  	_ =	swait.ge [sflag:s22], s20  }
0xa6: {  	s7 =	ssub.s32 $0x0, s20;
	[sflag:s22] =	ssyncset.done $0x0  }
0xa7: {  	[sflag:s22] =	ssyncadd.s32 s7;
	_ =	sdelay $0x1  }
0xa8: {  	s23 =	simm.s32 $0x1B8B  }
0xa9: {  	_ =	swait.ge [sflag:s23], $0x1  }
0xaa: {  	[sflag:s23] =	ssyncset.done $0x0  }
0xab: {  	s25 =	simm.s32 $0x1B8E;
	s24 =	sld [smem:$0x3FFE];
	[sflag:s23] =	ssyncadd.s32 $0xFFFFFFFF  }
0xac: {  	s26 =	simm.s32 $execute0_lowered;
	[smem:$0x3FD2] =	sst s25  }
0xad: {  	s8 =	sshll.u32 s26, $0x1;
	_ =	strace $0x80000046;
	[dreg:$0x1] =	wrdreg $0xFFFFFFFF  }
0xae: {  	s28 =	simm.s32 $_size_execute0_lowered;
	s6 =	sadd.s32 s6, s8;
	[dreg:$0x0] =	wrdreg $0x0  }
0xaf: {  	s8 =	sshll.u32 s28, $0x1;
	[dreg:$0x2] =	wrdreg s6  }
0xb0: {  	[dreg:$0x3] =	wrdreg s8  }
0xb1: {  	[dreg:$0x4] =	wrdreg $0xC0  }
0xb2: {  	_ =	task [dreg:s10], $0x5FFFF  }
0xb3: {  	[dreg:$0x1] =	wrdreg $0xFFFFFFFF  }
0xb4: {  	[dreg:$0x0] =	wrdreg $0x60  }
0xb5: {  	[dreg:$0x2] =	wrdreg s24  }
0xb6: {  	[dreg:$0x3] =	wrdreg s15  }
0xb7: {  	[dreg:$0x4] =	wrdreg s16  }
0xb8: {  	[dreg:$0x5] =	wrdreg s4  }
0xb9: {  	[dreg:$0x6] =	wrdreg s17  }
0xba: {  	[dreg:$0x7] =	wrdreg $0x9  }
0xbb: {  	_ =	task.clear_ibuf [dreg:s10], $0x8FFFF;
	_ =	strace $0x90000046  }
0xbc: {  	s29 =	simm.s32 $0x9;
	_ =	strace $0x80000048  }
0xbd: {  	_ =	swait.ge [sflag:s29], $0x1  }
0xbe: {  	[sflag:s29] =	ssyncadd.s32 $0xFFFFFFFF  }
0xbf: {  	_ =	strace $0x90000048  }
0xc0: {  	_ =	sfence  }
0xc1: {  	s30 =	sld [smem:$0x0];
	_ =	sdelay $0x2  }
0xc2: {  	s31 =	sshll.u32 s1, $0xD;
	s1 =	sshrl.u32 s1, $0x2  }
0xc3: {  	s3 =	sand.u32 $0x4000, s31;
	s1 =	sadd.s32 s1, s30  }
0xc4: {  	s0 =	sor.u32 s3, s0;
	s1 =	sshll.u32 s1, $0x11  }
0xc5: {  	s0 =	sor.u32 s1, s0  }
0xc6: {  	s0 =	sadd.s32 $0x8F2B, s0  }
0xc7: {  	[sflag:s0] =	ssyncadd.remote.s32 $0x1  }
0xc8: {  	_ =	sfence.sel $0xFFFF  }
0xc9: {  	[dreg:$0x0] =	wrdreg $0xFFFFFFFF;
	(pc) =	sbr.abs _section_cstart, $3  }
0xca: {  	[dreg:$0x1] =	wrdreg $0xFFFFFFFF  }
0xcb: {  	_ =	task.clear_ibuf [dreg:s10], $0x2FFFF;
	_ =	strace $0x9FFFFFFF  }
0xcc: {  	(tm) =	ssettm $0x7FFFFFFF  }
0xcd: {  	_ =	shalt  }
tec
execute0_lowered:
.L_overlay_start_1:
0x0: {  	(tag) =	ssettag $0x1  }
0x1: {  	s1 =	srdreg.scid  }
0x2: {  	s6 =	sand.u32 $0x1, s1;
	s1 =	stileid.u32  }
0x3: {  	s8 =	sor.u32 s1, s6  }
0x4: {  	s7 =	rddreg [dreg:$0x0];
	p0 =	sne.s32 s8, $0x0  }
.Ltmp0:
0x5: {  	s0 =	rddreg [dreg:$0x1];
	(pc) =	sbr.rel @p0 .LBB2_7-.Ltmp0, $4  }
0x6: {  	s2 =	rddreg [dreg:$0x2]  }
0x7: {  	s4 =	rddreg [dreg:$0x3]  }
0x8: {  	s5 =	rddreg [dreg:$0x4]  }
0x9: {  	s3 =	rddreg [dreg:$0x5];
	_ =	strace $0x80000047  }
0xa: {  	v0 =	vimm.s32 $0xEFCDAB89;
	v1 =	vimm.s32 $0x67452301  }
0xb: {  	v2 =	vimm.s32 $0xDCFE98BA;
	v3 =	vimm.s32 $0x54761032;
	v4 =	vimm.s32 $0xBA98FEDC  }
0xc: {  	v5 =	vimm.s32 $0x32107654;
	v6 =	vimm.s32 $0xFEDCBA98;
	v7 =	vimm.s32 $0x76543210  }
0xd: {  	vm0 =	vcmask $0x308;
	v0 =	vunpack.c.l.s4.s8 v0;
	v1 =	vunpack.c.l.s4.s8 v1  }
0xe: {  	v2 =	vunpack.c.l.s4.s8 v2;
	v3 =	vunpack.c.l.s4.s8 v3;
	v4 =	vunpack.c.l.s4.s8 v4  }
0xf: {  	v5 =	vunpack.c.l.s4.s8 v5;
	v6 =	vunpack.c.l.s4.s8 v6;
	v7 =	vunpack.c.l.s4.s8 v7  }
0x10: {  	v0 =	vunpack.c.0.s8.s32 v0;
	v1 =	vunpack.c.0.s8.s32 v1;
	v2 =	vunpack.c.0.s8.s32 v2  }
0x11: {  	v3 =	vunpack.c.0.s8.s32 v3;
	v4 =	vunpack.c.0.s8.s32 v4;
	v5 =	vunpack.c.0.s8.s32 v5  }
0x12: {  	vm1 =	vmneg vm0;
	v0 =	vcombine.low v1, v0;
	v1 =	vunpack.c.0.s8.s32 v6  }
0x13: {  	s8 =	ssub.s32 $0x2, s6;
	s6 =	sadd.s32 $0x1600, s7;
	v2 =	vcombine.low v3, v2;
	v3 =	vcombine.low v5, v4;
	v4 =	vunpack.c.0.s8.s32 v7  }
0x14: {  	s7 =	sadd.s32 $0x1800, s7;
	s10 =	simm.s32 $0x1;
	s11 =	simm.s32 $0x800;
	v6 =	vimm.s32 $0x2;
	v7 =	vimm.s32 $0x3;
	v0 =	vand.u32 $0xF, v0  }
0x15: {  	s12 =	simm.s32 $0x2800;
	s13 =	simm.s32 $0x2880;
	s9 =	sshrl.u32 s8, $0x1;
	v5 =	vand.u32 $0xF, v1;
	v1 =	vand.u32 $0xF, v2;
	v2 =	vand.u32 $0xF, v3  }
0x16: {  	s14 =	simm.s32 $0x0;
	s8 =	ssub.s32 s8, s9;
	s9 =	simm.s32 $0x0;
	v3 =	vcombine.low v5, v4;
	v4 =	vimm.s32 $0x0;
	v5 =	vimm.s32 $0x1  }
.LBB2_2:
0x17: {  	[tilespmem:s9], [sflag:$0x1] =	stream.linear.gather [hbm4b:s6+s9], $0x800, $0x38;
	[tilespmem:$0x2900] =	vst v63  }
0x18: {  	_ =	swait.ge [sflag:s10], $0x800  }
0x19: {  	[sflag:s10] =	ssyncset.done $0x0  }
0x1a: {  	[sflag:s10] =	ssyncadd.s32 $0xFFFFF800  }
0x1b: {  	[tilespmem:s11], [sflag:$0x1] =	stream.linear.gather [hbm4b:s0+s9], $0x2000, $0x38;
	[tilespmem:$0x2900] =	vst v63  }
0x1c: {  	_ =	swait.ge [sflag:s10], $0x2000  }
0x1d: {  	[sflag:s10] =	ssyncset.done $0x0  }
0x1e: {  	[sflag:s10] =	ssyncadd.s32 $0xFFFFE000  }
0x1f: {  	[tilespmem:s12], [sflag:$0x1] =	stream.linear.gather [hbm4b:s2+s9], $0x80, $0x38;
	[tilespmem:$0x2900] =	vst v63  }
0x20: {  	_ =	swait.ge [sflag:s10], $0x80  }
0x21: {  	s15 =	sand.u32 $0x70, s9;
	[sflag:s10] =	ssyncset.done $0x0  }
0x22: {  	s16 =	simm.s32 $0x0;
	s17 =	sand.u32 $0x1E00, s9;
	[sflag:s10] =	ssyncadd.s32 $0xFFFFFF80  }
0x23: {  	s15 =	sor.u32 s15, s17;
	v14 =	vld [tilespmem:s16+$0x0]  }
0x24: {  	v9 =	vld [tilespmem:s15+$0x980]  }
0x25: {  	v12 =	vld [tilespmem:s15+$0x800]  }
0x26: {  	v13 =	vld [tilespmem:s15+$0x880]  }
0x27: {  	v17 =	vld [tilespmem:s15+$0x900]  }
0x28: {  	s28 =	simm.s32 $0x10;
	s29 =	simm.s32 $0x40  }
0x29: {  	s31 =	simm.s32 $0x10;
	s30 =	sand.u32 $0x70, s28;
	s17 =	sand.u32 $0x1E00, s29  }
0x2a: {  	v8 =	vld [tilespmem:s31+$0x0];
	s15 =	sor.u32 s30, s17  }
0x2b: {  	v10 =	vld [tilespmem:s15+$0x980];
	v9 =	vmul.f32 v9, v14;
	v18 =	vmul.f32 v12, v14  }
0x2c: {  	v11 =	vimm.f32 $0.0e+00;
	v12 =	vld [tilespmem:s15+$0x800];
	v16 =	vmul.f32 v13, v14;
	v17 =	vmul.f32 v17, v14  }
0x2d: {  	s16 =	simm.s32 $0x20;
	s17 =	simm.s32 $0x80;
	v15 =	vld [tilespmem:s15+$0x880];
	v14 =	vimm.f32 $0.0e+00;
	v9 =	vadd.f32 v9, v11;
	v13 =	vadd.f32 v18, v11  }
.LBB2_3:
0x2e: {  	s18 =	sand.u32 $0x70, s16;
	s19 =	sshra.s32 s17, $0x2;
	v18 =	vld [tilespmem:s15+$0x900];
	v11 =	vadd.f32 v16, v11;
	p0 =	sne.s32 s16, $0x7F0  }
.Ltmp1:
0x2f: {  	s15 =	sand.u32 $0x1E00, s17;
	s16 =	sadd.s32 $0x10, s16;
	v14 =	vadd.f32 v17, v14;
	(pc) =	sbr.rel @p0 .LBB2_3-.Ltmp1, $4  }
0x30: {  	s15 =	sor.u32 s18, s15;
	v19 =	vmov v8;
	v17 =	vmul.f32 v10, v8;
	v8 =	vld [tilespmem:s19+$0x0]  }
0x31: {  	v10 =	vld [tilespmem:s15+$0x980];
	v20 =	vmul.f32 v12, v19  }
0x32: {  	v12 =	vld [tilespmem:s15+$0x800];
	v16 =	vmul.f32 v15, v19;
	v9 =	vadd.f32 v17, v9  }
0x33: {  	s17 =	sadd.s32 $0x40, s17;
	v15 =	vld [tilespmem:s15+$0x880];
	v13 =	vadd.f32 v20, v13;
	v17 =	vmul.f32 v18, v19  }
0x34: {  	v18 =	vld [tilespmem:s15+$0x900];
	_ =	sdelay $0x2  }
0x35: {  	v12 =	vmul.f32 v12, v8  }
0x36: {  	s26 =	simm.s32 $0x0  }
0x37: {  	v12 =	vadd.f32 v12, v13;
	v13 =	vmul.f32 v18, v8;
	v18 =	vld [tilespmem:$0x2800];
	[tilespmem:s11], [sflag:$0x1] =	stream.linear.gather [hbm4b:s4+s26], $0x2000, $0x38  }
0x38: {  	v11 =	vadd.f32 v16, v11;
	v14 =	vadd.f32 v17, v14;
	v15 =	vmul.f32 v15, v8;
	_ =	swait.ge [sflag:s10], $0x2000  }
0x39: {  	v8 =	vmul.f32 v10, v8;
	[sflag:s10] =	ssyncset.done $0x0  }
0x3a: {  	v11 =	vadd.f32 v15, v11;
	v10 =	vadd.f32 v13, v14;
	v13 =	vperm.xlane v12, v0;
	[sflag:s10] =	ssyncadd.s32 $0xFFFFE000  }
0x3b: {  	[tilespmem:s12], [sflag:$0x1] =	stream.linear.gather [hbm4b:s5+s26], $0x80, $0x38;
	[tilespmem:$0x2900] =	vst v63  }
0x3c: {  	v8 =	vadd.f32 v8, v9;
	v14 =	vperm.xlane v11, v0;
	v9 =	vadd.f32 v13, v12;
	_ =	swait.ge [sflag:s10], $0x80  }
0x3d: {  	s17 =	simm.s32 $0x0;
	v12 =	vperm.xlane v10, v0;
	[sflag:s10] =	ssyncset.done $0x0  }
0x3e: {  	s16 =	sand.u32 $0x70, s26;
	s15 =	sand.u32 $0x1E00, s26;
	v11 =	vadd.f32 v14, v11;
	v13 =	vperm.xlane v9, v1;
	[sflag:s10] =	ssyncadd.s32 $0xFFFFFF80  }
0x3f: {  	s15 =	sor.u32 s16, s15;
	v10 =	vadd.f32 v12, v10;
	v12 =	vperm.xlane v8, v0;
	v27 =	vld [tilespmem:s17+$0x0]  }
0x40: {  	v14 =	vperm.xlane v11, v1;
	v9 =	vadd.f32 v13, v9;
	v19 =	vld [tilespmem:s15+$0x980]  }
0x41: {  	v13 =	vperm.xlane v10, v1;
	v12 =	vadd.f32 v12, v8;
	v22 =	vld [tilespmem:s15+$0x800]  }
0x42: {  	v23 =	vld [tilespmem:s15+$0x880];
	v11 =	vadd.f32 v14, v11;
	v8 =	vperm.xlane v9, v2  }
0x43: {  	v29 =	vld [tilespmem:s15+$0x900];
	v10 =	vadd.f32 v13, v10;
	v13 =	vperm.xlane v12, v1  }
0x44: {  	v21 =	vimm.f32 $0.0e+00;
	v14 =	vperm.xlane v11, v2;
	v8 =	vadd.f32 v8, v9  }
0x45: {  	v15 =	vperm.xlane v10, v2;
	v17 =	vadd.f32 v13, v12;
	v12 =	vperm.xlane v18, v4  }
0x46: {  	s28 =	simm.s32 $0x10;
	s29 =	simm.s32 $0x40;
	v13 =	vperm.xlane v18, v5;
	v9 =	vadd.f32 v14, v11;
	v26 =	vmul.f32 v19, v27  }
0x47: {  	s31 =	simm.s32 $0x10;
	s30 =	sand.u32 $0x70, s28;
	s17 =	sand.u32 $0x1E00, s29;
	v30 =	vmul.f32 v22, v27;
	v10 =	vadd.f32 v15, v10;
	v15 =	vperm.xlane v17, v2  }
0x48: {  	v20 =	vld [tilespmem:s31+$0x0];
	s15 =	sor.u32 s30, s17;
	v28 =	vmul.f32 v23, v27;
	v29 =	vmul.f32 v29, v27;
	v27 =	vimm.f32 $0.0e+00  }
0x49: {  	v24 =	vld [tilespmem:s15+$0x980];
	v11 =	vperm.xlane v8, v3;
	v14 =	vperm.xlane v9, v3;
	v15 =	vadd.f32 v15, v17  }
0x4a: {  	v25 =	vld [tilespmem:s15+$0x800];
	v22 =	vadd.f32 v26, v21;
	v16 =	vperm.xlane v10, v3;
	v17 =	vperm.xlane v18, v6  }
0x4b: {  	s16 =	simm.s32 $0x20;
	s17 =	simm.s32 $0x80;
	v26 =	vld [tilespmem:s15+$0x880];
	v23 =	vadd.f32 v30, v21;
	v18 =	vperm.xlane v18, v7;
	v19 =	vperm.xlane v15, v3  }
.LBB2_5:
0x4c: {  	s18 =	sand.u32 $0x70, s16;
	s19 =	sshra.s32 s17, $0x2;
	v30 =	vld [tilespmem:s15+$0x900];
	v21 =	vadd.f32 v28, v21;
	p0 =	sne.s32 s16, $0x7F0  }
.Ltmp2:
0x4d: {  	s15 =	sand.u32 $0x1E00, s17;
	s16 =	sadd.s32 $0x10, s16;
	v27 =	vadd.f32 v29, v27;
	(pc) =	sbr.rel @p0 .LBB2_5-.Ltmp2, $4  }
0x4e: {  	s15 =	sor.u32 s18, s15;
	v31 =	vmov v20;
	v29 =	vmul.f32 v24, v20;
	v20 =	vld [tilespmem:s19+$0x0]  }
0x4f: {  	v24 =	vld [tilespmem:s15+$0x980];
	v32 =	vmul.f32 v25, v31  }
0x50: {  	v25 =	vld [tilespmem:s15+$0x800];
	v28 =	vmul.f32 v26, v31;
	v22 =	vadd.f32 v29, v22  }
0x51: {  	s17 =	sadd.s32 $0x40, s17;
	v26 =	vld [tilespmem:s15+$0x880];
	v23 =	vadd.f32 v32, v23;
	v29 =	vmul.f32 v30, v31  }
0x52: {  	v21 =	vadd.f32 v28, v21;
	v8 =	vadd.f32 v11, v8  }
0x53: {  	v30 =	vld [tilespmem:s15+$0x900];
	v9 =	vadd.f32 v14, v9;
	v10 =	vadd.f32 v16, v10  }
0x54: {  	v31 =	vadd.f32 v19, v15;
	v27 =	vadd.f32 v29, v27  }
0x55: {  	v44 =	vld [tilespmem:$0x2800];
	v24 =	vmul.f32 v24, v20;
	v8 =	vadd.f32 v12, v8;
	v9 =	vadd.f32 v13, v9  }
0x56: {  	v10 =	vadd.f32 v17, v10;
	v12 =	vadd.f32 v18, v31  }
0x57: {  	v25 =	vmul.f32 v25, v20;
	v26 =	vmul.f32 v26, v20;
	v22 =	vadd.f32 v24, v22  }
0x58: {  	v8 =	vmax.f32 v8, $0.0e+00;
	v9 =	vmax.f32 v9, $0.0e+00;
	v30 =	vmul.f32 v30, v20  }
0x59: {  	v10 =	vmax.f32 v10, $0.0e+00;
	v12 =	vmax.f32 v12, $0.0e+00;
	v23 =	vadd.f32 v25, v23  }
0x5a: {  	v50 =	vperm.xlane v44, v4;
	v21 =	vadd.f32 v26, v21;
	v11 =	vadd.f32 v30, v27  }
0x5b: {  	v8 =	vmax.f32 v8, v9;
	v36 =	vperm.xlane v22, v0;
	v32 =	vperm.xlane v23, v0  }
0x5c: {  	v10 =	vmax.f32 v10, v12;
	v33 =	vperm.xlane v21, v0;
	v34 =	vperm.xlane v11, v0  }
0x5d: {  	v52 =	vperm.xlane v44, v5;
	v13 =	vadd.f32 v36, v22;
	v35 =	vadd.f32 v32, v23  }
0x5e: {  	v38 =	vmax.f32 v8, v10;
	v37 =	vadd.f32 v33, v21;
	v11 =	vadd.f32 v34, v11  }
0x5f: {  	v8 =	vsub.f32 v8, v38;
	v42 =	vperm.xlane v13, v1;
	v39 =	vperm.xlane v35, v1  }
0x60: {  	v10 =	vsub.f32 v10, v38;
	v40 =	vperm.xlane v37, v1;
	v41 =	vperm.xlane v11, v1  }
0x61: {  	v8 =	vmul.f32 $1.442695020e+00, v8;
	v13 =	vadd.f32 v42, v13;
	v9 =	vadd.f32 v39, v35  }
0x62: {  	v10 =	vmul.f32 $1.442695020e+00, v10;
	v12 =	vadd.f32 v40, v37;
	v11 =	vadd.f32 v41, v11  }
0x63: {  	v45 =	vperm.xlane v13, v2;
	v43 =	vperm.xlane v9, v2  }
0x64: {  	v16 =	vperm.xlane v12, v2;
	v17 =	vperm.xlane v11, v2  }
0x65: {  	(erf) = vpow2.f32 v8;
	v47 =	vadd.f32 v45, v13;
	v9 =	vadd.f32 v43, v9  }
0x66: {  	(erf) = vpow2.f32 v10;
	v8 =	vadd.f32 v16, v12;
	v11 =	vadd.f32 v17, v11  }
0x67: {  	v51 =	vperm.xlane v47, v3;
	v46 =	vperm.xlane v9, v3  }
0x68: {  	v48 =	vperm.xlane v8, v3;
	v49 =	vperm.xlane v11, v3  }
0x69: {  	v15 =	vperm.xlane v44, v7;
	v12 =	vadd.f32 v51, v47;
	v9 =	vadd.f32 v46, v9  }
0x6a: {  	v53 =	vperm.xlane v44, v6;
	v8 =	vadd.f32 v48, v8;
	v11 =	vadd.f32 v49, v11  }
0x6b: {  	v55 =	vadd.f32 v15, v12;
	v9 =	vadd.f32 v50, v9  }
0x6c: {  	v8 =	vadd.f32 v52, v8;
	v54 =	vadd.f32 v53, v11  }
0x6d: {  	v9 =	vmax.f32 v9, $0.0e+00  }
0x6e: {  	v11 =	vmax.f32 v55, $0.0e+00;
	v8 =	vmax.f32 v8, $0.0e+00;
	v10 =	vmax.f32 v54, $0.0e+00  }
0x6f: {  	v8 =	vmax.f32 v9, v8;
	v56 =	vmax.f32 v10, v11  }
0x70: {  	v57 =	vpop (erf);
	v11 =	vmax.f32 v8, v56  }
0x71: {  	v58 =	vpop (erf);
	v8 =	vsub.f32 v8, v11  }
0x72: {  	v59 =	vadd.f32 v58, v57;
	v9 =	vsub.f32 v56, v11  }
0x73: {  	v8 =	vmul.f32 $1.442695020e+00, v8  }
0x74: {  	(erf) = vrcp.f32 v59;
	v9 =	vmul.f32 $1.442695020e+00, v9  }
0x75: {  	(erf) = vpow2.f32 v8  }
0x76: {  	(erf) = vpow2.f32 v9;
	_ =	sdelay $0x6  }
0x77: {  	v8 =	vpop (erf)  }
0x78: {  	v60 =	vpop (erf)  }
0x79: {  	v61 =	vpop (erf)  }
0x7a: {  	v62 =	vadd.f32 v61, v60;
	_ =	sdelay $0x1  }
0x7b: {  	(erf) = vrcp.f32 v62;
	_ =	sdelay $0x8  }
0x7c: {  	v10 =	vmul.f32 v8, v57;
	v8 =	vmul.f32 v8, v58;
	v63 =	vpop (erf)  }
0x7d: {  	v9 =	vmul.f32 v63, v60;
	v11 =	vmul.f32 v63, v61;
	_ =	sdelay $0x1  }
0x7e: {  	vm2 =	vge.f32 v10, v8;
	vm3 =	vge.f32 v9, v11  }
0x7f: {  	vm2 =	vmneg vm2;
	vm3 =	vmneg vm3  }
0x80: {  	vm2 =	vmand vm2, vm0;
	vm3 =	vmand vm1, vm3  }
0x81: {  	s14 =	sadd.s32 $0x1, s14;
	vm2 =	vmor vm2, vm3  }
0x82: {  	p0 =	sne.s32 s14, s8;
	v8 =	vsel vm2, $0x1, v4  }
.Ltmp3:
0x83: {  	[tilespmem:$0x2880] =	vst v8;
	(pc) =	sbr.rel @p0 .LBB2_2-.Ltmp3, $4  }
0x84: {  	[hbm4b:s7+s9] =	stream.linear.scatter [tilespmem:s13], [sflag:$0x1], $0x80, $0x38;
	[tilespmem:$0x2900] =	vst v63  }
0x85: {  	_ =	swait.ge [sflag:s10], $0x80  }
0x86: {  	[sflag:s10] =	ssyncset.done $0x0  }
0x87: {  	[sflag:s10] =	ssyncadd.s32 $0xFFFFFF80  }
.LBB2_7:
0x88: {  	_ =	sfence.sel $0x180000  }
0x89: {  	[bflag:$0x0] =	sbarrier.arrive $0xFFFF  }
0x8a: {  	p0 =	sne.s32 s1, $0x0;
	_ =	strace $0x90000047  }
0x8b: {  	s0 =	sadd.s32 @!p0 $0x100000, s3;
	[bflag:$0x2] =	sbarrier.arrive $0xFFFF  }
0x8c: {  	[sflag:s0] =	ssyncadd.tile.s32 @!p0 $0x1;
	_ =	shalt  }
.Lfunc_end2:
_tile_overlayer_lowered:
.L_overlay_start_2:
0x8d: {  	(tag) =	ssettag $0x2  }
0x8e: {  	s0 =	rddreg [dreg:$0x0];
	s2 =	stileid.u32  }
0x8f: {  	s1 =	rddreg [dreg:$0x1];
	p0 =	sne.s32 s2, $0x0  }
0x90: {  	s3 =	rddreg [dreg:$0x2];
	[bflag:$0x3] =	sbarrier.arrive $0xFFFF;
	s2 =	simm.s32 @!p0 $0x1C01  }
0x91: {  	[timem:s3], [sflag:s2] =	dma.local @!p0 [hbm:s0], s1  }
0x92: {  	s0 =	simm.s32 @!p0 $0x1  }
0x93: {  	_ =	swait.ge @!p0 [sflag:s0], s1  }
0x94: {  	s1 =	ssub.s32 @!p0 $0x0, s1;
	[sflag:s0] =	ssyncset.done @!p0 $0x0  }
0x95: {  	[sflag:s0] =	ssyncadd.s32 @!p0 s1  }
0x96: {  	[bflag:$0x3] =	sbarrier.arrive $0xFFFF  }
0x97: {  	_ =	shalt  }

</sc_bundles>
